<compile_context>
chip_gen: v7x
topology: tpu7x:2x2x1
jax: 0.10.2.dev20260603
libtpu: 0.0.44.dev20260713+nightly
codegen_flags: <defaults>
</compile_context>

<pallas_src>
import functools

import jax
import jax.numpy as jnp
from jax import lax
from jax.experimental import pallas as pl
from jax.experimental.pallas import tpu as pltpu
from jax.experimental.pallas import tpu_sc as plsc

_IN_C = 128
_OUT_C = 128
_K = 15
_SIGMA = 1.0
_H = 32
_DP = 16


_D = _IN_C + _DP


def _sc_gather(feats, coords, idx, B, chunk):
    info = plsc.get_sparse_core_info()
    NC, NS = info.num_cores, info.num_subcores
    NW = NC * NS
    b_per_w = B // NW
    n_chunks = b_per_w // chunk
    mesh = plsc.VectorSubcoreMesh(core_axis_name="c", subcore_axis_name="s")

    @functools.partial(
        pl.kernel,
        mesh=mesh,
        out_type=(
            jax.ShapeDtypeStruct((B, _IN_C), jnp.float32),
            jax.ShapeDtypeStruct((B, _DP), jnp.float32),
        ),
        scratch_types=[
            pltpu.VMEM((2, chunk), jnp.int32),
            pltpu.VMEM((2, chunk, _IN_C), jnp.float32),
            pltpu.VMEM((2, chunk, _DP), jnp.float32),
            pltpu.SemaphoreType.DMA,
            pltpu.SemaphoreType.DMA,
            pltpu.SemaphoreType.DMA,
            pltpu.SemaphoreType.DMA,
        ],
        compiler_params=pltpu.CompilerParams(use_tc_tiling_on_sc=False),
    )
    def gather_k(f_hbm, c_hbm, idx_hbm, fo_hbm, co_hbm,
                 idx_v, frows_v, crows_v, fs0, cs0, fs1, cs1):
        wid = lax.axis_index("s") * NC + lax.axis_index("c")
        base = wid * b_per_w
        fsems = (fs0, fs1)
        csems = (cs0, cs1)

        def start(b, j):
            off = base + j * chunk
            pltpu.sync_copy(idx_hbm.at[pl.ds(off, chunk)], idx_v.at[b])
            pltpu.async_copy(f_hbm.at[idx_v.at[b]], frows_v.at[b], fsems[b])
            pltpu.async_copy(c_hbm.at[idx_v.at[b]], crows_v.at[b], csems[b])

        def finish(b, j):
            off = base + j * chunk
            pltpu.make_async_copy(
                f_hbm.at[idx_v.at[b]], frows_v.at[b], fsems[b]).wait()
            pltpu.make_async_copy(
                c_hbm.at[idx_v.at[b]], crows_v.at[b], csems[b]).wait()
            pltpu.sync_copy(frows_v.at[b], fo_hbm.at[pl.ds(off, chunk)])
            pltpu.sync_copy(crows_v.at[b], co_hbm.at[pl.ds(off, chunk)])

        start(0, 0)
        def body(jj, carry):
            j = jj * 2
            start(1, j + 1)
            finish(0, j)
            start(0, j + 2)
            finish(1, j + 1)
            return carry

        lax.fori_loop(0, n_chunks // 2 - 1, body, 0)
        j_last = n_chunks - 2
        start(1, j_last + 1)
        finish(0, j_last)
        finish(1, j_last + 1)

    return gather_k(feats, coords, idx)


def _tc_body(ft_ref, px_ref, py_ref, pz_ref, qt_ref, kp_ref, wt_ref, o_ref):
    mb = o_ref.shape[1]
    px = px_ref[...] - qt_ref[0, :][None, :]
    py = py_ref[...] - qt_ref[1, :][None, :]
    pz = pz_ref[...] - qt_ref[2, :][None, :]

    def k_step(k, acc):
        dx = px - kp_ref[k, 0]
        dy = py - kp_ref[k, 1]
        dz = pz - kp_ref[k, 2]
        d2 = dx * dx + dy * dy + dz * dz
        infl = jnp.maximum(1.0 - jnp.sqrt(d2) * (1.0 / _SIGMA), 0.0)
        parts = []
        for mt in range(0, mb, 128):
            wf = jnp.zeros((_IN_C, 128), dtype=jnp.float32)
            for h in range(_H):
                wf = wf + (infl[h, mt:mt + 128][None, :]
                           * ft_ref[h, :, mt:mt + 128])
            parts.append(wf)
        wf_full = jnp.concatenate(parts, axis=1)
        return acc + jnp.dot(wt_ref[k], wf_full,
                             preferred_element_type=jnp.float32)

    o_ref[...] = lax.fori_loop(
        0, _K, k_step, jnp.zeros((_OUT_C, mb), dtype=jnp.float32))


def _tc_compute(ft, px2, py2, pz2, qt, kp, wt, Mp, Mb):
    n_blocks = Mp // Mb
    coord_spec = pl.BlockSpec((_H, Mb), lambda i: (0, i))
    return pl.pallas_call(
        _tc_body,
        grid=(n_blocks,),
        in_specs=[
            pl.BlockSpec((_H, _IN_C, Mb), lambda i: (0, 0, i)),
            coord_spec,
            coord_spec,
            coord_spec,
            pl.BlockSpec((3, Mb), lambda i: (0, i)),
            pl.BlockSpec(memory_space=pltpu.SMEM),
            pl.BlockSpec((_K, _OUT_C, _IN_C), lambda i: (0, 0, 0)),
        ],
        out_specs=pl.BlockSpec((_OUT_C, Mb), lambda i: (0, i)),
        out_shape=jax.ShapeDtypeStruct((_OUT_C, Mp), jnp.float32),
    )(ft, px2, py2, pz2, qt, kp, wt)


def kernel(q_pts, s_pts, s_feats, neighb_inds, kernel_points, weights):
    M, H = neighb_inds.shape
    N = s_feats.shape[0]
    Mb = 512
    Mp = ((M + Mb - 1) // Mb) * Mb
    nb = Mp // Mb
    B = Mp * H

    coords = jnp.concatenate(
        [s_pts, jnp.zeros((N, _DP - 3), dtype=jnp.float32)], axis=1)
    inds_p = jnp.pad(neighb_inds, ((0, Mp - M), (0, 0)))
    idx = jnp.transpose(inds_p).reshape(B).astype(jnp.int32)
    gf, gc = _sc_gather(s_feats, coords, idx, B, chunk=256)

    gf3 = gf.reshape(H, Mp, _IN_C)
    gc3 = gc.reshape(H, Mp, _DP)
    ft = jnp.transpose(gf3, (0, 2, 1))
    px2 = gc3[:, :, 0]
    py2 = gc3[:, :, 1]
    pz2 = gc3[:, :, 2]
    q_p = jnp.pad(q_pts, ((0, Mp - M), (0, 0)))
    qt = jnp.transpose(q_p)
    wt = jnp.transpose(weights[:, 0, :, :], (0, 2, 1))
    out_t = _tc_compute(ft, px2, py2, pz2, qt, kernel_points, wt, Mp, Mb)
    return jnp.transpose(out_t)[:M]

# --- scband reference (transcript-rebuilt; emitter-appended) ---
"""Pipeline reference for scband-kpconv-17712445129349 (READ-ONLY COPY).

The authoritative reference and input builder live on the scoring server;
editing this copy changes nothing except your own understanding.
"""

import jax, jax.numpy as jnp
import numpy as np

IN_C = 128
OUT_C = 128
K = 15
RADIUS = 1.5
SIGMA = 1.0
INF = 1e6
N = 10000
H = 32


def _kernel_points():
    # 1 fixed center point + 14 points on a fibonacci-sphere shell (deterministic).
    # Approximates load_kernels(RADIUS, shell_sizes=[1, 14], dimension=3, fixed='center').
    n = 14
    i = np.arange(n, dtype=np.float64)
    phi = np.pi * (3.0 - np.sqrt(5.0))
    y = 1.0 - 2.0 * (i + 0.5) / n
    r = np.sqrt(np.maximum(0.0, 1.0 - y * y))
    theta = phi * i
    pts = np.stack([r * np.cos(theta), y, r * np.sin(theta)], axis=1)
    shell = pts * (RADIUS * 0.66)
    kp = np.concatenate([np.zeros((1, 3)), shell], axis=0)
    return jnp.asarray(kp, dtype=jnp.float32)


def setup_inputs(seed: int = 0):
    key = jax.random.key(seed)
    k1, k2, k3, k4, k5 = jax.random.split(key, 5)
    q_pts = jax.random.normal(k1, (N, 3), dtype=jnp.float32) * RADIUS
    s_pts = q_pts + jax.random.normal(k2, (N, 3), dtype=jnp.float32) * (0.1 * RADIUS)
    s_feats = jax.random.normal(k3, (N, IN_C), dtype=jnp.float32)
    neighb_inds = jax.random.randint(k4, (N, H), 0, N)
    # learned params: rigid KPConv weights (K, groups=1, C_in, C_out), kaiming-uniform-ish
    fan_in = IN_C
    bound = float(np.sqrt(6.0 / ((1.0 + 5.0) * fan_in)))
    weights = jax.random.uniform(k5, (K, 1, IN_C, OUT_C), dtype=jnp.float32, minval=-bound, maxval=bound)
    kernel_points = _kernel_points()
    return {
        'q_pts': q_pts,
        's_pts': s_pts,
        's_feats': s_feats,
        'neighb_inds': neighb_inds,
        'kernel_points': kernel_points,
        'weights': weights,
    }


def reference(q_pts, s_pts, s_feats, neighb_inds, kernel_points, weights):
    # --- get_neighbors_influences (computed under torch.no_grad in the original) ---
    # pad support points with a far-away shadow point
    s_pts_pad = jnp.concatenate([s_pts, jnp.full((1, 3), INF, dtype=s_pts.dtype)], axis=0)
    neighbors = jnp.take(s_pts_pad, neighb_inds, axis=0)              # (M, H, 3)
    neighbors = neighbors - q_pts[:, None, :]                          # center on query
    differences = neighbors[:, :, None, :] - kernel_points[None, None, :, :]  # (M, H, K, 3)
    sq_distances = jnp.sum(differences ** 2, axis=3)                   # (M, H, K)
    # influence_mode == 'linear'
    influence_weights = jnp.maximum(1.0 - jnp.sqrt(sq_distances) / SIGMA, 0.0)
    # aggregation_mode == 'sum', gather_mode False -> transpose to (M, K, H)
    influence_weights = jnp.transpose(influence_weights, (0, 2, 1))
    influence_weights = jax.lax.stop_gradient(influence_weights)

    # --- feature gather with zero shadow feature ---
    s_feats_pad = jnp.concatenate(
        [s_feats, jnp.zeros((1, s_feats.shape[1]), dtype=s_feats.dtype)], axis=0)
    neighbor_feats = jnp.take(s_feats_pad, neighb_inds, axis=0)        # (M, H, C)

    # --- apply kernel-point influences ---
    weighted_feats = jnp.matmul(influence_weights, neighbor_feats)     # (M, K, C)

    # --- apply convolution weights (groups == 1) and sum over kernel points ---
    W = weights[:, 0, :, :]                                            # (K, C, O)
    output_feats = jnp.einsum('mkc,kco->mo', weighted_feats, W)        # (M, O)
    return output_feats

if __name__ == "__main__":
    import jax
    _d = setup_inputs()
    print(jax.jit(kernel)(*tuple(_d.values())))

</pallas_src>

<mosaic_0001>
#map = affine_map<(d0, d1) -> (0, 0)>
#map1 = affine_map<(d0, d1) -> (0)>
module attributes {stable_mosaic.version = 14 : i64} {
  func.func @gather_k(%arg0: i32, %arg1: i32, %arg2: memref<10000x128xf32, #tpu.memory_space<hbm>>, %arg3: memref<10000x16xf32, #tpu.memory_space<hbm>>, %arg4: memref<327680xi32, #tpu.memory_space<hbm>>, %arg5: memref<327680x128xf32, #tpu.memory_space<hbm>>, %arg6: memref<327680x16xf32, #tpu.memory_space<hbm>>, %arg7: memref<2x256xi32, #tpu.memory_space<vmem>>, %arg8: memref<2x256x128xf32, #tpu.memory_space<vmem>>, %arg9: memref<2x256x16xf32, #tpu.memory_space<vmem>>, %arg10: memref<!tpu.dma_semaphore, #tpu.memory_space<semaphore_mem>>, %arg11: memref<!tpu.dma_semaphore, #tpu.memory_space<semaphore_mem>>, %arg12: memref<!tpu.dma_semaphore, #tpu.memory_space<semaphore_mem>>, %arg13: memref<!tpu.dma_semaphore, #tpu.memory_space<semaphore_mem>>) attributes {dimension_semantics = [#tpu.dimension_semantics<core_parallel>, #tpu.dimension_semantics<subcore_parallel>], iteration_bounds = array<i64: 2, 16>, scalar_prefetch = 0 : i64, scratch_operands = 7 : i64, tpu.core_type = #tpu.core_type<sc_vector_subcore>, window_params = [{transform_indices = #map}, {transform_indices = #map}, {transform_indices = #map1}, {transform_indices = #map}, {transform_indices = #map}]} {
    %mul3A = arith.constant 2 : i32
    %mul3A_0 = arith.muli %arg1, %mul3A : i32
    %add3A = arith.addi %mul3A_0, %arg0 : i32
    %mul3A_1 = arith.constant 10240 : i32
    %mul3A_2 = arith.muli %add3A, %mul3A_1 : i32
    %add3A_3 = arith.constant 0 : i32
    %add3A_4 = arith.addi %mul3A_2, %add3A_3 : i32
    %run_scoped3A = arith.constant 0 : i32
    "tpu.region"() ({
      %run_scoped3A_115 = tpu.sem_alloc : memref<!tpu.dma_semaphore, #tpu.memory_space<semaphore_mem>>
      %dma_start3A_116 = arith.constant 0 : i32
      %dma_start3A_117 = tpu.memref_slice %arg7[%run_scoped3A, %dma_start3A_116] : memref<2x256xi32, #tpu.memory_space<vmem>> -> memref<1x256xi32, #tpu.memory_space<vmem>>
      %dma_start3A_118 = tpu.memref_squeeze %dma_start3A_117 : memref<1x256xi32, #tpu.memory_space<vmem>> -> memref<256xi32, #tpu.memory_space<vmem>>
      %dma_start3A_119 = tpu.memref_slice %arg4[%add3A_4] : memref<327680xi32, #tpu.memory_space<hbm>> -> memref<256xi32, #tpu.memory_space<hbm>>
      %dma_start3A_120 = arith.constant 0 : i32
      %dma_start3A_121 = tpu.memref_slice %arg7[%run_scoped3A, %dma_start3A_120] : memref<2x256xi32, #tpu.memory_space<vmem>> -> memref<1x256xi32, #tpu.memory_space<vmem>>
      %dma_start3A_122 = tpu.memref_squeeze %dma_start3A_121 : memref<1x256xi32, #tpu.memory_space<vmem>> -> memref<256xi32, #tpu.memory_space<vmem>>
      %dma_start3A_123 = tpu.memref_slice %arg4[%add3A_4] : memref<327680xi32, #tpu.memory_space<hbm>> -> memref<256xi32, #tpu.memory_space<hbm>>
      tpu.enqueue_dma source(%dma_start3A_123 : memref<256xi32, #tpu.memory_space<hbm>>) target(%dma_start3A_122 : memref<256xi32, #tpu.memory_space<vmem>>) target_semaphore(%run_scoped3A_115 : memref<!tpu.dma_semaphore, #tpu.memory_space<semaphore_mem>>)
      %dma_wait3A_124 = arith.constant 0 : i32
      %dma_wait3A_125 = tpu.memref_slice %arg7[%run_scoped3A, %dma_wait3A_124] : memref<2x256xi32, #tpu.memory_space<vmem>> -> memref<1x256xi32, #tpu.memory_space<vmem>>
      %dma_wait3A_126 = tpu.memref_squeeze %dma_wait3A_125 : memref<1x256xi32, #tpu.memory_space<vmem>> -> memref<256xi32, #tpu.memory_space<vmem>>
      %dma_wait3A_127 = tpu.memref_slice %arg4[%add3A_4] : memref<327680xi32, #tpu.memory_space<hbm>> -> memref<256xi32, #tpu.memory_space<hbm>>
      %dma_wait3A_128 = arith.constant 0 : i32
      %dma_wait3A_129 = tpu.memref_slice %arg7[%run_scoped3A, %dma_wait3A_128] : memref<2x256xi32, #tpu.memory_space<vmem>> -> memref<1x256xi32, #tpu.memory_space<vmem>>
      %dma_wait3A_130 = tpu.memref_squeeze %dma_wait3A_129 : memref<1x256xi32, #tpu.memory_space<vmem>> -> memref<256xi32, #tpu.memory_space<vmem>>
      %dma_wait3A_131 = tpu.memref_slice %arg4[%add3A_4] : memref<327680xi32, #tpu.memory_space<hbm>> -> memref<256xi32, #tpu.memory_space<hbm>>
      tpu.wait_dma2 semaphore(%run_scoped3A_115 : memref<!tpu.dma_semaphore, #tpu.memory_space<semaphore_mem>>) src(%dma_wait3A_131 : memref<256xi32, #tpu.memory_space<hbm>>) dst(%dma_wait3A_130 : memref<256xi32, #tpu.memory_space<vmem>>)
      tpu.yield
    }) : () -> ()
    %dma_start3A = arith.constant 0 : i32
    %dma_start3A_5 = arith.constant 0 : i32
    %dma_start3A_6 = arith.constant 0 : i32
    %dma_start3A_7 = arith.constant 0 : i32
    %dma_start3A_8 = tpu.memref_slice %arg8[%dma_start3A_5, %dma_start3A_6, %dma_start3A_7] : memref<2x256x128xf32, #tpu.memory_space<vmem>> -> memref<1x256x128xf32, #tpu.memory_space<vmem>>
    %dma_start3A_9 = tpu.memref_squeeze %dma_start3A_8 : memref<1x256x128xf32, #tpu.memory_space<vmem>> -> memref<256x128xf32, #tpu.memory_space<vmem>>
    %dma_start3A_10 = arith.constant 0 : i32
    %dma_start3A_11 = tpu.memref_slice %arg7[%dma_start3A, %dma_start3A_10] : memref<2x256xi32, #tpu.memory_space<vmem>> -> memref<1x256xi32, #tpu.memory_space<vmem>>
    %dma_start3A_12 = tpu.memref_squeeze %dma_start3A_11 : memref<1x256xi32, #tpu.memory_space<vmem>> -> memref<256xi32, #tpu.memory_space<vmem>>
    %dma_start3A_13 = arith.constant 0 : i32
    %dma_start3A_14 = arith.constant 0 : i32
    %dma_start3A_15 = tpu.memref_slice %arg2[%dma_start3A_13, %dma_start3A_14] : memref<10000x128xf32, #tpu.memory_space<hbm>> -> memref<10000x128xf32, #tpu.memory_space<hbm>>
    tpu.enqueue_indirect_dma source(%dma_start3A_15 : memref<10000x128xf32, #tpu.memory_space<hbm>>) target(%dma_start3A_9 : memref<256x128xf32, #tpu.memory_space<vmem>>) offsets(%dma_start3A_12 : memref<256xi32, #tpu.memory_space<vmem>>) semaphore(%arg10 : memref<!tpu.dma_semaphore, #tpu.memory_space<semaphore_mem>>)
    %dma_start3A_16 = arith.constant 0 : i32
    %dma_start3A_17 = arith.constant 0 : i32
    %dma_start3A_18 = arith.constant 0 : i32
    %dma_start3A_19 = arith.constant 0 : i32
    %dma_start3A_20 = tpu.memref_slice %arg9[%dma_start3A_17, %dma_start3A_18, %dma_start3A_19] : memref<2x256x16xf32, #tpu.memory_space<vmem>> -> memref<1x256x16xf32, #tpu.memory_space<vmem>>
    %dma_start3A_21 = tpu.memref_squeeze %dma_start3A_20 : memref<1x256x16xf32, #tpu.memory_space<vmem>> -> memref<256x16xf32, #tpu.memory_space<vmem>>
    %dma_start3A_22 = arith.constant 0 : i32
    %dma_start3A_23 = tpu.memref_slice %arg7[%dma_start3A_16, %dma_start3A_22] : memref<2x256xi32, #tpu.memory_space<vmem>> -> memref<1x256xi32, #tpu.memory_space<vmem>>
    %dma_start3A_24 = tpu.memref_squeeze %dma_start3A_23 : memref<1x256xi32, #tpu.memory_space<vmem>> -> memref<256xi32, #tpu.memory_space<vmem>>
    %dma_start3A_25 = arith.constant 0 : i32
    %dma_start3A_26 = arith.constant 0 : i32
    %dma_start3A_27 = tpu.memref_slice %arg3[%dma_start3A_25, %dma_start3A_26] : memref<10000x16xf32, #tpu.memory_space<hbm>> -> memref<10000x16xf32, #tpu.memory_space<hbm>>
    tpu.enqueue_indirect_dma source(%dma_start3A_27 : memref<10000x16xf32, #tpu.memory_space<hbm>>) target(%dma_start3A_21 : memref<256x16xf32, #tpu.memory_space<vmem>>) offsets(%dma_start3A_24 : memref<256xi32, #tpu.memory_space<vmem>>) semaphore(%arg11 : memref<!tpu.dma_semaphore, #tpu.memory_space<semaphore_mem>>)
    %scan3A = arith.constant 0 : i32
    %scan3A_28 = arith.constant 0 : i32
    %scan3A_29 = arith.constant 19 : i32
    %scan3A_30 = arith.addi %scan3A_28, %scan3A_29 : i32
    %scan3A_31 = arith.constant 1 : i32
    scf.for %scan3A_115 = %scan3A_28 to %scan3A_30 step %scan3A_31  : i32 {
      %mul3A_116 = arith.constant 2 : i32
      %mul3A_117 = arith.muli %scan3A_115, %mul3A_116 : i32
      %add3A_118 = arith.constant 1 : i32
      %add3A_119 = arith.addi %mul3A_117, %add3A_118 : i32
      %mul3A_120 = arith.constant 256 : i32
      %mul3A_121 = arith.muli %add3A_119, %mul3A_120 : i32
      %add3A_122 = arith.addi %mul3A_2, %mul3A_121 : i32
      %run_scoped3A_123 = arith.constant 1 : i32
      "tpu.region"() ({
        %run_scoped3A_238 = tpu.sem_alloc : memref<!tpu.dma_semaphore, #tpu.memory_space<semaphore_mem>>
        %dma_start3A_239 = arith.constant 0 : i32
        %dma_start3A_240 = tpu.memref_slice %arg7[%run_scoped3A_123, %dma_start3A_239] : memref<2x256xi32, #tpu.memory_space<vmem>> -> memref<1x256xi32, #tpu.memory_space<vmem>>
        %dma_start3A_241 = tpu.memref_squeeze %dma_start3A_240 : memref<1x256xi32, #tpu.memory_space<vmem>> -> memref<256xi32, #tpu.memory_space<vmem>>
        %dma_start3A_242 = tpu.memref_slice %arg4[%add3A_122] : memref<327680xi32, #tpu.memory_space<hbm>> -> memref<256xi32, #tpu.memory_space<hbm>>
        %dma_start3A_243 = arith.constant 0 : i32
        %dma_start3A_244 = tpu.memref_slice %arg7[%run_scoped3A_123, %dma_start3A_243] : memref<2x256xi32, #tpu.memory_space<vmem>> -> memref<1x256xi32, #tpu.memory_space<vmem>>
        %dma_start3A_245 = tpu.memref_squeeze %dma_start3A_244 : memref<1x256xi32, #tpu.memory_space<vmem>> -> memref<256xi32, #tpu.memory_space<vmem>>
        %dma_start3A_246 = tpu.memref_slice %arg4[%add3A_122] : memref<327680xi32, #tpu.memory_space<hbm>> -> memref<256xi32, #tpu.memory_space<hbm>>
        tpu.enqueue_dma source(%dma_start3A_246 : memref<256xi32, #tpu.memory_space<hbm>>) target(%dma_start3A_245 : memref<256xi32, #tpu.memory_space<vmem>>) target_semaphore(%run_scoped3A_238 : memref<!tpu.dma_semaphore, #tpu.memory_space<semaphore_mem>>)
        %dma_wait3A_247 = arith.constant 0 : i32
        %dma_wait3A_248 = tpu.memref_slice %arg7[%run_scoped3A_123, %dma_wait3A_247] : memref<2x256xi32, #tpu.memory_space<vmem>> -> memref<1x256xi32, #tpu.memory_space<vmem>>
        %dma_wait3A_249 = tpu.memref_squeeze %dma_wait3A_248 : memref<1x256xi32, #tpu.memory_space<vmem>> -> memref<256xi32, #tpu.memory_space<vmem>>
        %dma_wait3A_250 = tpu.memref_slice %arg4[%add3A_122] : memref<327680xi32, #tpu.memory_space<hbm>> -> memref<256xi32, #tpu.memory_space<hbm>>
        %dma_wait3A_251 = arith.constant 0 : i32
        %dma_wait3A_252 = tpu.memref_slice %arg7[%run_scoped3A_123, %dma_wait3A_251] : memref<2x256xi32, #tpu.memory_space<vmem>> -> memref<1x256xi32, #tpu.memory_space<vmem>>
        %dma_wait3A_253 = tpu.memref_squeeze %dma_wait3A_252 : memref<1x256xi32, #tpu.memory_space<vmem>> -> memref<256xi32, #tpu.memory_space<vmem>>
        %dma_wait3A_254 = tpu.memref_slice %arg4[%add3A_122] : memref<327680xi32, #tpu.memory_space<hbm>> -> memref<256xi32, #tpu.memory_space<hbm>>
        tpu.wait_dma2 semaphore(%run_scoped3A_238 : memref<!tpu.dma_semaphore, #tpu.memory_space<semaphore_mem>>) src(%dma_wait3A_254 : memref<256xi32, #tpu.memory_space<hbm>>) dst(%dma_wait3A_253 : memref<256xi32, #tpu.memory_space<vmem>>)
        tpu.yield
      }) : () -> ()
      %dma_start3A_124 = arith.constant 1 : i32
      %dma_start3A_125 = arith.constant 1 : i32
      %dma_start3A_126 = arith.constant 0 : i32
      %dma_start3A_127 = arith.constant 0 : i32
      %dma_start3A_128 = tpu.memref_slice %arg8[%dma_start3A_125, %dma_start3A_126, %dma_start3A_127] : memref<2x256x128xf32, #tpu.memory_space<vmem>> -> memref<1x256x128xf32, #tpu.memory_space<vmem>>
      %dma_start3A_129 = tpu.memref_squeeze %dma_start3A_128 : memref<1x256x128xf32, #tpu.memory_space<vmem>> -> memref<256x128xf32, #tpu.memory_space<vmem>>
      %dma_start3A_130 = arith.constant 0 : i32
      %dma_start3A_131 = tpu.memref_slice %arg7[%dma_start3A_124, %dma_start3A_130] : memref<2x256xi32, #tpu.memory_space<vmem>> -> memref<1x256xi32, #tpu.memory_space<vmem>>
      %dma_start3A_132 = tpu.memref_squeeze %dma_start3A_131 : memref<1x256xi32, #tpu.memory_space<vmem>> -> memref<256xi32, #tpu.memory_space<vmem>>
      %dma_start3A_133 = arith.constant 0 : i32
      %dma_start3A_134 = arith.constant 0 : i32
      %dma_start3A_135 = tpu.memref_slice %arg2[%dma_start3A_133, %dma_start3A_134] : memref<10000x128xf32, #tpu.memory_space<hbm>> -> memref<10000x128xf32, #tpu.memory_space<hbm>>
      tpu.enqueue_indirect_dma source(%dma_start3A_135 : memref<10000x128xf32, #tpu.memory_space<hbm>>) target(%dma_start3A_129 : memref<256x128xf32, #tpu.memory_space<vmem>>) offsets(%dma_start3A_132 : memref<256xi32, #tpu.memory_space<vmem>>) semaphore(%arg12 : memref<!tpu.dma_semaphore, #tpu.memory_space<semaphore_mem>>)
      %dma_start3A_136 = arith.constant 1 : i32
      %dma_start3A_137 = arith.constant 1 : i32
      %dma_start3A_138 = arith.constant 0 : i32
      %dma_start3A_139 = arith.constant 0 : i32
      %dma_start3A_140 = tpu.memref_slice %arg9[%dma_start3A_137, %dma_start3A_138, %dma_start3A_139] : memref<2x256x16xf32, #tpu.memory_space<vmem>> -> memref<1x256x16xf32, #tpu.memory_space<vmem>>
      %dma_start3A_141 = tpu.memref_squeeze %dma_start3A_140 : memref<1x256x16xf32, #tpu.memory_space<vmem>> -> memref<256x16xf32, #tpu.memory_space<vmem>>
      %dma_start3A_142 = arith.constant 0 : i32
      %dma_start3A_143 = tpu.memref_slice %arg7[%dma_start3A_136, %dma_start3A_142] : memref<2x256xi32, #tpu.memory_space<vmem>> -> memref<1x256xi32, #tpu.memory_space<vmem>>
      %dma_start3A_144 = tpu.memref_squeeze %dma_start3A_143 : memref<1x256xi32, #tpu.memory_space<vmem>> -> memref<256xi32, #tpu.memory_space<vmem>>
      %dma_start3A_145 = arith.constant 0 : i32
      %dma_start3A_146 = arith.constant 0 : i32
      %dma_start3A_147 = tpu.memref_slice %arg3[%dma_start3A_145, %dma_start3A_146] : memref<10000x16xf32, #tpu.memory_space<hbm>> -> memref<10000x16xf32, #tpu.memory_space<hbm>>
      tpu.enqueue_indirect_dma source(%dma_start3A_147 : memref<10000x16xf32, #tpu.memory_space<hbm>>) target(%dma_start3A_141 : memref<256x16xf32, #tpu.memory_space<vmem>>) offsets(%dma_start3A_144 : memref<256xi32, #tpu.memory_space<vmem>>) semaphore(%arg13 : memref<!tpu.dma_semaphore, #tpu.memory_space<semaphore_mem>>)
      %mul3A_148 = arith.constant 256 : i32
      %mul3A_149 = arith.muli %mul3A_117, %mul3A_148 : i32
      %add3A_150 = arith.addi %mul3A_2, %mul3A_149 : i32
      %dma_wait3A_151 = arith.constant 0 : i32
      %dma_wait3A_152 = arith.constant 0 : i32
      %dma_wait3A_153 = arith.constant 0 : i32
      %dma_wait3A_154 = arith.constant 0 : i32
      %dma_wait3A_155 = tpu.memref_slice %arg8[%dma_wait3A_152, %dma_wait3A_153, %dma_wait3A_154] : memref<2x256x128xf32, #tpu.memory_space<vmem>> -> memref<1x256x128xf32, #tpu.memory_space<vmem>>
      %dma_wait3A_156 = tpu.memref_squeeze %dma_wait3A_155 : memref<1x256x128xf32, #tpu.memory_space<vmem>> -> memref<256x128xf32, #tpu.memory_space<vmem>>
      %dma_wait3A_157 = arith.constant 0 : i32
      %dma_wait3A_158 = tpu.memref_slice %arg7[%dma_wait3A_151, %dma_wait3A_157] : memref<2x256xi32, #tpu.memory_space<vmem>> -> memref<1x256xi32, #tpu.memory_space<vmem>>
      %dma_wait3A_159 = tpu.memref_squeeze %dma_wait3A_158 : memref<1x256xi32, #tpu.memory_space<vmem>> -> memref<256xi32, #tpu.memory_space<vmem>>
      %dma_wait3A_160 = arith.constant 0 : i32
      %dma_wait3A_161 = arith.constant 0 : i32
      %dma_wait3A_162 = tpu.memref_slice %arg2[%dma_wait3A_160, %dma_wait3A_161] : memref<10000x128xf32, #tpu.memory_space<hbm>> -> memref<10000x128xf32, #tpu.memory_space<hbm>>
      tpu.wait_indirect_dma semaphore(%arg10 : memref<!tpu.dma_semaphore, #tpu.memory_space<semaphore_mem>>) src(%dma_wait3A_162 : memref<10000x128xf32, #tpu.memory_space<hbm>>) dst(%dma_wait3A_156 : memref<256x128xf32, #tpu.memory_space<vmem>>)
      %dma_wait3A_163 = arith.constant 0 : i32
      %dma_wait3A_164 = arith.constant 0 : i32
      %dma_wait3A_165 = arith.constant 0 : i32
      %dma_wait3A_166 = arith.constant 0 : i32
      %dma_wait3A_167 = tpu.memref_slice %arg9[%dma_wait3A_164, %dma_wait3A_165, %dma_wait3A_166] : memref<2x256x16xf32, #tpu.memory_space<vmem>> -> memref<1x256x16xf32, #tpu.memory_space<vmem>>
      %dma_wait3A_168 = tpu.memref_squeeze %dma_wait3A_167 : memref<1x256x16xf32, #tpu.memory_space<vmem>> -> memref<256x16xf32, #tpu.memory_space<vmem>>
      %dma_wait3A_169 = arith.constant 0 : i32
      %dma_wait3A_170 = tpu.memref_slice %arg7[%dma_wait3A_163, %dma_wait3A_169] : memref<2x256xi32, #tpu.memory_space<vmem>> -> memref<1x256xi32, #tpu.memory_space<vmem>>
      %dma_wait3A_171 = tpu.memref_squeeze %dma_wait3A_170 : memref<1x256xi32, #tpu.memory_space<vmem>> -> memref<256xi32, #tpu.memory_space<vmem>>
      %dma_wait3A_172 = arith.constant 0 : i32
      %dma_wait3A_173 = arith.constant 0 : i32
      %dma_wait3A_174 = tpu.memref_slice %arg3[%dma_wait3A_172, %dma_wait3A_173] : memref<10000x16xf32, #tpu.memory_space<hbm>> -> memref<10000x16xf32, #tpu.memory_space<hbm>>
      tpu.wait_indirect_dma semaphore(%arg11 : memref<!tpu.dma_semaphore, #tpu.memory_space<semaphore_mem>>) src(%dma_wait3A_174 : memref<10000x16xf32, #tpu.memory_space<hbm>>) dst(%dma_wait3A_168 : memref<256x16xf32, #tpu.memory_space<vmem>>)
      %run_scoped3A_175 = arith.constant 0 : i32
      "tpu.region"() ({
        %run_scoped3A_238 = tpu.sem_alloc : memref<!tpu.dma_semaphore, #tpu.memory_space<semaphore_mem>>
        %dma_start3A_239 = arith.constant 0 : i32
        %dma_start3A_240 = arith.constant 0 : i32
        %dma_start3A_241 = tpu.memref_slice %arg8[%run_scoped3A_175, %dma_start3A_239, %dma_start3A_240] : memref<2x256x128xf32, #tpu.memory_space<vmem>> -> memref<1x256x128xf32, #tpu.memory_space<vmem>>
        %dma_start3A_242 = tpu.memref_squeeze %dma_start3A_241 : memref<1x256x128xf32, #tpu.memory_space<vmem>> -> memref<256x128xf32, #tpu.memory_space<vmem>>
        %dma_start3A_243 = arith.constant 0 : i32
        %dma_start3A_244 = tpu.memref_slice %arg5[%add3A_150, %dma_start3A_243] : memref<327680x128xf32, #tpu.memory_space<hbm>> -> memref<256x128xf32, #tpu.memory_space<hbm>>
        %dma_start3A_245 = arith.constant 0 : i32
        %dma_start3A_246 = tpu.memref_slice %arg5[%add3A_150, %dma_start3A_245] : memref<327680x128xf32, #tpu.memory_space<hbm>> -> memref<256x128xf32, #tpu.memory_space<hbm>>
        %dma_start3A_247 = arith.constant 0 : i32
        %dma_start3A_248 = arith.constant 0 : i32
        %dma_start3A_249 = tpu.memref_slice %arg8[%run_scoped3A_175, %dma_start3A_247, %dma_start3A_248] : memref<2x256x128xf32, #tpu.memory_space<vmem>> -> memref<1x256x128xf32, #tpu.memory_space<vmem>>
        %dma_start3A_250 = tpu.memref_squeeze %dma_start3A_249 : memref<1x256x128xf32, #tpu.memory_space<vmem>> -> memref<256x128xf32, #tpu.memory_space<vmem>>
        tpu.enqueue_dma source(%dma_start3A_250 : memref<256x128xf32, #tpu.memory_space<vmem>>) target(%dma_start3A_246 : memref<256x128xf32, #tpu.memory_space<hbm>>) target_semaphore(%run_scoped3A_238 : memref<!tpu.dma_semaphore, #tpu.memory_space<semaphore_mem>>)
        %dma_wait3A_251 = arith.constant 0 : i32
        %dma_wait3A_252 = arith.constant 0 : i32
        %dma_wait3A_253 = tpu.memref_slice %arg8[%run_scoped3A_175, %dma_wait3A_251, %dma_wait3A_252] : memref<2x256x128xf32, #tpu.memory_space<vmem>> -> memref<1x256x128xf32, #tpu.memory_space<vmem>>
        %dma_wait3A_254 = tpu.memref_squeeze %dma_wait3A_253 : memref<1x256x128xf32, #tpu.memory_space<vmem>> -> memref<256x128xf32, #tpu.memory_space<vmem>>
        %dma_wait3A_255 = arith.constant 0 : i32
        %dma_wait3A_256 = tpu.memref_slice %arg5[%add3A_150, %dma_wait3A_255] : memref<327680x128xf32, #tpu.memory_space<hbm>> -> memref<256x128xf32, #tpu.memory_space<hbm>>
        %dma_wait3A_257 = arith.constant 0 : i32
        %dma_wait3A_258 = tpu.memref_slice %arg5[%add3A_150, %dma_wait3A_257] : memref<327680x128xf32, #tpu.memory_space<hbm>> -> memref<256x128xf32, #tpu.memory_space<hbm>>
        %dma_wait3A_259 = arith.constant 0 : i32
        %dma_wait3A_260 = arith.constant 0 : i32
        %dma_wait3A_261 = tpu.memref_slice %arg8[%run_scoped3A_175, %dma_wait3A_259, %dma_wait3A_260] : memref<2x256x128xf32, #tpu.memory_space<vmem>> -> memref<1x256x128xf32, #tpu.memory_space<vmem>>
        %dma_wait3A_262 = tpu.memref_squeeze %dma_wait3A_261 : memref<1x256x128xf32, #tpu.memory_space<vmem>> -> memref<256x128xf32, #tpu.memory_space<vmem>>
        tpu.wait_dma2 semaphore(%run_scoped3A_238 : memref<!tpu.dma_semaphore, #tpu.memory_space<semaphore_mem>>) src(%dma_wait3A_262 : memref<256x128xf32, #tpu.memory_space<vmem>>) dst(%dma_wait3A_258 : memref<256x128xf32, #tpu.memory_space<hbm>>)
        tpu.yield
      }) : () -> ()
      %run_scoped3A_176 = arith.constant 0 : i32
      "tpu.region"() ({
        %run_scoped3A_238 = tpu.sem_alloc : memref<!tpu.dma_semaphore, #tpu.memory_space<semaphore_mem>>
        %dma_start3A_239 = arith.constant 0 : i32
        %dma_start3A_240 = arith.constant 0 : i32
        %dma_start3A_241 = tpu.memref_slice %arg9[%run_scoped3A_176, %dma_start3A_239, %dma_start3A_240] : memref<2x256x16xf32, #tpu.memory_space<vmem>> -> memref<1x256x16xf32, #tpu.memory_space<vmem>>
        %dma_start3A_242 = tpu.memref_squeeze %dma_start3A_241 : memref<1x256x16xf32, #tpu.memory_space<vmem>> -> memref<256x16xf32, #tpu.memory_space<vmem>>
        %dma_start3A_243 = arith.constant 0 : i32
        %dma_start3A_244 = tpu.memref_slice %arg6[%add3A_150, %dma_start3A_243] : memref<327680x16xf32, #tpu.memory_space<hbm>> -> memref<256x16xf32, #tpu.memory_space<hbm>>
        %dma_start3A_245 = arith.constant 0 : i32
        %dma_start3A_246 = tpu.memref_slice %arg6[%add3A_150, %dma_start3A_245] : memref<327680x16xf32, #tpu.memory_space<hbm>> -> memref<256x16xf32, #tpu.memory_space<hbm>>
        %dma_start3A_247 = arith.constant 0 : i32
        %dma_start3A_248 = arith.constant 0 : i32
        %dma_start3A_249 = tpu.memref_slice %arg9[%run_scoped3A_176, %dma_start3A_247, %dma_start3A_248] : memref<2x256x16xf32, #tpu.memory_space<vmem>> -> memref<1x256x16xf32, #tpu.memory_space<vmem>>
        %dma_start3A_250 = tpu.memref_squeeze %dma_start3A_249 : memref<1x256x16xf32, #tpu.memory_space<vmem>> -> memref<256x16xf32, #tpu.memory_space<vmem>>
        tpu.enqueue_dma source(%dma_start3A_250 : memref<256x16xf32, #tpu.memory_space<vmem>>) target(%dma_start3A_246 : memref<256x16xf32, #tpu.memory_space<hbm>>) target_semaphore(%run_scoped3A_238 : memref<!tpu.dma_semaphore, #tpu.memory_space<semaphore_mem>>)
        %dma_wait3A_251 = arith.constant 0 : i32
        %dma_wait3A_252 = arith.constant 0 : i32
        %dma_wait3A_253 = tpu.memref_slice %arg9[%run_scoped3A_176, %dma_wait3A_251, %dma_wait3A_252] : memref<2x256x16xf32, #tpu.memory_space<vmem>> -> memref<1x256x16xf32, #tpu.memory_space<vmem>>
        %dma_wait3A_254 = tpu.memref_squeeze %dma_wait3A_253 : memref<1x256x16xf32, #tpu.memory_space<vmem>> -> memref<256x16xf32, #tpu.memory_space<vmem>>
        %dma_wait3A_255 = arith.constant 0 : i32
        %dma_wait3A_256 = tpu.memref_slice %arg6[%add3A_150, %dma_wait3A_255] : memref<327680x16xf32, #tpu.memory_space<hbm>> -> memref<256x16xf32, #tpu.memory_space<hbm>>
        %dma_wait3A_257 = arith.constant 0 : i32
        %dma_wait3A_258 = tpu.memref_slice %arg6[%add3A_150, %dma_wait3A_257] : memref<327680x16xf32, #tpu.memory_space<hbm>> -> memref<256x16xf32, #tpu.memory_space<hbm>>
        %dma_wait3A_259 = arith.constant 0 : i32
        %dma_wait3A_260 = arith.constant 0 : i32
        %dma_wait3A_261 = tpu.memref_slice %arg9[%run_scoped3A_176, %dma_wait3A_259, %dma_wait3A_260] : memref<2x256x16xf32, #tpu.memory_space<vmem>> -> memref<1x256x16xf32, #tpu.memory_space<vmem>>
        %dma_wait3A_262 = tpu.memref_squeeze %dma_wait3A_261 : memref<1x256x16xf32, #tpu.memory_space<vmem>> -> memref<256x16xf32, #tpu.memory_space<vmem>>
        tpu.wait_dma2 semaphore(%run_scoped3A_238 : memref<!tpu.dma_semaphore, #tpu.memory_space<semaphore_mem>>) src(%dma_wait3A_262 : memref<256x16xf32, #tpu.memory_space<vmem>>) dst(%dma_wait3A_258 : memref<256x16xf32, #tpu.memory_space<hbm>>)
        tpu.yield
      }) : () -> ()
      %add3A_177 = arith.constant 2 : i32
      %add3A_178 = arith.addi %mul3A_117, %add3A_177 : i32
      %mul3A_179 = arith.constant 256 : i32
      %mul3A_180 = arith.muli %add3A_178, %mul3A_179 : i32
      %add3A_181 = arith.addi %mul3A_2, %mul3A_180 : i32
      %run_scoped3A_182 = arith.constant 0 : i32
      "tpu.region"() ({
        %run_scoped3A_238 = tpu.sem_alloc : memref<!tpu.dma_semaphore, #tpu.memory_space<semaphore_mem>>
        %dma_start3A_239 = arith.constant 0 : i32
        %dma_start3A_240 = tpu.memref_slice %arg7[%run_scoped3A_182, %dma_start3A_239] : memref<2x256xi32, #tpu.memory_space<vmem>> -> memref<1x256xi32, #tpu.memory_space<vmem>>
        %dma_start3A_241 = tpu.memref_squeeze %dma_start3A_240 : memref<1x256xi32, #tpu.memory_space<vmem>> -> memref<256xi32, #tpu.memory_space<vmem>>
        %dma_start3A_242 = tpu.memref_slice %arg4[%add3A_181] : memref<327680xi32, #tpu.memory_space<hbm>> -> memref<256xi32, #tpu.memory_space<hbm>>
        %dma_start3A_243 = arith.constant 0 : i32
        %dma_start3A_244 = tpu.memref_slice %arg7[%run_scoped3A_182, %dma_start3A_243] : memref<2x256xi32, #tpu.memory_space<vmem>> -> memref<1x256xi32, #tpu.memory_space<vmem>>
        %dma_start3A_245 = tpu.memref_squeeze %dma_start3A_244 : memref<1x256xi32, #tpu.memory_space<vmem>> -> memref<256xi32, #tpu.memory_space<vmem>>
        %dma_start3A_246 = tpu.memref_slice %arg4[%add3A_181] : memref<327680xi32, #tpu.memory_space<hbm>> -> memref<256xi32, #tpu.memory_space<hbm>>
        tpu.enqueue_dma source(%dma_start3A_246 : memref<256xi32, #tpu.memory_space<hbm>>) target(%dma_start3A_245 : memref<256xi32, #tpu.memory_space<vmem>>) target_semaphore(%run_scoped3A_238 : memref<!tpu.dma_semaphore, #tpu.memory_space<semaphore_mem>>)
        %dma_wait3A_247 = arith.constant 0 : i32
        %dma_wait3A_248 = tpu.memref_slice %arg7[%run_scoped3A_182, %dma_wait3A_247] : memref<2x256xi32, #tpu.memory_space<vmem>> -> memref<1x256xi32, #tpu.memory_space<vmem>>
        %dma_wait3A_249 = tpu.memref_squeeze %dma_wait3A_248 : memref<1x256xi32, #tpu.memory_space<vmem>> -> memref<256xi32, #tpu.memory_space<vmem>>
        %dma_wait3A_250 = tpu.memref_slice %arg4[%add3A_181] : memref<327680xi32, #tpu.memory_space<hbm>> -> memref<256xi32, #tpu.memory_space<hbm>>
        %dma_wait3A_251 = arith.constant 0 : i32
        %dma_wait3A_252 = tpu.memref_slice %arg7[%run_scoped3A_182, %dma_wait3A_251] : memref<2x256xi32, #tpu.memory_space<vmem>> -> memref<1x256xi32, #tpu.memory_space<vmem>>
        %dma_wait3A_253 = tpu.memref_squeeze %dma_wait3A_252 : memref<1x256xi32, #tpu.memory_space<vmem>> -> memref<256xi32, #tpu.memory_space<vmem>>
        %dma_wait3A_254 = tpu.memref_slice %arg4[%add3A_181] : memref<327680xi32, #tpu.memory_space<hbm>> -> memref<256xi32, #tpu.memory_space<hbm>>
        tpu.wait_dma2 semaphore(%run_scoped3A_238 : memref<!tpu.dma_semaphore, #tpu.memory_space<semaphore_mem>>) src(%dma_wait3A_254 : memref<256xi32, #tpu.memory_space<hbm>>) dst(%dma_wait3A_253 : memref<256xi32, #tpu.memory_space<vmem>>)
        tpu.yield
      }) : () -> ()
      %dma_start3A_183 = arith.constant 0 : i32
      %dma_start3A_184 = arith.constant 0 : i32
      %dma_start3A_185 = arith.constant 0 : i32
      %dma_start3A_186 = arith.constant 0 : i32
      %dma_start3A_187 = tpu.memref_slice %arg8[%dma_start3A_184, %dma_start3A_185, %dma_start3A_186] : memref<2x256x128xf32, #tpu.memory_space<vmem>> -> memref<1x256x128xf32, #tpu.memory_space<vmem>>
      %dma_start3A_188 = tpu.memref_squeeze %dma_start3A_187 : memref<1x256x128xf32, #tpu.memory_space<vmem>> -> memref<256x128xf32, #tpu.memory_space<vmem>>
      %dma_start3A_189 = arith.constant 0 : i32
      %dma_start3A_190 = tpu.memref_slice %arg7[%dma_start3A_183, %dma_start3A_189] : memref<2x256xi32, #tpu.memory_space<vmem>> -> memref<1x256xi32, #tpu.memory_space<vmem>>
      %dma_start3A_191 = tpu.memref_squeeze %dma_start3A_190 : memref<1x256xi32, #tpu.memory_space<vmem>> -> memref<256xi32, #tpu.memory_space<vmem>>
      %dma_start3A_192 = arith.constant 0 : i32
      %dma_start3A_193 = arith.constant 0 : i32
      %dma_start3A_194 = tpu.memref_slice %arg2[%dma_start3A_192, %dma_start3A_193] : memref<10000x128xf32, #tpu.memory_space<hbm>> -> memref<10000x128xf32, #tpu.memory_space<hbm>>
      tpu.enqueue_indirect_dma source(%dma_start3A_194 : memref<10000x128xf32, #tpu.memory_space<hbm>>) target(%dma_start3A_188 : memref<256x128xf32, #tpu.memory_space<vmem>>) offsets(%dma_start3A_191 : memref<256xi32, #tpu.memory_space<vmem>>) semaphore(%arg10 : memref<!tpu.dma_semaphore, #tpu.memory_space<semaphore_mem>>)
      %dma_start3A_195 = arith.constant 0 : i32
      %dma_start3A_196 = arith.constant 0 : i32
      %dma_start3A_197 = arith.constant 0 : i32
      %dma_start3A_198 = arith.constant 0 : i32
      %dma_start3A_199 = tpu.memref_slice %arg9[%dma_start3A_196, %dma_start3A_197, %dma_start3A_198] : memref<2x256x16xf32, #tpu.memory_space<vmem>> -> memref<1x256x16xf32, #tpu.memory_space<vmem>>
      %dma_start3A_200 = tpu.memref_squeeze %dma_start3A_199 : memref<1x256x16xf32, #tpu.memory_space<vmem>> -> memref<256x16xf32, #tpu.memory_space<vmem>>
      %dma_start3A_201 = arith.constant 0 : i32
      %dma_start3A_202 = tpu.memref_slice %arg7[%dma_start3A_195, %dma_start3A_201] : memref<2x256xi32, #tpu.memory_space<vmem>> -> memref<1x256xi32, #tpu.memory_space<vmem>>
      %dma_start3A_203 = tpu.memref_squeeze %dma_start3A_202 : memref<1x256xi32, #tpu.memory_space<vmem>> -> memref<256xi32, #tpu.memory_space<vmem>>
      %dma_start3A_204 = arith.constant 0 : i32
      %dma_start3A_205 = arith.constant 0 : i32
      %dma_start3A_206 = tpu.memref_slice %arg3[%dma_start3A_204, %dma_start3A_205] : memref<10000x16xf32, #tpu.memory_space<hbm>> -> memref<10000x16xf32, #tpu.memory_space<hbm>>
      tpu.enqueue_indirect_dma source(%dma_start3A_206 : memref<10000x16xf32, #tpu.memory_space<hbm>>) target(%dma_start3A_200 : memref<256x16xf32, #tpu.memory_space<vmem>>) offsets(%dma_start3A_203 : memref<256xi32, #tpu.memory_space<vmem>>) semaphore(%arg11 : memref<!tpu.dma_semaphore, #tpu.memory_space<semaphore_mem>>)
      %add3A_207 = arith.constant 1 : i32
      %add3A_208 = arith.addi %mul3A_117, %add3A_207 : i32
      %mul3A_209 = arith.constant 256 : i32
      %mul3A_210 = arith.muli %add3A_208, %mul3A_209 : i32
      %add3A_211 = arith.addi %mul3A_2, %mul3A_210 : i32
      %dma_wait3A_212 = arith.constant 1 : i32
      %dma_wait3A_213 = arith.constant 1 : i32
      %dma_wait3A_214 = arith.constant 0 : i32
      %dma_wait3A_215 = arith.constant 0 : i32
      %dma_wait3A_216 = tpu.memref_slice %arg8[%dma_wait3A_213, %dma_wait3A_214, %dma_wait3A_215] : memref<2x256x128xf32, #tpu.memory_space<vmem>> -> memref<1x256x128xf32, #tpu.memory_space<vmem>>
      %dma_wait3A_217 = tpu.memref_squeeze %dma_wait3A_216 : memref<1x256x128xf32, #tpu.memory_space<vmem>> -> memref<256x128xf32, #tpu.memory_space<vmem>>
      %dma_wait3A_218 = arith.constant 0 : i32
      %dma_wait3A_219 = tpu.memref_slice %arg7[%dma_wait3A_212, %dma_wait3A_218] : memref<2x256xi32, #tpu.memory_space<vmem>> -> memref<1x256xi32, #tpu.memory_space<vmem>>
      %dma_wait3A_220 = tpu.memref_squeeze %dma_wait3A_219 : memref<1x256xi32, #tpu.memory_space<vmem>> -> memref<256xi32, #tpu.memory_space<vmem>>
      %dma_wait3A_221 = arith.constant 0 : i32
      %dma_wait3A_222 = arith.constant 0 : i32
      %dma_wait3A_223 = tpu.memref_slice %arg2[%dma_wait3A_221, %dma_wait3A_222] : memref<10000x128xf32, #tpu.memory_space<hbm>> -> memref<10000x128xf32, #tpu.memory_space<hbm>>
      tpu.wait_indirect_dma semaphore(%arg12 : memref<!tpu.dma_semaphore, #tpu.memory_space<semaphore_mem>>) src(%dma_wait3A_223 : memref<10000x128xf32, #tpu.memory_space<hbm>>) dst(%dma_wait3A_217 : memref<256x128xf32, #tpu.memory_space<vmem>>)
      %dma_wait3A_224 = arith.constant 1 : i32
      %dma_wait3A_225 = arith.constant 1 : i32
      %dma_wait3A_226 = arith.constant 0 : i32
      %dma_wait3A_227 = arith.constant 0 : i32
      %dma_wait3A_228 = tpu.memref_slice %arg9[%dma_wait3A_225, %dma_wait3A_226, %dma_wait3A_227] : memref<2x256x16xf32, #tpu.memory_space<vmem>> -> memref<1x256x16xf32, #tpu.memory_space<vmem>>
      %dma_wait3A_229 = tpu.memref_squeeze %dma_wait3A_228 : memref<1x256x16xf32, #tpu.memory_space<vmem>> -> memref<256x16xf32, #tpu.memory_space<vmem>>
      %dma_wait3A_230 = arith.constant 0 : i32
      %dma_wait3A_231 = tpu.memref_slice %arg7[%dma_wait3A_224, %dma_wait3A_230] : memref<2x256xi32, #tpu.memory_space<vmem>> -> memref<1x256xi32, #tpu.memory_space<vmem>>
      %dma_wait3A_232 = tpu.memref_squeeze %dma_wait3A_231 : memref<1x256xi32, #tpu.memory_space<vmem>> -> memref<256xi32, #tpu.memory_space<vmem>>
      %dma_wait3A_233 = arith.constant 0 : i32
      %dma_wait3A_234 = arith.constant 0 : i32
      %dma_wait3A_235 = tpu.memref_slice %arg3[%dma_wait3A_233, %dma_wait3A_234] : memref<10000x16xf32, #tpu.memory_space<hbm>> -> memref<10000x16xf32, #tpu.memory_space<hbm>>
      tpu.wait_indirect_dma semaphore(%arg13 : memref<!tpu.dma_semaphore, #tpu.memory_space<semaphore_mem>>) src(%dma_wait3A_235 : memref<10000x16xf32, #tpu.memory_space<hbm>>) dst(%dma_wait3A_229 : memref<256x16xf32, #tpu.memory_space<vmem>>)
      %run_scoped3A_236 = arith.constant 1 : i32
      "tpu.region"() ({
        %run_scoped3A_238 = tpu.sem_alloc : memref<!tpu.dma_semaphore, #tpu.memory_space<semaphore_mem>>
        %dma_start3A_239 = arith.constant 0 : i32
        %dma_start3A_240 = arith.constant 0 : i32
        %dma_start3A_241 = tpu.memref_slice %arg8[%run_scoped3A_236, %dma_start3A_239, %dma_start3A_240] : memref<2x256x128xf32, #tpu.memory_space<vmem>> -> memref<1x256x128xf32, #tpu.memory_space<vmem>>
        %dma_start3A_242 = tpu.memref_squeeze %dma_start3A_241 : memref<1x256x128xf32, #tpu.memory_space<vmem>> -> memref<256x128xf32, #tpu.memory_space<vmem>>
        %dma_start3A_243 = arith.constant 0 : i32
        %dma_start3A_244 = tpu.memref_slice %arg5[%add3A_211, %dma_start3A_243] : memref<327680x128xf32, #tpu.memory_space<hbm>> -> memref<256x128xf32, #tpu.memory_space<hbm>>
        %dma_start3A_245 = arith.constant 0 : i32
        %dma_start3A_246 = tpu.memref_slice %arg5[%add3A_211, %dma_start3A_245] : memref<327680x128xf32, #tpu.memory_space<hbm>> -> memref<256x128xf32, #tpu.memory_space<hbm>>
        %dma_start3A_247 = arith.constant 0 : i32
        %dma_start3A_248 = arith.constant 0 : i32
        %dma_start3A_249 = tpu.memref_slice %arg8[%run_scoped3A_236, %dma_start3A_247, %dma_start3A_248] : memref<2x256x128xf32, #tpu.memory_space<vmem>> -> memref<1x256x128xf32, #tpu.memory_space<vmem>>
        %dma_start3A_250 = tpu.memref_squeeze %dma_start3A_249 : memref<1x256x128xf32, #tpu.memory_space<vmem>> -> memref<256x128xf32, #tpu.memory_space<vmem>>
        tpu.enqueue_dma source(%dma_start3A_250 : memref<256x128xf32, #tpu.memory_space<vmem>>) target(%dma_start3A_246 : memref<256x128xf32, #tpu.memory_space<hbm>>) target_semaphore(%run_scoped3A_238 : memref<!tpu.dma_semaphore, #tpu.memory_space<semaphore_mem>>)
        %dma_wait3A_251 = arith.constant 0 : i32
        %dma_wait3A_252 = arith.constant 0 : i32
        %dma_wait3A_253 = tpu.memref_slice %arg8[%run_scoped3A_236, %dma_wait3A_251, %dma_wait3A_252] : memref<2x256x128xf32, #tpu.memory_space<vmem>> -> memref<1x256x128xf32, #tpu.memory_space<vmem>>
        %dma_wait3A_254 = tpu.memref_squeeze %dma_wait3A_253 : memref<1x256x128xf32, #tpu.memory_space<vmem>> -> memref<256x128xf32, #tpu.memory_space<vmem>>
        %dma_wait3A_255 = arith.constant 0 : i32
        %dma_wait3A_256 = tpu.memref_slice %arg5[%add3A_211, %dma_wait3A_255] : memref<327680x128xf32, #tpu.memory_space<hbm>> -> memref<256x128xf32, #tpu.memory_space<hbm>>
        %dma_wait3A_257 = arith.constant 0 : i32
        %dma_wait3A_258 = tpu.memref_slice %arg5[%add3A_211, %dma_wait3A_257] : memref<327680x128xf32, #tpu.memory_space<hbm>> -> memref<256x128xf32, #tpu.memory_space<hbm>>
        %dma_wait3A_259 = arith.constant 0 : i32
        %dma_wait3A_260 = arith.constant 0 : i32
        %dma_wait3A_261 = tpu.memref_slice %arg8[%run_scoped3A_236, %dma_wait3A_259, %dma_wait3A_260] : memref<2x256x128xf32, #tpu.memory_space<vmem>> -> memref<1x256x128xf32, #tpu.memory_space<vmem>>
        %dma_wait3A_262 = tpu.memref_squeeze %dma_wait3A_261 : memref<1x256x128xf32, #tpu.memory_space<vmem>> -> memref<256x128xf32, #tpu.memory_space<vmem>>
        tpu.wait_dma2 semaphore(%run_scoped3A_238 : memref<!tpu.dma_semaphore, #tpu.memory_space<semaphore_mem>>) src(%dma_wait3A_262 : memref<256x128xf32, #tpu.memory_space<vmem>>) dst(%dma_wait3A_258 : memref<256x128xf32, #tpu.memory_space<hbm>>)
        tpu.yield
      }) : () -> ()
      %run_scoped3A_237 = arith.constant 1 : i32
      "tpu.region"() ({
        %run_scoped3A_238 = tpu.sem_alloc : memref<!tpu.dma_semaphore, #tpu.memory_space<semaphore_mem>>
        %dma_start3A_239 = arith.constant 0 : i32
        %dma_start3A_240 = arith.constant 0 : i32
        %dma_start3A_241 = tpu.memref_slice %arg9[%run_scoped3A_237, %dma_start3A_239, %dma_start3A_240] : memref<2x256x16xf32, #tpu.memory_space<vmem>> -> memref<1x256x16xf32, #tpu.memory_space<vmem>>
        %dma_start3A_242 = tpu.memref_squeeze %dma_start3A_241 : memref<1x256x16xf32, #tpu.memory_space<vmem>> -> memref<256x16xf32, #tpu.memory_space<vmem>>
        %dma_start3A_243 = arith.constant 0 : i32
        %dma_start3A_244 = tpu.memref_slice %arg6[%add3A_211, %dma_start3A_243] : memref<327680x16xf32, #tpu.memory_space<hbm>> -> memref<256x16xf32, #tpu.memory_space<hbm>>
        %dma_start3A_245 = arith.constant 0 : i32
        %dma_start3A_246 = tpu.memref_slice %arg6[%add3A_211, %dma_start3A_245] : memref<327680x16xf32, #tpu.memory_space<hbm>> -> memref<256x16xf32, #tpu.memory_space<hbm>>
        %dma_start3A_247 = arith.constant 0 : i32
        %dma_start3A_248 = arith.constant 0 : i32
        %dma_start3A_249 = tpu.memref_slice %arg9[%run_scoped3A_237, %dma_start3A_247, %dma_start3A_248] : memref<2x256x16xf32, #tpu.memory_space<vmem>> -> memref<1x256x16xf32, #tpu.memory_space<vmem>>
        %dma_start3A_250 = tpu.memref_squeeze %dma_start3A_249 : memref<1x256x16xf32, #tpu.memory_space<vmem>> -> memref<256x16xf32, #tpu.memory_space<vmem>>
        tpu.enqueue_dma source(%dma_start3A_250 : memref<256x16xf32, #tpu.memory_space<vmem>>) target(%dma_start3A_246 : memref<256x16xf32, #tpu.memory_space<hbm>>) target_semaphore(%run_scoped3A_238 : memref<!tpu.dma_semaphore, #tpu.memory_space<semaphore_mem>>)
        %dma_wait3A_251 = arith.constant 0 : i32
        %dma_wait3A_252 = arith.constant 0 : i32
        %dma_wait3A_253 = tpu.memref_slice %arg9[%run_scoped3A_237, %dma_wait3A_251, %dma_wait3A_252] : memref<2x256x16xf32, #tpu.memory_space<vmem>> -> memref<1x256x16xf32, #tpu.memory_space<vmem>>
        %dma_wait3A_254 = tpu.memref_squeeze %dma_wait3A_253 : memref<1x256x16xf32, #tpu.memory_space<vmem>> -> memref<256x16xf32, #tpu.memory_space<vmem>>
        %dma_wait3A_255 = arith.constant 0 : i32
        %dma_wait3A_256 = tpu.memref_slice %arg6[%add3A_211, %dma_wait3A_255] : memref<327680x16xf32, #tpu.memory_space<hbm>> -> memref<256x16xf32, #tpu.memory_space<hbm>>
        %dma_wait3A_257 = arith.constant 0 : i32
        %dma_wait3A_258 = tpu.memref_slice %arg6[%add3A_211, %dma_wait3A_257] : memref<327680x16xf32, #tpu.memory_space<hbm>> -> memref<256x16xf32, #tpu.memory_space<hbm>>
        %dma_wait3A_259 = arith.constant 0 : i32
        %dma_wait3A_260 = arith.constant 0 : i32
        %dma_wait3A_261 = tpu.memref_slice %arg9[%run_scoped3A_237, %dma_wait3A_259, %dma_wait3A_260] : memref<2x256x16xf32, #tpu.memory_space<vmem>> -> memref<1x256x16xf32, #tpu.memory_space<vmem>>
        %dma_wait3A_262 = tpu.memref_squeeze %dma_wait3A_261 : memref<1x256x16xf32, #tpu.memory_space<vmem>> -> memref<256x16xf32, #tpu.memory_space<vmem>>
        tpu.wait_dma2 semaphore(%run_scoped3A_238 : memref<!tpu.dma_semaphore, #tpu.memory_space<semaphore_mem>>) src(%dma_wait3A_262 : memref<256x16xf32, #tpu.memory_space<vmem>>) dst(%dma_wait3A_258 : memref<256x16xf32, #tpu.memory_space<hbm>>)
        tpu.yield
      }) : () -> ()
    }
    %scan3A_32 = arith.constant 19 : i32
    %add3A_33 = arith.constant 9984 : i32
    %add3A_34 = arith.addi %mul3A_2, %add3A_33 : i32
    %run_scoped3A_35 = arith.constant 1 : i32
    "tpu.region"() ({
      %run_scoped3A_115 = tpu.sem_alloc : memref<!tpu.dma_semaphore, #tpu.memory_space<semaphore_mem>>
      %dma_start3A_116 = arith.constant 0 : i32
      %dma_start3A_117 = tpu.memref_slice %arg7[%run_scoped3A_35, %dma_start3A_116] : memref<2x256xi32, #tpu.memory_space<vmem>> -> memref<1x256xi32, #tpu.memory_space<vmem>>
      %dma_start3A_118 = tpu.memref_squeeze %dma_start3A_117 : memref<1x256xi32, #tpu.memory_space<vmem>> -> memref<256xi32, #tpu.memory_space<vmem>>
      %dma_start3A_119 = tpu.memref_slice %arg4[%add3A_34] : memref<327680xi32, #tpu.memory_space<hbm>> -> memref<256xi32, #tpu.memory_space<hbm>>
      %dma_start3A_120 = arith.constant 0 : i32
      %dma_start3A_121 = tpu.memref_slice %arg7[%run_scoped3A_35, %dma_start3A_120] : memref<2x256xi32, #tpu.memory_space<vmem>> -> memref<1x256xi32, #tpu.memory_space<vmem>>
      %dma_start3A_122 = tpu.memref_squeeze %dma_start3A_121 : memref<1x256xi32, #tpu.memory_space<vmem>> -> memref<256xi32, #tpu.memory_space<vmem>>
      %dma_start3A_123 = tpu.memref_slice %arg4[%add3A_34] : memref<327680xi32, #tpu.memory_space<hbm>> -> memref<256xi32, #tpu.memory_space<hbm>>
      tpu.enqueue_dma source(%dma_start3A_123 : memref<256xi32, #tpu.memory_space<hbm>>) target(%dma_start3A_122 : memref<256xi32, #tpu.memory_space<vmem>>) target_semaphore(%run_scoped3A_115 : memref<!tpu.dma_semaphore, #tpu.memory_space<semaphore_mem>>)
      %dma_wait3A_124 = arith.constant 0 : i32
      %dma_wait3A_125 = tpu.memref_slice %arg7[%run_scoped3A_35, %dma_wait3A_124] : memref<2x256xi32, #tpu.memory_space<vmem>> -> memref<1x256xi32, #tpu.memory_space<vmem>>
      %dma_wait3A_126 = tpu.memref_squeeze %dma_wait3A_125 : memref<1x256xi32, #tpu.memory_space<vmem>> -> memref<256xi32, #tpu.memory_space<vmem>>
      %dma_wait3A_127 = tpu.memref_slice %arg4[%add3A_34] : memref<327680xi32, #tpu.memory_space<hbm>> -> memref<256xi32, #tpu.memory_space<hbm>>
      %dma_wait3A_128 = arith.constant 0 : i32
      %dma_wait3A_129 = tpu.memref_slice %arg7[%run_scoped3A_35, %dma_wait3A_128] : memref<2x256xi32, #tpu.memory_space<vmem>> -> memref<1x256xi32, #tpu.memory_space<vmem>>
      %dma_wait3A_130 = tpu.memref_squeeze %dma_wait3A_129 : memref<1x256xi32, #tpu.memory_space<vmem>> -> memref<256xi32, #tpu.memory_space<vmem>>
      %dma_wait3A_131 = tpu.memref_slice %arg4[%add3A_34] : memref<327680xi32, #tpu.memory_space<hbm>> -> memref<256xi32, #tpu.memory_space<hbm>>
      tpu.wait_dma2 semaphore(%run_scoped3A_115 : memref<!tpu.dma_semaphore, #tpu.memory_space<semaphore_mem>>) src(%dma_wait3A_131 : memref<256xi32, #tpu.memory_space<hbm>>) dst(%dma_wait3A_130 : memref<256xi32, #tpu.memory_space<vmem>>)
      tpu.yield
    }) : () -> ()
    %dma_start3A_36 = arith.constant 1 : i32
    %dma_start3A_37 = arith.constant 1 : i32
    %dma_start3A_38 = arith.constant 0 : i32
    %dma_start3A_39 = arith.constant 0 : i32
    %dma_start3A_40 = tpu.memref_slice %arg8[%dma_start3A_37, %dma_start3A_38, %dma_start3A_39] : memref<2x256x128xf32, #tpu.memory_space<vmem>> -> memref<1x256x128xf32, #tpu.memory_space<vmem>>
    %dma_start3A_41 = tpu.memref_squeeze %dma_start3A_40 : memref<1x256x128xf32, #tpu.memory_space<vmem>> -> memref<256x128xf32, #tpu.memory_space<vmem>>
    %dma_start3A_42 = arith.constant 0 : i32
    %dma_start3A_43 = tpu.memref_slice %arg7[%dma_start3A_36, %dma_start3A_42] : memref<2x256xi32, #tpu.memory_space<vmem>> -> memref<1x256xi32, #tpu.memory_space<vmem>>
    %dma_start3A_44 = tpu.memref_squeeze %dma_start3A_43 : memref<1x256xi32, #tpu.memory_space<vmem>> -> memref<256xi32, #tpu.memory_space<vmem>>
    %dma_start3A_45 = arith.constant 0 : i32
    %dma_start3A_46 = arith.constant 0 : i32
    %dma_start3A_47 = tpu.memref_slice %arg2[%dma_start3A_45, %dma_start3A_46] : memref<10000x128xf32, #tpu.memory_space<hbm>> -> memref<10000x128xf32, #tpu.memory_space<hbm>>
    tpu.enqueue_indirect_dma source(%dma_start3A_47 : memref<10000x128xf32, #tpu.memory_space<hbm>>) target(%dma_start3A_41 : memref<256x128xf32, #tpu.memory_space<vmem>>) offsets(%dma_start3A_44 : memref<256xi32, #tpu.memory_space<vmem>>) semaphore(%arg12 : memref<!tpu.dma_semaphore, #tpu.memory_space<semaphore_mem>>)
    %dma_start3A_48 = arith.constant 1 : i32
    %dma_start3A_49 = arith.constant 1 : i32
    %dma_start3A_50 = arith.constant 0 : i32
    %dma_start3A_51 = arith.constant 0 : i32
    %dma_start3A_52 = tpu.memref_slice %arg9[%dma_start3A_49, %dma_start3A_50, %dma_start3A_51] : memref<2x256x16xf32, #tpu.memory_space<vmem>> -> memref<1x256x16xf32, #tpu.memory_space<vmem>>
    %dma_start3A_53 = tpu.memref_squeeze %dma_start3A_52 : memref<1x256x16xf32, #tpu.memory_space<vmem>> -> memref<256x16xf32, #tpu.memory_space<vmem>>
    %dma_start3A_54 = arith.constant 0 : i32
    %dma_start3A_55 = tpu.memref_slice %arg7[%dma_start3A_48, %dma_start3A_54] : memref<2x256xi32, #tpu.memory_space<vmem>> -> memref<1x256xi32, #tpu.memory_space<vmem>>
    %dma_start3A_56 = tpu.memref_squeeze %dma_start3A_55 : memref<1x256xi32, #tpu.memory_space<vmem>> -> memref<256xi32, #tpu.memory_space<vmem>>
    %dma_start3A_57 = arith.constant 0 : i32
    %dma_start3A_58 = arith.constant 0 : i32
    %dma_start3A_59 = tpu.memref_slice %arg3[%dma_start3A_57, %dma_start3A_58] : memref<10000x16xf32, #tpu.memory_space<hbm>> -> memref<10000x16xf32, #tpu.memory_space<hbm>>
    tpu.enqueue_indirect_dma source(%dma_start3A_59 : memref<10000x16xf32, #tpu.memory_space<hbm>>) target(%dma_start3A_53 : memref<256x16xf32, #tpu.memory_space<vmem>>) offsets(%dma_start3A_56 : memref<256xi32, #tpu.memory_space<vmem>>) semaphore(%arg13 : memref<!tpu.dma_semaphore, #tpu.memory_space<semaphore_mem>>)
    %add3A_60 = arith.constant 9728 : i32
    %add3A_61 = arith.addi %mul3A_2, %add3A_60 : i32
    %dma_wait3A = arith.constant 0 : i32
    %dma_wait3A_62 = arith.constant 0 : i32
    %dma_wait3A_63 = arith.constant 0 : i32
    %dma_wait3A_64 = arith.constant 0 : i32
    %dma_wait3A_65 = tpu.memref_slice %arg8[%dma_wait3A_62, %dma_wait3A_63, %dma_wait3A_64] : memref<2x256x128xf32, #tpu.memory_space<vmem>> -> memref<1x256x128xf32, #tpu.memory_space<vmem>>
    %dma_wait3A_66 = tpu.memref_squeeze %dma_wait3A_65 : memref<1x256x128xf32, #tpu.memory_space<vmem>> -> memref<256x128xf32, #tpu.memory_space<vmem>>
    %dma_wait3A_67 = arith.constant 0 : i32
    %dma_wait3A_68 = tpu.memref_slice %arg7[%dma_wait3A, %dma_wait3A_67] : memref<2x256xi32, #tpu.memory_space<vmem>> -> memref<1x256xi32, #tpu.memory_space<vmem>>
    %dma_wait3A_69 = tpu.memref_squeeze %dma_wait3A_68 : memref<1x256xi32, #tpu.memory_space<vmem>> -> memref<256xi32, #tpu.memory_space<vmem>>
    %dma_wait3A_70 = arith.constant 0 : i32
    %dma_wait3A_71 = arith.constant 0 : i32
    %dma_wait3A_72 = tpu.memref_slice %arg2[%dma_wait3A_70, %dma_wait3A_71] : memref<10000x128xf32, #tpu.memory_space<hbm>> -> memref<10000x128xf32, #tpu.memory_space<hbm>>
    tpu.wait_indirect_dma semaphore(%arg10 : memref<!tpu.dma_semaphore, #tpu.memory_space<semaphore_mem>>) src(%dma_wait3A_72 : memref<10000x128xf32, #tpu.memory_space<hbm>>) dst(%dma_wait3A_66 : memref<256x128xf32, #tpu.memory_space<vmem>>)
    %dma_wait3A_73 = arith.constant 0 : i32
    %dma_wait3A_74 = arith.constant 0 : i32
    %dma_wait3A_75 = arith.constant 0 : i32
    %dma_wait3A_76 = arith.constant 0 : i32
    %dma_wait3A_77 = tpu.memref_slice %arg9[%dma_wait3A_74, %dma_wait3A_75, %dma_wait3A_76] : memref<2x256x16xf32, #tpu.memory_space<vmem>> -> memref<1x256x16xf32, #tpu.memory_space<vmem>>
    %dma_wait3A_78 = tpu.memref_squeeze %dma_wait3A_77 : memref<1x256x16xf32, #tpu.memory_space<vmem>> -> memref<256x16xf32, #tpu.memory_space<vmem>>
    %dma_wait3A_79 = arith.constant 0 : i32
    %dma_wait3A_80 = tpu.memref_slice %arg7[%dma_wait3A_73, %dma_wait3A_79] : memref<2x256xi32, #tpu.memory_space<vmem>> -> memref<1x256xi32, #tpu.memory_space<vmem>>
    %dma_wait3A_81 = tpu.memref_squeeze %dma_wait3A_80 : memref<1x256xi32, #tpu.memory_space<vmem>> -> memref<256xi32, #tpu.memory_space<vmem>>
    %dma_wait3A_82 = arith.constant 0 : i32
    %dma_wait3A_83 = arith.constant 0 : i32
    %dma_wait3A_84 = tpu.memref_slice %arg3[%dma_wait3A_82, %dma_wait3A_83] : memref<10000x16xf32, #tpu.memory_space<hbm>> -> memref<10000x16xf32, #tpu.memory_space<hbm>>
    tpu.wait_indirect_dma semaphore(%arg11 : memref<!tpu.dma_semaphore, #tpu.memory_space<semaphore_mem>>) src(%dma_wait3A_84 : memref<10000x16xf32, #tpu.memory_space<hbm>>) dst(%dma_wait3A_78 : memref<256x16xf32, #tpu.memory_space<vmem>>)
    %run_scoped3A_85 = arith.constant 0 : i32
    "tpu.region"() ({
      %run_scoped3A_115 = tpu.sem_alloc : memref<!tpu.dma_semaphore, #tpu.memory_space<semaphore_mem>>
      %dma_start3A_116 = arith.constant 0 : i32
      %dma_start3A_117 = arith.constant 0 : i32
      %dma_start3A_118 = tpu.memref_slice %arg8[%run_scoped3A_85, %dma_start3A_116, %dma_start3A_117] : memref<2x256x128xf32, #tpu.memory_space<vmem>> -> memref<1x256x128xf32, #tpu.memory_space<vmem>>
      %dma_start3A_119 = tpu.memref_squeeze %dma_start3A_118 : memref<1x256x128xf32, #tpu.memory_space<vmem>> -> memref<256x128xf32, #tpu.memory_space<vmem>>
      %dma_start3A_120 = arith.constant 0 : i32
      %dma_start3A_121 = tpu.memref_slice %arg5[%add3A_61, %dma_start3A_120] : memref<327680x128xf32, #tpu.memory_space<hbm>> -> memref<256x128xf32, #tpu.memory_space<hbm>>
      %dma_start3A_122 = arith.constant 0 : i32
      %dma_start3A_123 = tpu.memref_slice %arg5[%add3A_61, %dma_start3A_122] : memref<327680x128xf32, #tpu.memory_space<hbm>> -> memref<256x128xf32, #tpu.memory_space<hbm>>
      %dma_start3A_124 = arith.constant 0 : i32
      %dma_start3A_125 = arith.constant 0 : i32
      %dma_start3A_126 = tpu.memref_slice %arg8[%run_scoped3A_85, %dma_start3A_124, %dma_start3A_125] : memref<2x256x128xf32, #tpu.memory_space<vmem>> -> memref<1x256x128xf32, #tpu.memory_space<vmem>>
      %dma_start3A_127 = tpu.memref_squeeze %dma_start3A_126 : memref<1x256x128xf32, #tpu.memory_space<vmem>> -> memref<256x128xf32, #tpu.memory_space<vmem>>
      tpu.enqueue_dma source(%dma_start3A_127 : memref<256x128xf32, #tpu.memory_space<vmem>>) target(%dma_start3A_123 : memref<256x128xf32, #tpu.memory_space<hbm>>) target_semaphore(%run_scoped3A_115 : memref<!tpu.dma_semaphore, #tpu.memory_space<semaphore_mem>>)
      %dma_wait3A_128 = arith.constant 0 : i32
      %dma_wait3A_129 = arith.constant 0 : i32
      %dma_wait3A_130 = tpu.memref_slice %arg8[%run_scoped3A_85, %dma_wait3A_128, %dma_wait3A_129] : memref<2x256x128xf32, #tpu.memory_space<vmem>> -> memref<1x256x128xf32, #tpu.memory_space<vmem>>
      %dma_wait3A_131 = tpu.memref_squeeze %dma_wait3A_130 : memref<1x256x128xf32, #tpu.memory_space<vmem>> -> memref<256x128xf32, #tpu.memory_space<vmem>>
      %dma_wait3A_132 = arith.constant 0 : i32
      %dma_wait3A_133 = tpu.memref_slice %arg5[%add3A_61, %dma_wait3A_132] : memref<327680x128xf32, #tpu.memory_space<hbm>> -> memref<256x128xf32, #tpu.memory_space<hbm>>
      %dma_wait3A_134 = arith.constant 0 : i32
      %dma_wait3A_135 = tpu.memref_slice %arg5[%add3A_61, %dma_wait3A_134] : memref<327680x128xf32, #tpu.memory_space<hbm>> -> memref<256x128xf32, #tpu.memory_space<hbm>>
      %dma_wait3A_136 = arith.constant 0 : i32
      %dma_wait3A_137 = arith.constant 0 : i32
      %dma_wait3A_138 = tpu.memref_slice %arg8[%run_scoped3A_85, %dma_wait3A_136, %dma_wait3A_137] : memref<2x256x128xf32, #tpu.memory_space<vmem>> -> memref<1x256x128xf32, #tpu.memory_space<vmem>>
      %dma_wait3A_139 = tpu.memref_squeeze %dma_wait3A_138 : memref<1x256x128xf32, #tpu.memory_space<vmem>> -> memref<256x128xf32, #tpu.memory_space<vmem>>
      tpu.wait_dma2 semaphore(%run_scoped3A_115 : memref<!tpu.dma_semaphore, #tpu.memory_space<semaphore_mem>>) src(%dma_wait3A_139 : memref<256x128xf32, #tpu.memory_space<vmem>>) dst(%dma_wait3A_135 : memref<256x128xf32, #tpu.memory_space<hbm>>)
      tpu.yield
    }) : () -> ()
    %run_scoped3A_86 = arith.constant 0 : i32
    "tpu.region"() ({
      %run_scoped3A_115 = tpu.sem_alloc : memref<!tpu.dma_semaphore, #tpu.memory_space<semaphore_mem>>
      %dma_start3A_116 = arith.constant 0 : i32
      %dma_start3A_117 = arith.constant 0 : i32
      %dma_start3A_118 = tpu.memref_slice %arg9[%run_scoped3A_86, %dma_start3A_116, %dma_start3A_117] : memref<2x256x16xf32, #tpu.memory_space<vmem>> -> memref<1x256x16xf32, #tpu.memory_space<vmem>>
      %dma_start3A_119 = tpu.memref_squeeze %dma_start3A_118 : memref<1x256x16xf32, #tpu.memory_space<vmem>> -> memref<256x16xf32, #tpu.memory_space<vmem>>
      %dma_start3A_120 = arith.constant 0 : i32
      %dma_start3A_121 = tpu.memref_slice %arg6[%add3A_61, %dma_start3A_120] : memref<327680x16xf32, #tpu.memory_space<hbm>> -> memref<256x16xf32, #tpu.memory_space<hbm>>
      %dma_start3A_122 = arith.constant 0 : i32
      %dma_start3A_123 = tpu.memref_slice %arg6[%add3A_61, %dma_start3A_122] : memref<327680x16xf32, #tpu.memory_space<hbm>> -> memref<256x16xf32, #tpu.memory_space<hbm>>
      %dma_start3A_124 = arith.constant 0 : i32
      %dma_start3A_125 = arith.constant 0 : i32
      %dma_start3A_126 = tpu.memref_slice %arg9[%run_scoped3A_86, %dma_start3A_124, %dma_start3A_125] : memref<2x256x16xf32, #tpu.memory_space<vmem>> -> memref<1x256x16xf32, #tpu.memory_space<vmem>>
      %dma_start3A_127 = tpu.memref_squeeze %dma_start3A_126 : memref<1x256x16xf32, #tpu.memory_space<vmem>> -> memref<256x16xf32, #tpu.memory_space<vmem>>
      tpu.enqueue_dma source(%dma_start3A_127 : memref<256x16xf32, #tpu.memory_space<vmem>>) target(%dma_start3A_123 : memref<256x16xf32, #tpu.memory_space<hbm>>) target_semaphore(%run_scoped3A_115 : memref<!tpu.dma_semaphore, #tpu.memory_space<semaphore_mem>>)
      %dma_wait3A_128 = arith.constant 0 : i32
      %dma_wait3A_129 = arith.constant 0 : i32
      %dma_wait3A_130 = tpu.memref_slice %arg9[%run_scoped3A_86, %dma_wait3A_128, %dma_wait3A_129] : memref<2x256x16xf32, #tpu.memory_space<vmem>> -> memref<1x256x16xf32, #tpu.memory_space<vmem>>
      %dma_wait3A_131 = tpu.memref_squeeze %dma_wait3A_130 : memref<1x256x16xf32, #tpu.memory_space<vmem>> -> memref<256x16xf32, #tpu.memory_space<vmem>>
      %dma_wait3A_132 = arith.constant 0 : i32
      %dma_wait3A_133 = tpu.memref_slice %arg6[%add3A_61, %dma_wait3A_132] : memref<327680x16xf32, #tpu.memory_space<hbm>> -> memref<256x16xf32, #tpu.memory_space<hbm>>
      %dma_wait3A_134 = arith.constant 0 : i32
      %dma_wait3A_135 = tpu.memref_slice %arg6[%add3A_61, %dma_wait3A_134] : memref<327680x16xf32, #tpu.memory_space<hbm>> -> memref<256x16xf32, #tpu.memory_space<hbm>>
      %dma_wait3A_136 = arith.constant 0 : i32
      %dma_wait3A_137 = arith.constant 0 : i32
      %dma_wait3A_138 = tpu.memref_slice %arg9[%run_scoped3A_86, %dma_wait3A_136, %dma_wait3A_137] : memref<2x256x16xf32, #tpu.memory_space<vmem>> -> memref<1x256x16xf32, #tpu.memory_space<vmem>>
      %dma_wait3A_139 = tpu.memref_squeeze %dma_wait3A_138 : memref<1x256x16xf32, #tpu.memory_space<vmem>> -> memref<256x16xf32, #tpu.memory_space<vmem>>
      tpu.wait_dma2 semaphore(%run_scoped3A_115 : memref<!tpu.dma_semaphore, #tpu.memory_space<semaphore_mem>>) src(%dma_wait3A_139 : memref<256x16xf32, #tpu.memory_space<vmem>>) dst(%dma_wait3A_135 : memref<256x16xf32, #tpu.memory_space<hbm>>)
      tpu.yield
    }) : () -> ()
    %add3A_87 = arith.constant 9984 : i32
    %add3A_88 = arith.addi %mul3A_2, %add3A_87 : i32
    %dma_wait3A_89 = arith.constant 1 : i32
    %dma_wait3A_90 = arith.constant 1 : i32
    %dma_wait3A_91 = arith.constant 0 : i32
    %dma_wait3A_92 = arith.constant 0 : i32
    %dma_wait3A_93 = tpu.memref_slice %arg8[%dma_wait3A_90, %dma_wait3A_91, %dma_wait3A_92] : memref<2x256x128xf32, #tpu.memory_space<vmem>> -> memref<1x256x128xf32, #tpu.memory_space<vmem>>
    %dma_wait3A_94 = tpu.memref_squeeze %dma_wait3A_93 : memref<1x256x128xf32, #tpu.memory_space<vmem>> -> memref<256x128xf32, #tpu.memory_space<vmem>>
    %dma_wait3A_95 = arith.constant 0 : i32
    %dma_wait3A_96 = tpu.memref_slice %arg7[%dma_wait3A_89, %dma_wait3A_95] : memref<2x256xi32, #tpu.memory_space<vmem>> -> memref<1x256xi32, #tpu.memory_space<vmem>>
    %dma_wait3A_97 = tpu.memref_squeeze %dma_wait3A_96 : memref<1x256xi32, #tpu.memory_space<vmem>> -> memref<256xi32, #tpu.memory_space<vmem>>
    %dma_wait3A_98 = arith.constant 0 : i32
    %dma_wait3A_99 = arith.constant 0 : i32
    %dma_wait3A_100 = tpu.memref_slice %arg2[%dma_wait3A_98, %dma_wait3A_99] : memref<10000x128xf32, #tpu.memory_space<hbm>> -> memref<10000x128xf32, #tpu.memory_space<hbm>>
    tpu.wait_indirect_dma semaphore(%arg12 : memref<!tpu.dma_semaphore, #tpu.memory_space<semaphore_mem>>) src(%dma_wait3A_100 : memref<10000x128xf32, #tpu.memory_space<hbm>>) dst(%dma_wait3A_94 : memref<256x128xf32, #tpu.memory_space<vmem>>)
    %dma_wait3A_101 = arith.constant 1 : i32
    %dma_wait3A_102 = arith.constant 1 : i32
    %dma_wait3A_103 = arith.constant 0 : i32
    %dma_wait3A_104 = arith.constant 0 : i32
    %dma_wait3A_105 = tpu.memref_slice %arg9[%dma_wait3A_102, %dma_wait3A_103, %dma_wait3A_104] : memref<2x256x16xf32, #tpu.memory_space<vmem>> -> memref<1x256x16xf32, #tpu.memory_space<vmem>>
    %dma_wait3A_106 = tpu.memref_squeeze %dma_wait3A_105 : memref<1x256x16xf32, #tpu.memory_space<vmem>> -> memref<256x16xf32, #tpu.memory_space<vmem>>
    %dma_wait3A_107 = arith.constant 0 : i32
    %dma_wait3A_108 = tpu.memref_slice %arg7[%dma_wait3A_101, %dma_wait3A_107] : memref<2x256xi32, #tpu.memory_space<vmem>> -> memref<1x256xi32, #tpu.memory_space<vmem>>
    %dma_wait3A_109 = tpu.memref_squeeze %dma_wait3A_108 : memref<1x256xi32, #tpu.memory_space<vmem>> -> memref<256xi32, #tpu.memory_space<vmem>>
    %dma_wait3A_110 = arith.constant 0 : i32
    %dma_wait3A_111 = arith.constant 0 : i32
    %dma_wait3A_112 = tpu.memref_slice %arg3[%dma_wait3A_110, %dma_wait3A_111] : memref<10000x16xf32, #tpu.memory_space<hbm>> -> memref<10000x16xf32, #tpu.memory_space<hbm>>
    tpu.wait_indirect_dma semaphore(%arg13 : memref<!tpu.dma_semaphore, #tpu.memory_space<semaphore_mem>>) src(%dma_wait3A_112 : memref<10000x16xf32, #tpu.memory_space<hbm>>) dst(%dma_wait3A_106 : memref<256x16xf32, #tpu.memory_space<vmem>>)
    %run_scoped3A_113 = arith.constant 1 : i32
    "tpu.region"() ({
      %run_scoped3A_115 = tpu.sem_alloc : memref<!tpu.dma_semaphore, #tpu.memory_space<semaphore_mem>>
      %dma_start3A_116 = arith.constant 0 : i32
      %dma_start3A_117 = arith.constant 0 : i32
      %dma_start3A_118 = tpu.memref_slice %arg8[%run_scoped3A_113, %dma_start3A_116, %dma_start3A_117] : memref<2x256x128xf32, #tpu.memory_space<vmem>> -> memref<1x256x128xf32, #tpu.memory_space<vmem>>
      %dma_start3A_119 = tpu.memref_squeeze %dma_start3A_118 : memref<1x256x128xf32, #tpu.memory_space<vmem>> -> memref<256x128xf32, #tpu.memory_space<vmem>>
      %dma_start3A_120 = arith.constant 0 : i32
      %dma_start3A_121 = tpu.memref_slice %arg5[%add3A_88, %dma_start3A_120] : memref<327680x128xf32, #tpu.memory_space<hbm>> -> memref<256x128xf32, #tpu.memory_space<hbm>>
      %dma_start3A_122 = arith.constant 0 : i32
      %dma_start3A_123 = tpu.memref_slice %arg5[%add3A_88, %dma_start3A_122] : memref<327680x128xf32, #tpu.memory_space<hbm>> -> memref<256x128xf32, #tpu.memory_space<hbm>>
      %dma_start3A_124 = arith.constant 0 : i32
      %dma_start3A_125 = arith.constant 0 : i32
      %dma_start3A_126 = tpu.memref_slice %arg8[%run_scoped3A_113, %dma_start3A_124, %dma_start3A_125] : memref<2x256x128xf32, #tpu.memory_space<vmem>> -> memref<1x256x128xf32, #tpu.memory_space<vmem>>
      %dma_start3A_127 = tpu.memref_squeeze %dma_start3A_126 : memref<1x256x128xf32, #tpu.memory_space<vmem>> -> memref<256x128xf32, #tpu.memory_space<vmem>>
      tpu.enqueue_dma source(%dma_start3A_127 : memref<256x128xf32, #tpu.memory_space<vmem>>) target(%dma_start3A_123 : memref<256x128xf32, #tpu.memory_space<hbm>>) target_semaphore(%run_scoped3A_115 : memref<!tpu.dma_semaphore, #tpu.memory_space<semaphore_mem>>)
      %dma_wait3A_128 = arith.constant 0 : i32
      %dma_wait3A_129 = arith.constant 0 : i32
      %dma_wait3A_130 = tpu.memref_slice %arg8[%run_scoped3A_113, %dma_wait3A_128, %dma_wait3A_129] : memref<2x256x128xf32, #tpu.memory_space<vmem>> -> memref<1x256x128xf32, #tpu.memory_space<vmem>>
      %dma_wait3A_131 = tpu.memref_squeeze %dma_wait3A_130 : memref<1x256x128xf32, #tpu.memory_space<vmem>> -> memref<256x128xf32, #tpu.memory_space<vmem>>
      %dma_wait3A_132 = arith.constant 0 : i32
      %dma_wait3A_133 = tpu.memref_slice %arg5[%add3A_88, %dma_wait3A_132] : memref<327680x128xf32, #tpu.memory_space<hbm>> -> memref<256x128xf32, #tpu.memory_space<hbm>>
      %dma_wait3A_134 = arith.constant 0 : i32
      %dma_wait3A_135 = tpu.memref_slice %arg5[%add3A_88, %dma_wait3A_134] : memref<327680x128xf32, #tpu.memory_space<hbm>> -> memref<256x128xf32, #tpu.memory_space<hbm>>
      %dma_wait3A_136 = arith.constant 0 : i32
      %dma_wait3A_137 = arith.constant 0 : i32
      %dma_wait3A_138 = tpu.memref_slice %arg8[%run_scoped3A_113, %dma_wait3A_136, %dma_wait3A_137] : memref<2x256x128xf32, #tpu.memory_space<vmem>> -> memref<1x256x128xf32, #tpu.memory_space<vmem>>
      %dma_wait3A_139 = tpu.memref_squeeze %dma_wait3A_138 : memref<1x256x128xf32, #tpu.memory_space<vmem>> -> memref<256x128xf32, #tpu.memory_space<vmem>>
      tpu.wait_dma2 semaphore(%run_scoped3A_115 : memref<!tpu.dma_semaphore, #tpu.memory_space<semaphore_mem>>) src(%dma_wait3A_139 : memref<256x128xf32, #tpu.memory_space<vmem>>) dst(%dma_wait3A_135 : memref<256x128xf32, #tpu.memory_space<hbm>>)
      tpu.yield
    }) : () -> ()
    %run_scoped3A_114 = arith.constant 1 : i32
    "tpu.region"() ({
      %run_scoped3A_115 = tpu.sem_alloc : memref<!tpu.dma_semaphore, #tpu.memory_space<semaphore_mem>>
      %dma_start3A_116 = arith.constant 0 : i32
      %dma_start3A_117 = arith.constant 0 : i32
      %dma_start3A_118 = tpu.memref_slice %arg9[%run_scoped3A_114, %dma_start3A_116, %dma_start3A_117] : memref<2x256x16xf32, #tpu.memory_space<vmem>> -> memref<1x256x16xf32, #tpu.memory_space<vmem>>
      %dma_start3A_119 = tpu.memref_squeeze %dma_start3A_118 : memref<1x256x16xf32, #tpu.memory_space<vmem>> -> memref<256x16xf32, #tpu.memory_space<vmem>>
      %dma_start3A_120 = arith.constant 0 : i32
      %dma_start3A_121 = tpu.memref_slice %arg6[%add3A_88, %dma_start3A_120] : memref<327680x16xf32, #tpu.memory_space<hbm>> -> memref<256x16xf32, #tpu.memory_space<hbm>>
      %dma_start3A_122 = arith.constant 0 : i32
      %dma_start3A_123 = tpu.memref_slice %arg6[%add3A_88, %dma_start3A_122] : memref<327680x16xf32, #tpu.memory_space<hbm>> -> memref<256x16xf32, #tpu.memory_space<hbm>>
      %dma_start3A_124 = arith.constant 0 : i32
      %dma_start3A_125 = arith.constant 0 : i32
      %dma_start3A_126 = tpu.memref_slice %arg9[%run_scoped3A_114, %dma_start3A_124, %dma_start3A_125] : memref<2x256x16xf32, #tpu.memory_space<vmem>> -> memref<1x256x16xf32, #tpu.memory_space<vmem>>
      %dma_start3A_127 = tpu.memref_squeeze %dma_start3A_126 : memref<1x256x16xf32, #tpu.memory_space<vmem>> -> memref<256x16xf32, #tpu.memory_space<vmem>>
      tpu.enqueue_dma source(%dma_start3A_127 : memref<256x16xf32, #tpu.memory_space<vmem>>) target(%dma_start3A_123 : memref<256x16xf32, #tpu.memory_space<hbm>>) target_semaphore(%run_scoped3A_115 : memref<!tpu.dma_semaphore, #tpu.memory_space<semaphore_mem>>)
      %dma_wait3A_128 = arith.constant 0 : i32
      %dma_wait3A_129 = arith.constant 0 : i32
      %dma_wait3A_130 = tpu.memref_slice %arg9[%run_scoped3A_114, %dma_wait3A_128, %dma_wait3A_129] : memref<2x256x16xf32, #tpu.memory_space<vmem>> -> memref<1x256x16xf32, #tpu.memory_space<vmem>>
      %dma_wait3A_131 = tpu.memref_squeeze %dma_wait3A_130 : memref<1x256x16xf32, #tpu.memory_space<vmem>> -> memref<256x16xf32, #tpu.memory_space<vmem>>
      %dma_wait3A_132 = arith.constant 0 : i32
      %dma_wait3A_133 = tpu.memref_slice %arg6[%add3A_88, %dma_wait3A_132] : memref<327680x16xf32, #tpu.memory_space<hbm>> -> memref<256x16xf32, #tpu.memory_space<hbm>>
      %dma_wait3A_134 = arith.constant 0 : i32
      %dma_wait3A_135 = tpu.memref_slice %arg6[%add3A_88, %dma_wait3A_134] : memref<327680x16xf32, #tpu.memory_space<hbm>> -> memref<256x16xf32, #tpu.memory_space<hbm>>
      %dma_wait3A_136 = arith.constant 0 : i32
      %dma_wait3A_137 = arith.constant 0 : i32
      %dma_wait3A_138 = tpu.memref_slice %arg9[%run_scoped3A_114, %dma_wait3A_136, %dma_wait3A_137] : memref<2x256x16xf32, #tpu.memory_space<vmem>> -> memref<1x256x16xf32, #tpu.memory_space<vmem>>
      %dma_wait3A_139 = tpu.memref_squeeze %dma_wait3A_138 : memref<1x256x16xf32, #tpu.memory_space<vmem>> -> memref<256x16xf32, #tpu.memory_space<vmem>>
      tpu.wait_dma2 semaphore(%run_scoped3A_115 : memref<!tpu.dma_semaphore, #tpu.memory_space<semaphore_mem>>) src(%dma_wait3A_139 : memref<256x16xf32, #tpu.memory_space<vmem>>) dst(%dma_wait3A_135 : memref<256x16xf32, #tpu.memory_space<hbm>>)
      tpu.yield
    }) : () -> ()
    return
  }
}

module attributes {stable_mosaic.version = 14 : i64} {
  func.func @_tc_body(%arg0: i32, %arg1: memref<32x128x512xf32, #tpu.memory_space<vmem>>, %arg2: memref<32x512xf32, #tpu.memory_space<vmem>>, %arg3: memref<32x512xf32, #tpu.memory_space<vmem>>, %arg4: memref<32x512xf32, #tpu.memory_space<vmem>>, %arg5: memref<3x512xf32, #tpu.memory_space<vmem>>, %arg6: memref<15x3xf32, #tpu.memory_space<smem>>, %arg7: memref<15x128x128xf32, #tpu.memory_space<vmem>>, %arg8: memref<128x512xf32, #tpu.memory_space<vmem>>) attributes {dimension_semantics = [#tpu.dimension_semantics<arbitrary>], iteration_bounds = array<i64: 20>, scalar_prefetch = 0 : i64, scratch_operands = 0 : i64, tpu.core_type = #tpu.core_type<tc>, window_params = [{transform_indices = @transform_0, window_bounds = array<i64: 32, 128, 512>}, {transform_indices = @transform_1, window_bounds = array<i64: 32, 512>}, {transform_indices = @transform_2, window_bounds = array<i64: 32, 512>}, {transform_indices = @transform_3, window_bounds = array<i64: 32, 512>}, {transform_indices = @transform_4, window_bounds = array<i64: 3, 512>}, {transform_indices = @transform_5, window_bounds = array<i64: 15, 3>}, {pipeline_mode = #tpu.pipeline_mode<synchronous>, transform_indices = @transform_6, window_bounds = array<i64: 15, 128, 128>}, {transform_indices = @transform_7, window_bounds = array<i64: 128, 512>}]} {
    %get3A = arith.constant 0 : index
    %get3A_0 = arith.constant 0 : index
    %get3A_1 = vector.load %arg2[%get3A, %get3A_0] : memref<32x512xf32, #tpu.memory_space<vmem>>, vector<32x512xf32>
    %get3A_2 = arith.constant 0 : index
    %get3A_3 = arith.constant 0 : index
    %get3A_4 = vector.load %arg5[%get3A_2, %get3A_3] : memref<3x512xf32, #tpu.memory_space<vmem>>, vector<1x512xf32>
    %get3A_5 = vector.shape_cast %get3A_4 : vector<1x512xf32> to vector<512xf32>
    %broadcast_in_dim3A = vector.shape_cast %get3A_5 : vector<512xf32> to vector<1x512xf32>
    %sub3A = vector.broadcast %broadcast_in_dim3A : vector<1x512xf32> to vector<32x512xf32>
    %sub3A_6 = arith.subf %get3A_1, %sub3A : vector<32x512xf32>
    %get3A_7 = arith.constant 0 : index
    %get3A_8 = arith.constant 0 : index
    %get3A_9 = vector.load %arg3[%get3A_7, %get3A_8] : memref<32x512xf32, #tpu.memory_space<vmem>>, vector<32x512xf32>
    %get3A_10 = arith.constant 1 : index
    %get3A_11 = arith.constant 0 : index
    %get3A_12 = vector.load %arg5[%get3A_10, %get3A_11] : memref<3x512xf32, #tpu.memory_space<vmem>>, vector<1x512xf32>
    %get3A_13 = vector.shape_cast %get3A_12 : vector<1x512xf32> to vector<512xf32>
    %broadcast_in_dim3A_14 = vector.shape_cast %get3A_13 : vector<512xf32> to vector<1x512xf32>
    %sub3A_15 = vector.broadcast %broadcast_in_dim3A_14 : vector<1x512xf32> to vector<32x512xf32>
    %sub3A_16 = arith.subf %get3A_9, %sub3A_15 : vector<32x512xf32>
    %get3A_17 = arith.constant 0 : index
    %get3A_18 = arith.constant 0 : index
    %get3A_19 = vector.load %arg4[%get3A_17, %get3A_18] : memref<32x512xf32, #tpu.memory_space<vmem>>, vector<32x512xf32>
    %get3A_20 = arith.constant 2 : index
    %get3A_21 = arith.constant 0 : index
    %get3A_22 = vector.load %arg5[%get3A_20, %get3A_21] : memref<3x512xf32, #tpu.memory_space<vmem>>, vector<1x512xf32>
    %get3A_23 = vector.shape_cast %get3A_22 : vector<1x512xf32> to vector<512xf32>
    %broadcast_in_dim3A_24 = vector.shape_cast %get3A_23 : vector<512xf32> to vector<1x512xf32>
    %sub3A_25 = vector.broadcast %broadcast_in_dim3A_24 : vector<1x512xf32> to vector<32x512xf32>
    %sub3A_26 = arith.subf %get3A_19, %sub3A_25 : vector<32x512xf32>
    %broadcast_in_dim3A_27 = arith.constant 0.000000e+00 : f32
    %broadcast_in_dim3A_28 = vector.broadcast %broadcast_in_dim3A_27 : f32 to vector<128x512xf32>
    %scan3A = arith.constant 0 : i32
    %scan3A_29 = arith.constant 15 : i32
    %scan3A_30 = arith.addi %scan3A, %scan3A_29 : i32
    %scan3A_31 = arith.constant 1 : i32
    %scan3A_32 = scf.for %scan3A_36 = %scan3A to %scan3A_30 step %scan3A_31 iter_args(%scan3A_37 = %broadcast_in_dim3A_28) -> (vector<128x512xf32>)  : i32 {
      %get3A_38 = arith.index_cast %scan3A_36 : i32 to index
      %get3A_39 = arith.constant 0 : index
      %get3A_40 = memref.load %arg6[%get3A_38, %get3A_39] : memref<15x3xf32, #tpu.memory_space<smem>>
      %sub3A_41 = vector.broadcast %get3A_40 : f32 to vector<32x512xf32>
      %sub3A_42 = arith.subf %sub3A_6, %sub3A_41 : vector<32x512xf32>
      %get3A_43 = arith.index_cast %scan3A_36 : i32 to index
      %get3A_44 = arith.constant 1 : index
      %get3A_45 = memref.load %arg6[%get3A_43, %get3A_44] : memref<15x3xf32, #tpu.memory_space<smem>>
      %sub3A_46 = vector.broadcast %get3A_45 : f32 to vector<32x512xf32>
      %sub3A_47 = arith.subf %sub3A_16, %sub3A_46 : vector<32x512xf32>
      %get3A_48 = arith.index_cast %scan3A_36 : i32 to index
      %get3A_49 = arith.constant 2 : index
      %get3A_50 = memref.load %arg6[%get3A_48, %get3A_49] : memref<15x3xf32, #tpu.memory_space<smem>>
      %sub3A_51 = vector.broadcast %get3A_50 : f32 to vector<32x512xf32>
      %sub3A_52 = arith.subf %sub3A_26, %sub3A_51 : vector<32x512xf32>
      %mul3A = arith.mulf %sub3A_42, %sub3A_42 : vector<32x512xf32>
      %mul3A_53 = arith.mulf %sub3A_47, %sub3A_47 : vector<32x512xf32>
      %add3A = arith.addf %mul3A, %mul3A_53 : vector<32x512xf32>
      %mul3A_54 = arith.mulf %sub3A_52, %sub3A_52 : vector<32x512xf32>
      %add3A_55 = arith.addf %add3A, %mul3A_54 : vector<32x512xf32>
      %sqrt3A = math.sqrt %add3A_55 : vector<32x512xf32>
      %mul3A_56 = arith.constant 1.000000e+00 : f32
      %mul3A_57 = vector.broadcast %mul3A_56 : f32 to vector<32x512xf32>
      %mul3A_58 = arith.mulf %sqrt3A, %mul3A_57 : vector<32x512xf32>
      %sub3A_59 = arith.constant 1.000000e+00 : f32
      %sub3A_60 = vector.broadcast %sub3A_59 : f32 to vector<32x512xf32>
      %sub3A_61 = arith.subf %sub3A_60, %mul3A_58 : vector<32x512xf32>
      %max3A = arith.constant 0.000000e+00 : f32
      %max3A_62 = vector.broadcast %max3A : f32 to vector<32x512xf32>
      %max3A_63 = arith.maximumf %sub3A_61, %max3A_62 : vector<32x512xf32>
      %broadcast_in_dim3A_64 = arith.constant 0.000000e+00 : f32
      %broadcast_in_dim3A_65 = vector.broadcast %broadcast_in_dim3A_64 : f32 to vector<128x128xf32>
      %slice3A = vector.extract_strided_slice %max3A_63 {offsets = [0, 0], sizes = [1, 128], strides = [1, 1]} : vector<32x512xf32> to vector<1x128xf32>
      %squeeze3A = vector.shape_cast %slice3A : vector<1x128xf32> to vector<128xf32>
      %broadcast_in_dim3A_66 = vector.shape_cast %squeeze3A : vector<128xf32> to vector<1x128xf32>
      %get3A_67 = arith.constant 0 : index
      %get3A_68 = arith.constant 0 : index
      %get3A_69 = arith.constant 0 : index
      %get3A_70 = vector.load %arg1[%get3A_67, %get3A_68, %get3A_69] : memref<32x128x512xf32, #tpu.memory_space<vmem>>, vector<1x128x128xf32>
      %get3A_71 = vector.shape_cast %get3A_70 : vector<1x128x128xf32> to vector<128x128xf32>
      %mul3A_72 = vector.broadcast %broadcast_in_dim3A_66 : vector<1x128xf32> to vector<128x128xf32>
      %mul3A_73 = arith.mulf %mul3A_72, %get3A_71 : vector<128x128xf32>
      %add3A_74 = arith.addf %broadcast_in_dim3A_65, %mul3A_73 : vector<128x128xf32>
      %slice3A_75 = vector.extract_strided_slice %max3A_63 {offsets = [1, 0], sizes = [1, 128], strides = [1, 1]} : vector<32x512xf32> to vector<1x128xf32>
      %squeeze3A_76 = vector.shape_cast %slice3A_75 : vector<1x128xf32> to vector<128xf32>
      %broadcast_in_dim3A_77 = vector.shape_cast %squeeze3A_76 : vector<128xf32> to vector<1x128xf32>
      %get3A_78 = arith.constant 1 : index
      %get3A_79 = arith.constant 0 : index
      %get3A_80 = arith.constant 0 : index
      %get3A_81 = vector.load %arg1[%get3A_78, %get3A_79, %get3A_80] : memref<32x128x512xf32, #tpu.memory_space<vmem>>, vector<1x128x128xf32>
      %get3A_82 = vector.shape_cast %get3A_81 : vector<1x128x128xf32> to vector<128x128xf32>
      %mul3A_83 = vector.broadcast %broadcast_in_dim3A_77 : vector<1x128xf32> to vector<128x128xf32>
      %mul3A_84 = arith.mulf %mul3A_83, %get3A_82 : vector<128x128xf32>
      %add3A_85 = arith.addf %add3A_74, %mul3A_84 : vector<128x128xf32>
      %slice3A_86 = vector.extract_strided_slice %max3A_63 {offsets = [2, 0], sizes = [1, 128], strides = [1, 1]} : vector<32x512xf32> to vector<1x128xf32>
      %squeeze3A_87 = vector.shape_cast %slice3A_86 : vector<1x128xf32> to vector<128xf32>
      %broadcast_in_dim3A_88 = vector.shape_cast %squeeze3A_87 : vector<128xf32> to vector<1x128xf32>
      %get3A_89 = arith.constant 2 : index
      %get3A_90 = arith.constant 0 : index
      %get3A_91 = arith.constant 0 : index
      %get3A_92 = vector.load %arg1[%get3A_89, %get3A_90, %get3A_91] : memref<32x128x512xf32, #tpu.memory_space<vmem>>, vector<1x128x128xf32>
      %get3A_93 = vector.shape_cast %get3A_92 : vector<1x128x128xf32> to vector<128x128xf32>
      %mul3A_94 = vector.broadcast %broadcast_in_dim3A_88 : vector<1x128xf32> to vector<128x128xf32>
      %mul3A_95 = arith.mulf %mul3A_94, %get3A_93 : vector<128x128xf32>
      %add3A_96 = arith.addf %add3A_85, %mul3A_95 : vector<128x128xf32>
      %slice3A_97 = vector.extract_strided_slice %max3A_63 {offsets = [3, 0], sizes = [1, 128], strides = [1, 1]} : vector<32x512xf32> to vector<1x128xf32>
      %squeeze3A_98 = vector.shape_cast %slice3A_97 : vector<1x128xf32> to vector<128xf32>
      %broadcast_in_dim3A_99 = vector.shape_cast %squeeze3A_98 : vector<128xf32> to vector<1x128xf32>
      %get3A_100 = arith.constant 3 : index
      %get3A_101 = arith.constant 0 : index
      %get3A_102 = arith.constant 0 : index
      %get3A_103 = vector.load %arg1[%get3A_100, %get3A_101, %get3A_102] : memref<32x128x512xf32, #tpu.memory_space<vmem>>, vector<1x128x128xf32>
      %get3A_104 = vector.shape_cast %get3A_103 : vector<1x128x128xf32> to vector<128x128xf32>
      %mul3A_105 = vector.broadcast %broadcast_in_dim3A_99 : vector<1x128xf32> to vector<128x128xf32>
      %mul3A_106 = arith.mulf %mul3A_105, %get3A_104 : vector<128x128xf32>
      %add3A_107 = arith.addf %add3A_96, %mul3A_106 : vector<128x128xf32>
      %slice3A_108 = vector.extract_strided_slice %max3A_63 {offsets = [4, 0], sizes = [1, 128], strides = [1, 1]} : vector<32x512xf32> to vector<1x128xf32>
      %squeeze3A_109 = vector.shape_cast %slice3A_108 : vector<1x128xf32> to vector<128xf32>
      %broadcast_in_dim3A_110 = vector.shape_cast %squeeze3A_109 : vector<128xf32> to vector<1x128xf32>
      %get3A_111 = arith.constant 4 : index
      %get3A_112 = arith.constant 0 : index
      %get3A_113 = arith.constant 0 : index
      %get3A_114 = vector.load %arg1[%get3A_111, %get3A_112, %get3A_113] : memref<32x128x512xf32, #tpu.memory_space<vmem>>, vector<1x128x128xf32>
      %get3A_115 = vector.shape_cast %get3A_114 : vector<1x128x128xf32> to vector<128x128xf32>
      %mul3A_116 = vector.broadcast %broadcast_in_dim3A_110 : vector<1x128xf32> to vector<128x128xf32>
      %mul3A_117 = arith.mulf %mul3A_116, %get3A_115 : vector<128x128xf32>
      %add3A_118 = arith.addf %add3A_107, %mul3A_117 : vector<128x128xf32>
      %slice3A_119 = vector.extract_strided_slice %max3A_63 {offsets = [5, 0], sizes = [1, 128], strides = [1, 1]} : vector<32x512xf32> to vector<1x128xf32>
      %squeeze3A_120 = vector.shape_cast %slice3A_119 : vector<1x128xf32> to vector<128xf32>
      %broadcast_in_dim3A_121 = vector.shape_cast %squeeze3A_120 : vector<128xf32> to vector<1x128xf32>
      %get3A_122 = arith.constant 5 : index
      %get3A_123 = arith.constant 0 : index
      %get3A_124 = arith.constant 0 : index
      %get3A_125 = vector.load %arg1[%get3A_122, %get3A_123, %get3A_124] : memref<32x128x512xf32, #tpu.memory_space<vmem>>, vector<1x128x128xf32>
      %get3A_126 = vector.shape_cast %get3A_125 : vector<1x128x128xf32> to vector<128x128xf32>
      %mul3A_127 = vector.broadcast %broadcast_in_dim3A_121 : vector<1x128xf32> to vector<128x128xf32>
      %mul3A_128 = arith.mulf %mul3A_127, %get3A_126 : vector<128x128xf32>
      %add3A_129 = arith.addf %add3A_118, %mul3A_128 : vector<128x128xf32>
      %slice3A_130 = vector.extract_strided_slice %max3A_63 {offsets = [6, 0], sizes = [1, 128], strides = [1, 1]} : vector<32x512xf32> to vector<1x128xf32>
      %squeeze3A_131 = vector.shape_cast %slice3A_130 : vector<1x128xf32> to vector<128xf32>
      %broadcast_in_dim3A_132 = vector.shape_cast %squeeze3A_131 : vector<128xf32> to vector<1x128xf32>
      %get3A_133 = arith.constant 6 : index
      %get3A_134 = arith.constant 0 : index
      %get3A_135 = arith.constant 0 : index
      %get3A_136 = vector.load %arg1[%get3A_133, %get3A_134, %get3A_135] : memref<32x128x512xf32, #tpu.memory_space<vmem>>, vector<1x128x128xf32>
      %get3A_137 = vector.shape_cast %get3A_136 : vector<1x128x128xf32> to vector<128x128xf32>
      %mul3A_138 = vector.broadcast %broadcast_in_dim3A_132 : vector<1x128xf32> to vector<128x128xf32>
      %mul3A_139 = arith.mulf %mul3A_138, %get3A_137 : vector<128x128xf32>
      %add3A_140 = arith.addf %add3A_129, %mul3A_139 : vector<128x128xf32>
      %slice3A_141 = vector.extract_strided_slice %max3A_63 {offsets = [7, 0], sizes = [1, 128], strides = [1, 1]} : vector<32x512xf32> to vector<1x128xf32>
      %squeeze3A_142 = vector.shape_cast %slice3A_141 : vector<1x128xf32> to vector<128xf32>
      %broadcast_in_dim3A_143 = vector.shape_cast %squeeze3A_142 : vector<128xf32> to vector<1x128xf32>
      %get3A_144 = arith.constant 7 : index
      %get3A_145 = arith.constant 0 : index
      %get3A_146 = arith.constant 0 : index
      %get3A_147 = vector.load %arg1[%get3A_144, %get3A_145, %get3A_146] : memref<32x128x512xf32, #tpu.memory_space<vmem>>, vector<1x128x128xf32>
      %get3A_148 = vector.shape_cast %get3A_147 : vector<1x128x128xf32> to vector<128x128xf32>
      %mul3A_149 = vector.broadcast %broadcast_in_dim3A_143 : vector<1x128xf32> to vector<128x128xf32>
      %mul3A_150 = arith.mulf %mul3A_149, %get3A_148 : vector<128x128xf32>
      %add3A_151 = arith.addf %add3A_140, %mul3A_150 : vector<128x128xf32>
      %slice3A_152 = vector.extract_strided_slice %max3A_63 {offsets = [8, 0], sizes = [1, 128], strides = [1, 1]} : vector<32x512xf32> to vector<1x128xf32>
      %squeeze3A_153 = vector.shape_cast %slice3A_152 : vector<1x128xf32> to vector<128xf32>
      %broadcast_in_dim3A_154 = vector.shape_cast %squeeze3A_153 : vector<128xf32> to vector<1x128xf32>
      %get3A_155 = arith.constant 8 : index
      %get3A_156 = arith.constant 0 : index
      %get3A_157 = arith.constant 0 : index
      %get3A_158 = vector.load %arg1[%get3A_155, %get3A_156, %get3A_157] : memref<32x128x512xf32, #tpu.memory_space<vmem>>, vector<1x128x128xf32>
      %get3A_159 = vector.shape_cast %get3A_158 : vector<1x128x128xf32> to vector<128x128xf32>
      %mul3A_160 = vector.broadcast %broadcast_in_dim3A_154 : vector<1x128xf32> to vector<128x128xf32>
      %mul3A_161 = arith.mulf %mul3A_160, %get3A_159 : vector<128x128xf32>
      %add3A_162 = arith.addf %add3A_151, %mul3A_161 : vector<128x128xf32>
      %slice3A_163 = vector.extract_strided_slice %max3A_63 {offsets = [9, 0], sizes = [1, 128], strides = [1, 1]} : vector<32x512xf32> to vector<1x128xf32>
      %squeeze3A_164 = vector.shape_cast %slice3A_163 : vector<1x128xf32> to vector<128xf32>
      %broadcast_in_dim3A_165 = vector.shape_cast %squeeze3A_164 : vector<128xf32> to vector<1x128xf32>
      %get3A_166 = arith.constant 9 : index
      %get3A_167 = arith.constant 0 : index
      %get3A_168 = arith.constant 0 : index
      %get3A_169 = vector.load %arg1[%get3A_166, %get3A_167, %get3A_168] : memref<32x128x512xf32, #tpu.memory_space<vmem>>, vector<1x128x128xf32>
      %get3A_170 = vector.shape_cast %get3A_169 : vector<1x128x128xf32> to vector<128x128xf32>
      %mul3A_171 = vector.broadcast %broadcast_in_dim3A_165 : vector<1x128xf32> to vector<128x128xf32>
      %mul3A_172 = arith.mulf %mul3A_171, %get3A_170 : vector<128x128xf32>
      %add3A_173 = arith.addf %add3A_162, %mul3A_172 : vector<128x128xf32>
      %slice3A_174 = vector.extract_strided_slice %max3A_63 {offsets = [10, 0], sizes = [1, 128], strides = [1, 1]} : vector<32x512xf32> to vector<1x128xf32>
      %squeeze3A_175 = vector.shape_cast %slice3A_174 : vector<1x128xf32> to vector<128xf32>
      %broadcast_in_dim3A_176 = vector.shape_cast %squeeze3A_175 : vector<128xf32> to vector<1x128xf32>
      %get3A_177 = arith.constant 10 : index
      %get3A_178 = arith.constant 0 : index
      %get3A_179 = arith.constant 0 : index
      %get3A_180 = vector.load %arg1[%get3A_177, %get3A_178, %get3A_179] : memref<32x128x512xf32, #tpu.memory_space<vmem>>, vector<1x128x128xf32>
      %get3A_181 = vector.shape_cast %get3A_180 : vector<1x128x128xf32> to vector<128x128xf32>
      %mul3A_182 = vector.broadcast %broadcast_in_dim3A_176 : vector<1x128xf32> to vector<128x128xf32>
      %mul3A_183 = arith.mulf %mul3A_182, %get3A_181 : vector<128x128xf32>
      %add3A_184 = arith.addf %add3A_173, %mul3A_183 : vector<128x128xf32>
      %slice3A_185 = vector.extract_strided_slice %max3A_63 {offsets = [11, 0], sizes = [1, 128], strides = [1, 1]} : vector<32x512xf32> to vector<1x128xf32>
      %squeeze3A_186 = vector.shape_cast %slice3A_185 : vector<1x128xf32> to vector<128xf32>
      %broadcast_in_dim3A_187 = vector.shape_cast %squeeze3A_186 : vector<128xf32> to vector<1x128xf32>
      %get3A_188 = arith.constant 11 : index
      %get3A_189 = arith.constant 0 : index
      %get3A_190 = arith.constant 0 : index
      %get3A_191 = vector.load %arg1[%get3A_188, %get3A_189, %get3A_190] : memref<32x128x512xf32, #tpu.memory_space<vmem>>, vector<1x128x128xf32>
      %get3A_192 = vector.shape_cast %get3A_191 : vector<1x128x128xf32> to vector<128x128xf32>
      %mul3A_193 = vector.broadcast %broadcast_in_dim3A_187 : vector<1x128xf32> to vector<128x128xf32>
      %mul3A_194 = arith.mulf %mul3A_193, %get3A_192 : vector<128x128xf32>
      %add3A_195 = arith.addf %add3A_184, %mul3A_194 : vector<128x128xf32>
      %slice3A_196 = vector.extract_strided_slice %max3A_63 {offsets = [12, 0], sizes = [1, 128], strides = [1, 1]} : vector<32x512xf32> to vector<1x128xf32>
      %squeeze3A_197 = vector.shape_cast %slice3A_196 : vector<1x128xf32> to vector<128xf32>
      %broadcast_in_dim3A_198 = vector.shape_cast %squeeze3A_197 : vector<128xf32> to vector<1x128xf32>
      %get3A_199 = arith.constant 12 : index
      %get3A_200 = arith.constant 0 : index
      %get3A_201 = arith.constant 0 : index
      %get3A_202 = vector.load %arg1[%get3A_199, %get3A_200, %get3A_201] : memref<32x128x512xf32, #tpu.memory_space<vmem>>, vector<1x128x128xf32>
      %get3A_203 = vector.shape_cast %get3A_202 : vector<1x128x128xf32> to vector<128x128xf32>
      %mul3A_204 = vector.broadcast %broadcast_in_dim3A_198 : vector<1x128xf32> to vector<128x128xf32>
      %mul3A_205 = arith.mulf %mul3A_204, %get3A_203 : vector<128x128xf32>
      %add3A_206 = arith.addf %add3A_195, %mul3A_205 : vector<128x128xf32>
      %slice3A_207 = vector.extract_strided_slice %max3A_63 {offsets = [13, 0], sizes = [1, 128], strides = [1, 1]} : vector<32x512xf32> to vector<1x128xf32>
      %squeeze3A_208 = vector.shape_cast %slice3A_207 : vector<1x128xf32> to vector<128xf32>
      %broadcast_in_dim3A_209 = vector.shape_cast %squeeze3A_208 : vector<128xf32> to vector<1x128xf32>
      %get3A_210 = arith.constant 13 : index
      %get3A_211 = arith.constant 0 : index
      %get3A_212 = arith.constant 0 : index
      %get3A_213 = vector.load %arg1[%get3A_210, %get3A_211, %get3A_212] : memref<32x128x512xf32, #tpu.memory_space<vmem>>, vector<1x128x128xf32>
      %get3A_214 = vector.shape_cast %get3A_213 : vector<1x128x128xf32> to vector<128x128xf32>
      %mul3A_215 = vector.broadcast %broadcast_in_dim3A_209 : vector<1x128xf32> to vector<128x128xf32>
      %mul3A_216 = arith.mulf %mul3A_215, %get3A_214 : vector<128x128xf32>
      %add3A_217 = arith.addf %add3A_206, %mul3A_216 : vector<128x128xf32>
      %slice3A_218 = vector.extract_strided_slice %max3A_63 {offsets = [14, 0], sizes = [1, 128], strides = [1, 1]} : vector<32x512xf32> to vector<1x128xf32>
      %squeeze3A_219 = vector.shape_cast %slice3A_218 : vector<1x128xf32> to vector<128xf32>
      %broadcast_in_dim3A_220 = vector.shape_cast %squeeze3A_219 : vector<128xf32> to vector<1x128xf32>
      %get3A_221 = arith.constant 14 : index
      %get3A_222 = arith.constant 0 : index
      %get3A_223 = arith.constant 0 : index
      %get3A_224 = vector.load %arg1[%get3A_221, %get3A_222, %get3A_223] : memref<32x128x512xf32, #tpu.memory_space<vmem>>, vector<1x128x128xf32>
      %get3A_225 = vector.shape_cast %get3A_224 : vector<1x128x128xf32> to vector<128x128xf32>
      %mul3A_226 = vector.broadcast %broadcast_in_dim3A_220 : vector<1x128xf32> to vector<128x128xf32>
      %mul3A_227 = arith.mulf %mul3A_226, %get3A_225 : vector<128x128xf32>
      %add3A_228 = arith.addf %add3A_217, %mul3A_227 : vector<128x128xf32>
      %slice3A_229 = vector.extract_strided_slice %max3A_63 {offsets = [15, 0], sizes = [1, 128], strides = [1, 1]} : vector<32x512xf32> to vector<1x128xf32>
      %squeeze3A_230 = vector.shape_cast %slice3A_229 : vector<1x128xf32> to vector<128xf32>
      %broadcast_in_dim3A_231 = vector.shape_cast %squeeze3A_230 : vector<128xf32> to vector<1x128xf32>
      %get3A_232 = arith.constant 15 : index
      %get3A_233 = arith.constant 0 : index
      %get3A_234 = arith.constant 0 : index
      %get3A_235 = vector.load %arg1[%get3A_232, %get3A_233, %get3A_234] : memref<32x128x512xf32, #tpu.memory_space<vmem>>, vector<1x128x128xf32>
      %get3A_236 = vector.shape_cast %get3A_235 : vector<1x128x128xf32> to vector<128x128xf32>
      %mul3A_237 = vector.broadcast %broadcast_in_dim3A_231 : vector<1x128xf32> to vector<128x128xf32>
      %mul3A_238 = arith.mulf %mul3A_237, %get3A_236 : vector<128x128xf32>
      %add3A_239 = arith.addf %add3A_228, %mul3A_238 : vector<128x128xf32>
      %slice3A_240 = vector.extract_strided_slice %max3A_63 {offsets = [16, 0], sizes = [1, 128], strides = [1, 1]} : vector<32x512xf32> to vector<1x128xf32>
      %squeeze3A_241 = vector.shape_cast %slice3A_240 : vector<1x128xf32> to vector<128xf32>
      %broadcast_in_dim3A_242 = vector.shape_cast %squeeze3A_241 : vector<128xf32> to vector<1x128xf32>
      %get3A_243 = arith.constant 16 : index
      %get3A_244 = arith.constant 0 : index
      %get3A_245 = arith.constant 0 : index
      %get3A_246 = vector.load %arg1[%get3A_243, %get3A_244, %get3A_245] : memref<32x128x512xf32, #tpu.memory_space<vmem>>, vector<1x128x128xf32>
      %get3A_247 = vector.shape_cast %get3A_246 : vector<1x128x128xf32> to vector<128x128xf32>
      %mul3A_248 = vector.broadcast %broadcast_in_dim3A_242 : vector<1x128xf32> to vector<128x128xf32>
      %mul3A_249 = arith.mulf %mul3A_248, %get3A_247 : vector<128x128xf32>
      %add3A_250 = arith.addf %add3A_239, %mul3A_249 : vector<128x128xf32>
      %slice3A_251 = vector.extract_strided_slice %max3A_63 {offsets = [17, 0], sizes = [1, 128], strides = [1, 1]} : vector<32x512xf32> to vector<1x128xf32>
      %squeeze3A_252 = vector.shape_cast %slice3A_251 : vector<1x128xf32> to vector<128xf32>
      %broadcast_in_dim3A_253 = vector.shape_cast %squeeze3A_252 : vector<128xf32> to vector<1x128xf32>
      %get3A_254 = arith.constant 17 : index
      %get3A_255 = arith.constant 0 : index
      %get3A_256 = arith.constant 0 : index
      %get3A_257 = vector.load %arg1[%get3A_254, %get3A_255, %get3A_256] : memref<32x128x512xf32, #tpu.memory_space<vmem>>, vector<1x128x128xf32>
      %get3A_258 = vector.shape_cast %get3A_257 : vector<1x128x128xf32> to vector<128x128xf32>
      %mul3A_259 = vector.broadcast %broadcast_in_dim3A_253 : vector<1x128xf32> to vector<128x128xf32>
      %mul3A_260 = arith.mulf %mul3A_259, %get3A_258 : vector<128x128xf32>
      %add3A_261 = arith.addf %add3A_250, %mul3A_260 : vector<128x128xf32>
      %slice3A_262 = vector.extract_strided_slice %max3A_63 {offsets = [18, 0], sizes = [1, 128], strides = [1, 1]} : vector<32x512xf32> to vector<1x128xf32>
      %squeeze3A_263 = vector.shape_cast %slice3A_262 : vector<1x128xf32> to vector<128xf32>
      %broadcast_in_dim3A_264 = vector.shape_cast %squeeze3A_263 : vector<128xf32> to vector<1x128xf32>
      %get3A_265 = arith.constant 18 : index
      %get3A_266 = arith.constant 0 : index
      %get3A_267 = arith.constant 0 : index
      %get3A_268 = vector.load %arg1[%get3A_265, %get3A_266, %get3A_267] : memref<32x128x512xf32, #tpu.memory_space<vmem>>, vector<1x128x128xf32>
      %get3A_269 = vector.shape_cast %get3A_268 : vector<1x128x128xf32> to vector<128x128xf32>
      %mul3A_270 = vector.broadcast %broadcast_in_dim3A_264 : vector<1x128xf32> to vector<128x128xf32>
      %mul3A_271 = arith.mulf %mul3A_270, %get3A_269 : vector<128x128xf32>
      %add3A_272 = arith.addf %add3A_261, %mul3A_271 : vector<128x128xf32>
      %slice3A_273 = vector.extract_strided_slice %max3A_63 {offsets = [19, 0], sizes = [1, 128], strides = [1, 1]} : vector<32x512xf32> to vector<1x128xf32>
      %squeeze3A_274 = vector.shape_cast %slice3A_273 : vector<1x128xf32> to vector<128xf32>
      %broadcast_in_dim3A_275 = vector.shape_cast %squeeze3A_274 : vector<128xf32> to vector<1x128xf32>
      %get3A_276 = arith.constant 19 : index
      %get3A_277 = arith.constant 0 : index
      %get3A_278 = arith.constant 0 : index
      %get3A_279 = vector.load %arg1[%get3A_276, %get3A_277, %get3A_278] : memref<32x128x512xf32, #tpu.memory_space<vmem>>, vector<1x128x128xf32>
      %get3A_280 = vector.shape_cast %get3A_279 : vector<1x128x128xf32> to vector<128x128xf32>
      %mul3A_281 = vector.broadcast %broadcast_in_dim3A_275 : vector<1x128xf32> to vector<128x128xf32>
      %mul3A_282 = arith.mulf %mul3A_281, %get3A_280 : vector<128x128xf32>
      %add3A_283 = arith.addf %add3A_272, %mul3A_282 : vector<128x128xf32>
      %slice3A_284 = vector.extract_strided_slice %max3A_63 {offsets = [20, 0], sizes = [1, 128], strides = [1, 1]} : vector<32x512xf32> to vector<1x128xf32>
      %squeeze3A_285 = vector.shape_cast %slice3A_284 : vector<1x128xf32> to vector<128xf32>
      %broadcast_in_dim3A_286 = vector.shape_cast %squeeze3A_285 : vector<128xf32> to vector<1x128xf32>
      %get3A_287 = arith.constant 20 : index
      %get3A_288 = arith.constant 0 : index
      %get3A_289 = arith.constant 0 : index
      %get3A_290 = vector.load %arg1[%get3A_287, %get3A_288, %get3A_289] : memref<32x128x512xf32, #tpu.memory_space<vmem>>, vector<1x128x128xf32>
      %get3A_291 = vector.shape_cast %get3A_290 : vector<1x128x128xf32> to vector<128x128xf32>
      %mul3A_292 = vector.broadcast %broadcast_in_dim3A_286 : vector<1x128xf32> to vector<128x128xf32>
      %mul3A_293 = arith.mulf %mul3A_292, %get3A_291 : vector<128x128xf32>
      %add3A_294 = arith.addf %add3A_283, %mul3A_293 : vector<128x128xf32>
      %slice3A_295 = vector.extract_strided_slice %max3A_63 {offsets = [21, 0], sizes = [1, 128], strides = [1, 1]} : vector<32x512xf32> to vector<1x128xf32>
      %squeeze3A_296 = vector.shape_cast %slice3A_295 : vector<1x128xf32> to vector<128xf32>
      %broadcast_in_dim3A_297 = vector.shape_cast %squeeze3A_296 : vector<128xf32> to vector<1x128xf32>
      %get3A_298 = arith.constant 21 : index
      %get3A_299 = arith.constant 0 : index
      %get3A_300 = arith.constant 0 : index
      %get3A_301 = vector.load %arg1[%get3A_298, %get3A_299, %get3A_300] : memref<32x128x512xf32, #tpu.memory_space<vmem>>, vector<1x128x128xf32>
      %get3A_302 = vector.shape_cast %get3A_301 : vector<1x128x128xf32> to vector<128x128xf32>
      %mul3A_303 = vector.broadcast %broadcast_in_dim3A_297 : vector<1x128xf32> to vector<128x128xf32>
      %mul3A_304 = arith.mulf %mul3A_303, %get3A_302 : vector<128x128xf32>
      %add3A_305 = arith.addf %add3A_294, %mul3A_304 : vector<128x128xf32>
      %slice3A_306 = vector.extract_strided_slice %max3A_63 {offsets = [22, 0], sizes = [1, 128], strides = [1, 1]} : vector<32x512xf32> to vector<1x128xf32>
      %squeeze3A_307 = vector.shape_cast %slice3A_306 : vector<1x128xf32> to vector<128xf32>
      %broadcast_in_dim3A_308 = vector.shape_cast %squeeze3A_307 : vector<128xf32> to vector<1x128xf32>
      %get3A_309 = arith.constant 22 : index
      %get3A_310 = arith.constant 0 : index
      %get3A_311 = arith.constant 0 : index
      %get3A_312 = vector.load %arg1[%get3A_309, %get3A_310, %get3A_311] : memref<32x128x512xf32, #tpu.memory_space<vmem>>, vector<1x128x128xf32>
      %get3A_313 = vector.shape_cast %get3A_312 : vector<1x128x128xf32> to vector<128x128xf32>
      %mul3A_314 = vector.broadcast %broadcast_in_dim3A_308 : vector<1x128xf32> to vector<128x128xf32>
      %mul3A_315 = arith.mulf %mul3A_314, %get3A_313 : vector<128x128xf32>
      %add3A_316 = arith.addf %add3A_305, %mul3A_315 : vector<128x128xf32>
      %slice3A_317 = vector.extract_strided_slice %max3A_63 {offsets = [23, 0], sizes = [1, 128], strides = [1, 1]} : vector<32x512xf32> to vector<1x128xf32>
      %squeeze3A_318 = vector.shape_cast %slice3A_317 : vector<1x128xf32> to vector<128xf32>
      %broadcast_in_dim3A_319 = vector.shape_cast %squeeze3A_318 : vector<128xf32> to vector<1x128xf32>
      %get3A_320 = arith.constant 23 : index
      %get3A_321 = arith.constant 0 : index
      %get3A_322 = arith.constant 0 : index
      %get3A_323 = vector.load %arg1[%get3A_320, %get3A_321, %get3A_322] : memref<32x128x512xf32, #tpu.memory_space<vmem>>, vector<1x128x128xf32>
      %get3A_324 = vector.shape_cast %get3A_323 : vector<1x128x128xf32> to vector<128x128xf32>
      %mul3A_325 = vector.broadcast %broadcast_in_dim3A_319 : vector<1x128xf32> to vector<128x128xf32>
      %mul3A_326 = arith.mulf %mul3A_325, %get3A_324 : vector<128x128xf32>
      %add3A_327 = arith.addf %add3A_316, %mul3A_326 : vector<128x128xf32>
      %slice3A_328 = vector.extract_strided_slice %max3A_63 {offsets = [24, 0], sizes = [1, 128], strides = [1, 1]} : vector<32x512xf32> to vector<1x128xf32>
      %squeeze3A_329 = vector.shape_cast %slice3A_328 : vector<1x128xf32> to vector<128xf32>
      %broadcast_in_dim3A_330 = vector.shape_cast %squeeze3A_329 : vector<128xf32> to vector<1x128xf32>
      %get3A_331 = arith.constant 24 : index
      %get3A_332 = arith.constant 0 : index
      %get3A_333 = arith.constant 0 : index
      %get3A_334 = vector.load %arg1[%get3A_331, %get3A_332, %get3A_333] : memref<32x128x512xf32, #tpu.memory_space<vmem>>, vector<1x128x128xf32>
      %get3A_335 = vector.shape_cast %get3A_334 : vector<1x128x128xf32> to vector<128x128xf32>
      %mul3A_336 = vector.broadcast %broadcast_in_dim3A_330 : vector<1x128xf32> to vector<128x128xf32>
      %mul3A_337 = arith.mulf %mul3A_336, %get3A_335 : vector<128x128xf32>
      %add3A_338 = arith.addf %add3A_327, %mul3A_337 : vector<128x128xf32>
      %slice3A_339 = vector.extract_strided_slice %max3A_63 {offsets = [25, 0], sizes = [1, 128], strides = [1, 1]} : vector<32x512xf32> to vector<1x128xf32>
      %squeeze3A_340 = vector.shape_cast %slice3A_339 : vector<1x128xf32> to vector<128xf32>
      %broadcast_in_dim3A_341 = vector.shape_cast %squeeze3A_340 : vector<128xf32> to vector<1x128xf32>
      %get3A_342 = arith.constant 25 : index
      %get3A_343 = arith.constant 0 : index
      %get3A_344 = arith.constant 0 : index
      %get3A_345 = vector.load %arg1[%get3A_342, %get3A_343, %get3A_344] : memref<32x128x512xf32, #tpu.memory_space<vmem>>, vector<1x128x128xf32>
      %get3A_346 = vector.shape_cast %get3A_345 : vector<1x128x128xf32> to vector<128x128xf32>
      %mul3A_347 = vector.broadcast %broadcast_in_dim3A_341 : vector<1x128xf32> to vector<128x128xf32>
      %mul3A_348 = arith.mulf %mul3A_347, %get3A_346 : vector<128x128xf32>
      %add3A_349 = arith.addf %add3A_338, %mul3A_348 : vector<128x128xf32>
      %slice3A_350 = vector.extract_strided_slice %max3A_63 {offsets = [26, 0], sizes = [1, 128], strides = [1, 1]} : vector<32x512xf32> to vector<1x128xf32>
      %squeeze3A_351 = vector.shape_cast %slice3A_350 : vector<1x128xf32> to vector<128xf32>
      %broadcast_in_dim3A_352 = vector.shape_cast %squeeze3A_351 : vector<128xf32> to vector<1x128xf32>
      %get3A_353 = arith.constant 26 : index
      %get3A_354 = arith.constant 0 : index
      %get3A_355 = arith.constant 0 : index
      %get3A_356 = vector.load %arg1[%get3A_353, %get3A_354, %get3A_355] : memref<32x128x512xf32, #tpu.memory_space<vmem>>, vector<1x128x128xf32>
      %get3A_357 = vector.shape_cast %get3A_356 : vector<1x128x128xf32> to vector<128x128xf32>
      %mul3A_358 = vector.broadcast %broadcast_in_dim3A_352 : vector<1x128xf32> to vector<128x128xf32>
      %mul3A_359 = arith.mulf %mul3A_358, %get3A_357 : vector<128x128xf32>
      %add3A_360 = arith.addf %add3A_349, %mul3A_359 : vector<128x128xf32>
      %slice3A_361 = vector.extract_strided_slice %max3A_63 {offsets = [27, 0], sizes = [1, 128], strides = [1, 1]} : vector<32x512xf32> to vector<1x128xf32>
      %squeeze3A_362 = vector.shape_cast %slice3A_361 : vector<1x128xf32> to vector<128xf32>
      %broadcast_in_dim3A_363 = vector.shape_cast %squeeze3A_362 : vector<128xf32> to vector<1x128xf32>
      %get3A_364 = arith.constant 27 : index
      %get3A_365 = arith.constant 0 : index
      %get3A_366 = arith.constant 0 : index
      %get3A_367 = vector.load %arg1[%get3A_364, %get3A_365, %get3A_366] : memref<32x128x512xf32, #tpu.memory_space<vmem>>, vector<1x128x128xf32>
      %get3A_368 = vector.shape_cast %get3A_367 : vector<1x128x128xf32> to vector<128x128xf32>
      %mul3A_369 = vector.broadcast %broadcast_in_dim3A_363 : vector<1x128xf32> to vector<128x128xf32>
      %mul3A_370 = arith.mulf %mul3A_369, %get3A_368 : vector<128x128xf32>
      %add3A_371 = arith.addf %add3A_360, %mul3A_370 : vector<128x128xf32>
      %slice3A_372 = vector.extract_strided_slice %max3A_63 {offsets = [28, 0], sizes = [1, 128], strides = [1, 1]} : vector<32x512xf32> to vector<1x128xf32>
      %squeeze3A_373 = vector.shape_cast %slice3A_372 : vector<1x128xf32> to vector<128xf32>
      %broadcast_in_dim3A_374 = vector.shape_cast %squeeze3A_373 : vector<128xf32> to vector<1x128xf32>
      %get3A_375 = arith.constant 28 : index
      %get3A_376 = arith.constant 0 : index
      %get3A_377 = arith.constant 0 : index
      %get3A_378 = vector.load %arg1[%get3A_375, %get3A_376, %get3A_377] : memref<32x128x512xf32, #tpu.memory_space<vmem>>, vector<1x128x128xf32>
      %get3A_379 = vector.shape_cast %get3A_378 : vector<1x128x128xf32> to vector<128x128xf32>
      %mul3A_380 = vector.broadcast %broadcast_in_dim3A_374 : vector<1x128xf32> to vector<128x128xf32>
      %mul3A_381 = arith.mulf %mul3A_380, %get3A_379 : vector<128x128xf32>
      %add3A_382 = arith.addf %add3A_371, %mul3A_381 : vector<128x128xf32>
      %slice3A_383 = vector.extract_strided_slice %max3A_63 {offsets = [29, 0], sizes = [1, 128], strides = [1, 1]} : vector<32x512xf32> to vector<1x128xf32>
      %squeeze3A_384 = vector.shape_cast %slice3A_383 : vector<1x128xf32> to vector<128xf32>
      %broadcast_in_dim3A_385 = vector.shape_cast %squeeze3A_384 : vector<128xf32> to vector<1x128xf32>
      %get3A_386 = arith.constant 29 : index
      %get3A_387 = arith.constant 0 : index
      %get3A_388 = arith.constant 0 : index
      %get3A_389 = vector.load %arg1[%get3A_386, %get3A_387, %get3A_388] : memref<32x128x512xf32, #tpu.memory_space<vmem>>, vector<1x128x128xf32>
      %get3A_390 = vector.shape_cast %get3A_389 : vector<1x128x128xf32> to vector<128x128xf32>
      %mul3A_391 = vector.broadcast %broadcast_in_dim3A_385 : vector<1x128xf32> to vector<128x128xf32>
      %mul3A_392 = arith.mulf %mul3A_391, %get3A_390 : vector<128x128xf32>
      %add3A_393 = arith.addf %add3A_382, %mul3A_392 : vector<128x128xf32>
      %slice3A_394 = vector.extract_strided_slice %max3A_63 {offsets = [30, 0], sizes = [1, 128], strides = [1, 1]} : vector<32x512xf32> to vector<1x128xf32>
      %squeeze3A_395 = vector.shape_cast %slice3A_394 : vector<1x128xf32> to vector<128xf32>
      %broadcast_in_dim3A_396 = vector.shape_cast %squeeze3A_395 : vector<128xf32> to vector<1x128xf32>
      %get3A_397 = arith.constant 30 : index
      %get3A_398 = arith.constant 0 : index
      %get3A_399 = arith.constant 0 : index
      %get3A_400 = vector.load %arg1[%get3A_397, %get3A_398, %get3A_399] : memref<32x128x512xf32, #tpu.memory_space<vmem>>, vector<1x128x128xf32>
      %get3A_401 = vector.shape_cast %get3A_400 : vector<1x128x128xf32> to vector<128x128xf32>
      %mul3A_402 = vector.broadcast %broadcast_in_dim3A_396 : vector<1x128xf32> to vector<128x128xf32>
      %mul3A_403 = arith.mulf %mul3A_402, %get3A_401 : vector<128x128xf32>
      %add3A_404 = arith.addf %add3A_393, %mul3A_403 : vector<128x128xf32>
      %slice3A_405 = vector.extract_strided_slice %max3A_63 {offsets = [31, 0], sizes = [1, 128], strides = [1, 1]} : vector<32x512xf32> to vector<1x128xf32>
      %squeeze3A_406 = vector.shape_cast %slice3A_405 : vector<1x128xf32> to vector<128xf32>
      %broadcast_in_dim3A_407 = vector.shape_cast %squeeze3A_406 : vector<128xf32> to vector<1x128xf32>
      %get3A_408 = arith.constant 31 : index
      %get3A_409 = arith.constant 0 : index
      %get3A_410 = arith.constant 0 : index
      %get3A_411 = vector.load %arg1[%get3A_408, %get3A_409, %get3A_410] : memref<32x128x512xf32, #tpu.memory_space<vmem>>, vector<1x128x128xf32>
      %get3A_412 = vector.shape_cast %get3A_411 : vector<1x128x128xf32> to vector<128x128xf32>
      %mul3A_413 = vector.broadcast %broadcast_in_dim3A_407 : vector<1x128xf32> to vector<128x128xf32>
      %mul3A_414 = arith.mulf %mul3A_413, %get3A_412 : vector<128x128xf32>
      %add3A_415 = arith.addf %add3A_404, %mul3A_414 : vector<128x128xf32>
      %broadcast_in_dim3A_416 = arith.constant 0.000000e+00 : f32
      %broadcast_in_dim3A_417 = vector.broadcast %broadcast_in_dim3A_416 : f32 to vector<128x128xf32>
      %slice3A_418 = vector.extract_strided_slice %max3A_63 {offsets = [0, 128], sizes = [1, 128], strides = [1, 1]} : vector<32x512xf32> to vector<1x128xf32>
      %squeeze3A_419 = vector.shape_cast %slice3A_418 : vector<1x128xf32> to vector<128xf32>
      %broadcast_in_dim3A_420 = vector.shape_cast %squeeze3A_419 : vector<128xf32> to vector<1x128xf32>
      %get3A_421 = arith.constant 0 : index
      %get3A_422 = arith.constant 0 : index
      %get3A_423 = arith.constant 128 : index
      %get3A_424 = vector.load %arg1[%get3A_421, %get3A_422, %get3A_423] : memref<32x128x512xf32, #tpu.memory_space<vmem>>, vector<1x128x128xf32>
      %get3A_425 = vector.shape_cast %get3A_424 : vector<1x128x128xf32> to vector<128x128xf32>
      %mul3A_426 = vector.broadcast %broadcast_in_dim3A_420 : vector<1x128xf32> to vector<128x128xf32>
      %mul3A_427 = arith.mulf %mul3A_426, %get3A_425 : vector<128x128xf32>
      %add3A_428 = arith.addf %broadcast_in_dim3A_417, %mul3A_427 : vector<128x128xf32>
      %slice3A_429 = vector.extract_strided_slice %max3A_63 {offsets = [1, 128], sizes = [1, 128], strides = [1, 1]} : vector<32x512xf32> to vector<1x128xf32>
      %squeeze3A_430 = vector.shape_cast %slice3A_429 : vector<1x128xf32> to vector<128xf32>
      %broadcast_in_dim3A_431 = vector.shape_cast %squeeze3A_430 : vector<128xf32> to vector<1x128xf32>
      %get3A_432 = arith.constant 1 : index
      %get3A_433 = arith.constant 0 : index
      %get3A_434 = arith.constant 128 : index
      %get3A_435 = vector.load %arg1[%get3A_432, %get3A_433, %get3A_434] : memref<32x128x512xf32, #tpu.memory_space<vmem>>, vector<1x128x128xf32>
      %get3A_436 = vector.shape_cast %get3A_435 : vector<1x128x128xf32> to vector<128x128xf32>
      %mul3A_437 = vector.broadcast %broadcast_in_dim3A_431 : vector<1x128xf32> to vector<128x128xf32>
      %mul3A_438 = arith.mulf %mul3A_437, %get3A_436 : vector<128x128xf32>
      %add3A_439 = arith.addf %add3A_428, %mul3A_438 : vector<128x128xf32>
      %slice3A_440 = vector.extract_strided_slice %max3A_63 {offsets = [2, 128], sizes = [1, 128], strides = [1, 1]} : vector<32x512xf32> to vector<1x128xf32>
      %squeeze3A_441 = vector.shape_cast %slice3A_440 : vector<1x128xf32> to vector<128xf32>
      %broadcast_in_dim3A_442 = vector.shape_cast %squeeze3A_441 : vector<128xf32> to vector<1x128xf32>
      %get3A_443 = arith.constant 2 : index
      %get3A_444 = arith.constant 0 : index
      %get3A_445 = arith.constant 128 : index
      %get3A_446 = vector.load %arg1[%get3A_443, %get3A_444, %get3A_445] : memref<32x128x512xf32, #tpu.memory_space<vmem>>, vector<1x128x128xf32>
      %get3A_447 = vector.shape_cast %get3A_446 : vector<1x128x128xf32> to vector<128x128xf32>
      %mul3A_448 = vector.broadcast %broadcast_in_dim3A_442 : vector<1x128xf32> to vector<128x128xf32>
      %mul3A_449 = arith.mulf %mul3A_448, %get3A_447 : vector<128x128xf32>
      %add3A_450 = arith.addf %add3A_439, %mul3A_449 : vector<128x128xf32>
      %slice3A_451 = vector.extract_strided_slice %max3A_63 {offsets = [3, 128], sizes = [1, 128], strides = [1, 1]} : vector<32x512xf32> to vector<1x128xf32>
      %squeeze3A_452 = vector.shape_cast %slice3A_451 : vector<1x128xf32> to vector<128xf32>
      %broadcast_in_dim3A_453 = vector.shape_cast %squeeze3A_452 : vector<128xf32> to vector<1x128xf32>
      %get3A_454 = arith.constant 3 : index
      %get3A_455 = arith.constant 0 : index
      %get3A_456 = arith.constant 128 : index
      %get3A_457 = vector.load %arg1[%get3A_454, %get3A_455, %get3A_456] : memref<32x128x512xf32, #tpu.memory_space<vmem>>, vector<1x128x128xf32>
      %get3A_458 = vector.shape_cast %get3A_457 : vector<1x128x128xf32> to vector<128x128xf32>
      %mul3A_459 = vector.broadcast %broadcast_in_dim3A_453 : vector<1x128xf32> to vector<128x128xf32>
      %mul3A_460 = arith.mulf %mul3A_459, %get3A_458 : vector<128x128xf32>
      %add3A_461 = arith.addf %add3A_450, %mul3A_460 : vector<128x128xf32>
      %slice3A_462 = vector.extract_strided_slice %max3A_63 {offsets = [4, 128], sizes = [1, 128], strides = [1, 1]} : vector<32x512xf32> to vector<1x128xf32>
      %squeeze3A_463 = vector.shape_cast %slice3A_462 : vector<1x128xf32> to vector<128xf32>
      %broadcast_in_dim3A_464 = vector.shape_cast %squeeze3A_463 : vector<128xf32> to vector<1x128xf32>
      %get3A_465 = arith.constant 4 : index
      %get3A_466 = arith.constant 0 : index
      %get3A_467 = arith.constant 128 : index
      %get3A_468 = vector.load %arg1[%get3A_465, %get3A_466, %get3A_467] : memref<32x128x512xf32, #tpu.memory_space<vmem>>, vector<1x128x128xf32>
      %get3A_469 = vector.shape_cast %get3A_468 : vector<1x128x128xf32> to vector<128x128xf32>
      %mul3A_470 = vector.broadcast %broadcast_in_dim3A_464 : vector<1x128xf32> to vector<128x128xf32>
      %mul3A_471 = arith.mulf %mul3A_470, %get3A_469 : vector<128x128xf32>
      %add3A_472 = arith.addf %add3A_461, %mul3A_471 : vector<128x128xf32>
      %slice3A_473 = vector.extract_strided_slice %max3A_63 {offsets = [5, 128], sizes = [1, 128], strides = [1, 1]} : vector<32x512xf32> to vector<1x128xf32>
      %squeeze3A_474 = vector.shape_cast %slice3A_473 : vector<1x128xf32> to vector<128xf32>
      %broadcast_in_dim3A_475 = vector.shape_cast %squeeze3A_474 : vector<128xf32> to vector<1x128xf32>
      %get3A_476 = arith.constant 5 : index
      %get3A_477 = arith.constant 0 : index
      %get3A_478 = arith.constant 128 : index
      %get3A_479 = vector.load %arg1[%get3A_476, %get3A_477, %get3A_478] : memref<32x128x512xf32, #tpu.memory_space<vmem>>, vector<1x128x128xf32>
      %get3A_480 = vector.shape_cast %get3A_479 : vector<1x128x128xf32> to vector<128x128xf32>
      %mul3A_481 = vector.broadcast %broadcast_in_dim3A_475 : vector<1x128xf32> to vector<128x128xf32>
      %mul3A_482 = arith.mulf %mul3A_481, %get3A_480 : vector<128x128xf32>
      %add3A_483 = arith.addf %add3A_472, %mul3A_482 : vector<128x128xf32>
      %slice3A_484 = vector.extract_strided_slice %max3A_63 {offsets = [6, 128], sizes = [1, 128], strides = [1, 1]} : vector<32x512xf32> to vector<1x128xf32>
      %squeeze3A_485 = vector.shape_cast %slice3A_484 : vector<1x128xf32> to vector<128xf32>
      %broadcast_in_dim3A_486 = vector.shape_cast %squeeze3A_485 : vector<128xf32> to vector<1x128xf32>
      %get3A_487 = arith.constant 6 : index
      %get3A_488 = arith.constant 0 : index
      %get3A_489 = arith.constant 128 : index
      %get3A_490 = vector.load %arg1[%get3A_487, %get3A_488, %get3A_489] : memref<32x128x512xf32, #tpu.memory_space<vmem>>, vector<1x128x128xf32>
      %get3A_491 = vector.shape_cast %get3A_490 : vector<1x128x128xf32> to vector<128x128xf32>
      %mul3A_492 = vector.broadcast %broadcast_in_dim3A_486 : vector<1x128xf32> to vector<128x128xf32>
      %mul3A_493 = arith.mulf %mul3A_492, %get3A_491 : vector<128x128xf32>
      %add3A_494 = arith.addf %add3A_483, %mul3A_493 : vector<128x128xf32>
      %slice3A_495 = vector.extract_strided_slice %max3A_63 {offsets = [7, 128], sizes = [1, 128], strides = [1, 1]} : vector<32x512xf32> to vector<1x128xf32>
      %squeeze3A_496 = vector.shape_cast %slice3A_495 : vector<1x128xf32> to vector<128xf32>
      %broadcast_in_dim3A_497 = vector.shape_cast %squeeze3A_496 : vector<128xf32> to vector<1x128xf32>
      %get3A_498 = arith.constant 7 : index
      %get3A_499 = arith.constant 0 : index
      %get3A_500 = arith.constant 128 : index
      %get3A_501 = vector.load %arg1[%get3A_498, %get3A_499, %get3A_500] : memref<32x128x512xf32, #tpu.memory_space<vmem>>, vector<1x128x128xf32>
      %get3A_502 = vector.shape_cast %get3A_501 : vector<1x128x128xf32> to vector<128x128xf32>
      %mul3A_503 = vector.broadcast %broadcast_in_dim3A_497 : vector<1x128xf32> to vector<128x128xf32>
      %mul3A_504 = arith.mulf %mul3A_503, %get3A_502 : vector<128x128xf32>
      %add3A_505 = arith.addf %add3A_494, %mul3A_504 : vector<128x128xf32>
      %slice3A_506 = vector.extract_strided_slice %max3A_63 {offsets = [8, 128], sizes = [1, 128], strides = [1, 1]} : vector<32x512xf32> to vector<1x128xf32>
      %squeeze3A_507 = vector.shape_cast %slice3A_506 : vector<1x128xf32> to vector<128xf32>
      %broadcast_in_dim3A_508 = vector.shape_cast %squeeze3A_507 : vector<128xf32> to vector<1x128xf32>
      %get3A_509 = arith.constant 8 : index
      %get3A_510 = arith.constant 0 : index
      %get3A_511 = arith.constant 128 : index
      %get3A_512 = vector.load %arg1[%get3A_509, %get3A_510, %get3A_511] : memref<32x128x512xf32, #tpu.memory_space<vmem>>, vector<1x128x128xf32>
      %get3A_513 = vector.shape_cast %get3A_512 : vector<1x128x128xf32> to vector<128x128xf32>
      %mul3A_514 = vector.broadcast %broadcast_in_dim3A_508 : vector<1x128xf32> to vector<128x128xf32>
      %mul3A_515 = arith.mulf %mul3A_514, %get3A_513 : vector<128x128xf32>
      %add3A_516 = arith.addf %add3A_505, %mul3A_515 : vector<128x128xf32>
      %slice3A_517 = vector.extract_strided_slice %max3A_63 {offsets = [9, 128], sizes = [1, 128], strides = [1, 1]} : vector<32x512xf32> to vector<1x128xf32>
      %squeeze3A_518 = vector.shape_cast %slice3A_517 : vector<1x128xf32> to vector<128xf32>
      %broadcast_in_dim3A_519 = vector.shape_cast %squeeze3A_518 : vector<128xf32> to vector<1x128xf32>
      %get3A_520 = arith.constant 9 : index
      %get3A_521 = arith.constant 0 : index
      %get3A_522 = arith.constant 128 : index
      %get3A_523 = vector.load %arg1[%get3A_520, %get3A_521, %get3A_522] : memref<32x128x512xf32, #tpu.memory_space<vmem>>, vector<1x128x128xf32>
      %get3A_524 = vector.shape_cast %get3A_523 : vector<1x128x128xf32> to vector<128x128xf32>
      %mul3A_525 = vector.broadcast %broadcast_in_dim3A_519 : vector<1x128xf32> to vector<128x128xf32>
      %mul3A_526 = arith.mulf %mul3A_525, %get3A_524 : vector<128x128xf32>
      %add3A_527 = arith.addf %add3A_516, %mul3A_526 : vector<128x128xf32>
      %slice3A_528 = vector.extract_strided_slice %max3A_63 {offsets = [10, 128], sizes = [1, 128], strides = [1, 1]} : vector<32x512xf32> to vector<1x128xf32>
      %squeeze3A_529 = vector.shape_cast %slice3A_528 : vector<1x128xf32> to vector<128xf32>
      %broadcast_in_dim3A_530 = vector.shape_cast %squeeze3A_529 : vector<128xf32> to vector<1x128xf32>
      %get3A_531 = arith.constant 10 : index
      %get3A_532 = arith.constant 0 : index
      %get3A_533 = arith.constant 128 : index
      %get3A_534 = vector.load %arg1[%get3A_531, %get3A_532, %get3A_533] : memref<32x128x512xf32, #tpu.memory_space<vmem>>, vector<1x128x128xf32>
      %get3A_535 = vector.shape_cast %get3A_534 : vector<1x128x128xf32> to vector<128x128xf32>
      %mul3A_536 = vector.broadcast %broadcast_in_dim3A_530 : vector<1x128xf32> to vector<128x128xf32>
      %mul3A_537 = arith.mulf %mul3A_536, %get3A_535 : vector<128x128xf32>
      %add3A_538 = arith.addf %add3A_527, %mul3A_537 : vector<128x128xf32>
      %slice3A_539 = vector.extract_strided_slice %max3A_63 {offsets = [11, 128], sizes = [1, 128], strides = [1, 1]} : vector<32x512xf32> to vector<1x128xf32>
      %squeeze3A_540 = vector.shape_cast %slice3A_539 : vector<1x128xf32> to vector<128xf32>
      %broadcast_in_dim3A_541 = vector.shape_cast %squeeze3A_540 : vector<128xf32> to vector<1x128xf32>
      %get3A_542 = arith.constant 11 : index
      %get3A_543 = arith.constant 0 : index
      %get3A_544 = arith.constant 128 : index
      %get3A_545 = vector.load %arg1[%get3A_542, %get3A_543, %get3A_544] : memref<32x128x512xf32, #tpu.memory_space<vmem>>, vector<1x128x128xf32>
      %get3A_546 = vector.shape_cast %get3A_545 : vector<1x128x128xf32> to vector<128x128xf32>
      %mul3A_547 = vector.broadcast %broadcast_in_dim3A_541 : vector<1x128xf32> to vector<128x128xf32>
      %mul3A_548 = arith.mulf %mul3A_547, %get3A_546 : vector<128x128xf32>
      %add3A_549 = arith.addf %add3A_538, %mul3A_548 : vector<128x128xf32>
      %slice3A_550 = vector.extract_strided_slice %max3A_63 {offsets = [12, 128], sizes = [1, 128], strides = [1, 1]} : vector<32x512xf32> to vector<1x128xf32>
      %squeeze3A_551 = vector.shape_cast %slice3A_550 : vector<1x128xf32> to vector<128xf32>
      %broadcast_in_dim3A_552 = vector.shape_cast %squeeze3A_551 : vector<128xf32> to vector<1x128xf32>
      %get3A_553 = arith.constant 12 : index
      %get3A_554 = arith.constant 0 : index
      %get3A_555 = arith.constant 128 : index
      %get3A_556 = vector.load %arg1[%get3A_553, %get3A_554, %get3A_555] : memref<32x128x512xf32, #tpu.memory_space<vmem>>, vector<1x128x128xf32>
      %get3A_557 = vector.shape_cast %get3A_556 : vector<1x128x128xf32> to vector<128x128xf32>
      %mul3A_558 = vector.broadcast %broadcast_in_dim3A_552 : vector<1x128xf32> to vector<128x128xf32>
      %mul3A_559 = arith.mulf %mul3A_558, %get3A_557 : vector<128x128xf32>
      %add3A_560 = arith.addf %add3A_549, %mul3A_559 : vector<128x128xf32>
      %slice3A_561 = vector.extract_strided_slice %max3A_63 {offsets = [13, 128], sizes = [1, 128], strides = [1, 1]} : vector<32x512xf32> to vector<1x128xf32>
      %squeeze3A_562 = vector.shape_cast %slice3A_561 : vector<1x128xf32> to vector<128xf32>
      %broadcast_in_dim3A_563 = vector.shape_cast %squeeze3A_562 : vector<128xf32> to vector<1x128xf32>
      %get3A_564 = arith.constant 13 : index
      %get3A_565 = arith.constant 0 : index
      %get3A_566 = arith.constant 128 : index
      %get3A_567 = vector.load %arg1[%get3A_564, %get3A_565, %get3A_566] : memref<32x128x512xf32, #tpu.memory_space<vmem>>, vector<1x128x128xf32>
      %get3A_568 = vector.shape_cast %get3A_567 : vector<1x128x128xf32> to vector<128x128xf32>
      %mul3A_569 = vector.broadcast %broadcast_in_dim3A_563 : vector<1x128xf32> to vector<128x128xf32>
      %mul3A_570 = arith.mulf %mul3A_569, %get3A_568 : vector<128x128xf32>
      %add3A_571 = arith.addf %add3A_560, %mul3A_570 : vector<128x128xf32>
      %slice3A_572 = vector.extract_strided_slice %max3A_63 {offsets = [14, 128], sizes = [1, 128], strides = [1, 1]} : vector<32x512xf32> to vector<1x128xf32>
      %squeeze3A_573 = vector.shape_cast %slice3A_572 : vector<1x128xf32> to vector<128xf32>
      %broadcast_in_dim3A_574 = vector.shape_cast %squeeze3A_573 : vector<128xf32> to vector<1x128xf32>
      %get3A_575 = arith.constant 14 : index
      %get3A_576 = arith.constant 0 : index
      %get3A_577 = arith.constant 128 : index
      %get3A_578 = vector.load %arg1[%get3A_575, %get3A_576, %get3A_577] : memref<32x128x512xf32, #tpu.memory_space<vmem>>, vector<1x128x128xf32>
      %get3A_579 = vector.shape_cast %get3A_578 : vector<1x128x128xf32> to vector<128x128xf32>
      %mul3A_580 = vector.broadcast %broadcast_in_dim3A_574 : vector<1x128xf32> to vector<128x128xf32>
      %mul3A_581 = arith.mulf %mul3A_580, %get3A_579 : vector<128x128xf32>
      %add3A_582 = arith.addf %add3A_571, %mul3A_581 : vector<128x128xf32>
      %slice3A_583 = vector.extract_strided_slice %max3A_63 {offsets = [15, 128], sizes = [1, 128], strides = [1, 1]} : vector<32x512xf32> to vector<1x128xf32>
      %squeeze3A_584 = vector.shape_cast %slice3A_583 : vector<1x128xf32> to vector<128xf32>
      %broadcast_in_dim3A_585 = vector.shape_cast %squeeze3A_584 : vector<128xf32> to vector<1x128xf32>
      %get3A_586 = arith.constant 15 : index
      %get3A_587 = arith.constant 0 : index
      %get3A_588 = arith.constant 128 : index
      %get3A_589 = vector.load %arg1[%get3A_586, %get3A_587, %get3A_588] : memref<32x128x512xf32, #tpu.memory_space<vmem>>, vector<1x128x128xf32>
      %get3A_590 = vector.shape_cast %get3A_589 : vector<1x128x128xf32> to vector<128x128xf32>
      %mul3A_591 = vector.broadcast %broadcast_in_dim3A_585 : vector<1x128xf32> to vector<128x128xf32>
      %mul3A_592 = arith.mulf %mul3A_591, %get3A_590 : vector<128x128xf32>
      %add3A_593 = arith.addf %add3A_582, %mul3A_592 : vector<128x128xf32>
      %slice3A_594 = vector.extract_strided_slice %max3A_63 {offsets = [16, 128], sizes = [1, 128], strides = [1, 1]} : vector<32x512xf32> to vector<1x128xf32>
      %squeeze3A_595 = vector.shape_cast %slice3A_594 : vector<1x128xf32> to vector<128xf32>
      %broadcast_in_dim3A_596 = vector.shape_cast %squeeze3A_595 : vector<128xf32> to vector<1x128xf32>
      %get3A_597 = arith.constant 16 : index
      %get3A_598 = arith.constant 0 : index
      %get3A_599 = arith.constant 128 : index
      %get3A_600 = vector.load %arg1[%get3A_597, %get3A_598, %get3A_599] : memref<32x128x512xf32, #tpu.memory_space<vmem>>, vector<1x128x128xf32>
      %get3A_601 = vector.shape_cast %get3A_600 : vector<1x128x128xf32> to vector<128x128xf32>
      %mul3A_602 = vector.broadcast %broadcast_in_dim3A_596 : vector<1x128xf32> to vector<128x128xf32>
      %mul3A_603 = arith.mulf %mul3A_602, %get3A_601 : vector<128x128xf32>
      %add3A_604 = arith.addf %add3A_593, %mul3A_603 : vector<128x128xf32>
      %slice3A_605 = vector.extract_strided_slice %max3A_63 {offsets = [17, 128], sizes = [1, 128], strides = [1, 1]} : vector<32x512xf32> to vector<1x128xf32>
      %squeeze3A_606 = vector.shape_cast %slice3A_605 : vector<1x128xf32> to vector<128xf32>
      %broadcast_in_dim3A_607 = vector.shape_cast %squeeze3A_606 : vector<128xf32> to vector<1x128xf32>
      %get3A_608 = arith.constant 17 : index
      %get3A_609 = arith.constant 0 : index
      %get3A_610 = arith.constant 128 : index
      %get3A_611 = vector.load %arg1[%get3A_608, %get3A_609, %get3A_610] : memref<32x128x512xf32, #tpu.memory_space<vmem>>, vector<1x128x128xf32>
      %get3A_612 = vector.shape_cast %get3A_611 : vector<1x128x128xf32> to vector<128x128xf32>
      %mul3A_613 = vector.broadcast %broadcast_in_dim3A_607 : vector<1x128xf32> to vector<128x128xf32>
      %mul3A_614 = arith.mulf %mul3A_613, %get3A_612 : vector<128x128xf32>
      %add3A_615 = arith.addf %add3A_604, %mul3A_614 : vector<128x128xf32>
      %slice3A_616 = vector.extract_strided_slice %max3A_63 {offsets = [18, 128], sizes = [1, 128], strides = [1, 1]} : vector<32x512xf32> to vector<1x128xf32>
      %squeeze3A_617 = vector.shape_cast %slice3A_616 : vector<1x128xf32> to vector<128xf32>
      %broadcast_in_dim3A_618 = vector.shape_cast %squeeze3A_617 : vector<128xf32> to vector<1x128xf32>
      %get3A_619 = arith.constant 18 : index
      %get3A_620 = arith.constant 0 : index
      %get3A_621 = arith.constant 128 : index
      %get3A_622 = vector.load %arg1[%get3A_619, %get3A_620, %get3A_621] : memref<32x128x512xf32, #tpu.memory_space<vmem>>, vector<1x128x128xf32>
      %get3A_623 = vector.shape_cast %get3A_622 : vector<1x128x128xf32> to vector<128x128xf32>
      %mul3A_624 = vector.broadcast %broadcast_in_dim3A_618 : vector<1x128xf32> to vector<128x128xf32>
      %mul3A_625 = arith.mulf %mul3A_624, %get3A_623 : vector<128x128xf32>
      %add3A_626 = arith.addf %add3A_615, %mul3A_625 : vector<128x128xf32>
      %slice3A_627 = vector.extract_strided_slice %max3A_63 {offsets = [19, 128], sizes = [1, 128], strides = [1, 1]} : vector<32x512xf32> to vector<1x128xf32>
      %squeeze3A_628 = vector.shape_cast %slice3A_627 : vector<1x128xf32> to vector<128xf32>
      %broadcast_in_dim3A_629 = vector.shape_cast %squeeze3A_628 : vector<128xf32> to vector<1x128xf32>
      %get3A_630 = arith.constant 19 : index
      %get3A_631 = arith.constant 0 : index
      %get3A_632 = arith.constant 128 : index
      %get3A_633 = vector.load %arg1[%get3A_630, %get3A_631, %get3A_632] : memref<32x128x512xf32, #tpu.memory_space<vmem>>, vector<1x128x128xf32>
      %get3A_634 = vector.shape_cast %get3A_633 : vector<1x128x128xf32> to vector<128x128xf32>
      %mul3A_635 = vector.broadcast %broadcast_in_dim3A_629 : vector<1x128xf32> to vector<128x128xf32>
      %mul3A_636 = arith.mulf %mul3A_635, %get3A_634 : vector<128x128xf32>
      %add3A_637 = arith.addf %add3A_626, %mul3A_636 : vector<128x128xf32>
      %slice3A_638 = vector.extract_strided_slice %max3A_63 {offsets = [20, 128], sizes = [1, 128], strides = [1, 1]} : vector<32x512xf32> to vector<1x128xf32>
      %squeeze3A_639 = vector.shape_cast %slice3A_638 : vector<1x128xf32> to vector<128xf32>
      %broadcast_in_dim3A_640 = vector.shape_cast %squeeze3A_639 : vector<128xf32> to vector<1x128xf32>
      %get3A_641 = arith.constant 20 : index
      %get3A_642 = arith.constant 0 : index
      %get3A_643 = arith.constant 128 : index
      %get3A_644 = vector.load %arg1[%get3A_641, %get3A_642, %get3A_643] : memref<32x128x512xf32, #tpu.memory_space<vmem>>, vector<1x128x128xf32>
      %get3A_645 = vector.shape_cast %get3A_644 : vector<1x128x128xf32> to vector<128x128xf32>
      %mul3A_646 = vector.broadcast %broadcast_in_dim3A_640 : vector<1x128xf32> to vector<128x128xf32>
      %mul3A_647 = arith.mulf %mul3A_646, %get3A_645 : vector<128x128xf32>
      %add3A_648 = arith.addf %add3A_637, %mul3A_647 : vector<128x128xf32>
      %slice3A_649 = vector.extract_strided_slice %max3A_63 {offsets = [21, 128], sizes = [1, 128], strides = [1, 1]} : vector<32x512xf32> to vector<1x128xf32>
      %squeeze3A_650 = vector.shape_cast %slice3A_649 : vector<1x128xf32> to vector<128xf32>
      %broadcast_in_dim3A_651 = vector.shape_cast %squeeze3A_650 : vector<128xf32> to vector<1x128xf32>
      %get3A_652 = arith.constant 21 : index
      %get3A_653 = arith.constant 0 : index
      %get3A_654 = arith.constant 128 : index
      %get3A_655 = vector.load %arg1[%get3A_652, %get3A_653, %get3A_654] : memref<32x128x512xf32, #tpu.memory_space<vmem>>, vector<1x128x128xf32>
      %get3A_656 = vector.shape_cast %get3A_655 : vector<1x128x128xf32> to vector<128x128xf32>
      %mul3A_657 = vector.broadcast %broadcast_in_dim3A_651 : vector<1x128xf32> to vector<128x128xf32>
      %mul3A_658 = arith.mulf %mul3A_657, %get3A_656 : vector<128x128xf32>
      %add3A_659 = arith.addf %add3A_648, %mul3A_658 : vector<128x128xf32>
      %slice3A_660 = vector.extract_strided_slice %max3A_63 {offsets = [22, 128], sizes = [1, 128], strides = [1, 1]} : vector<32x512xf32> to vector<1x128xf32>
      %squeeze3A_661 = vector.shape_cast %slice3A_660 : vector<1x128xf32> to vector<128xf32>
      %broadcast_in_dim3A_662 = vector.shape_cast %squeeze3A_661 : vector<128xf32> to vector<1x128xf32>
      %get3A_663 = arith.constant 22 : index
      %get3A_664 = arith.constant 0 : index
      %get3A_665 = arith.constant 128 : index
      %get3A_666 = vector.load %arg1[%get3A_663, %get3A_664, %get3A_665] : memref<32x128x512xf32, #tpu.memory_space<vmem>>, vector<1x128x128xf32>
      %get3A_667 = vector.shape_cast %get3A_666 : vector<1x128x128xf32> to vector<128x128xf32>
      %mul3A_668 = vector.broadcast %broadcast_in_dim3A_662 : vector<1x128xf32> to vector<128x128xf32>
      %mul3A_669 = arith.mulf %mul3A_668, %get3A_667 : vector<128x128xf32>
      %add3A_670 = arith.addf %add3A_659, %mul3A_669 : vector<128x128xf32>
      %slice3A_671 = vector.extract_strided_slice %max3A_63 {offsets = [23, 128], sizes = [1, 128], strides = [1, 1]} : vector<32x512xf32> to vector<1x128xf32>
      %squeeze3A_672 = vector.shape_cast %slice3A_671 : vector<1x128xf32> to vector<128xf32>
      %broadcast_in_dim3A_673 = vector.shape_cast %squeeze3A_672 : vector<128xf32> to vector<1x128xf32>
      %get3A_674 = arith.constant 23 : index
      %get3A_675 = arith.constant 0 : index
      %get3A_676 = arith.constant 128 : index
      %get3A_677 = vector.load %arg1[%get3A_674, %get3A_675, %get3A_676] : memref<32x128x512xf32, #tpu.memory_space<vmem>>, vector<1x128x128xf32>
      %get3A_678 = vector.shape_cast %get3A_677 : vector<1x128x128xf32> to vector<128x128xf32>
      %mul3A_679 = vector.broadcast %broadcast_in_dim3A_673 : vector<1x128xf32> to vector<128x128xf32>
      %mul3A_680 = arith.mulf %mul3A_679, %get3A_678 : vector<128x128xf32>
      %add3A_681 = arith.addf %add3A_670, %mul3A_680 : vector<128x128xf32>
      %slice3A_682 = vector.extract_strided_slice %max3A_63 {offsets = [24, 128], sizes = [1, 128], strides = [1, 1]} : vector<32x512xf32> to vector<1x128xf32>
      %squeeze3A_683 = vector.shape_cast %slice3A_682 : vector<1x128xf32> to vector<128xf32>
      %broadcast_in_dim3A_684 = vector.shape_cast %squeeze3A_683 : vector<128xf32> to vector<1x128xf32>
      %get3A_685 = arith.constant 24 : index
      %get3A_686 = arith.constant 0 : index
      %get3A_687 = arith.constant 128 : index
      %get3A_688 = vector.load %arg1[%get3A_685, %get3A_686, %get3A_687] : memref<32x128x512xf32, #tpu.memory_space<vmem>>, vector<1x128x128xf32>
      %get3A_689 = vector.shape_cast %get3A_688 : vector<1x128x128xf32> to vector<128x128xf32>
      %mul3A_690 = vector.broadcast %broadcast_in_dim3A_684 : vector<1x128xf32> to vector<128x128xf32>
      %mul3A_691 = arith.mulf %mul3A_690, %get3A_689 : vector<128x128xf32>
      %add3A_692 = arith.addf %add3A_681, %mul3A_691 : vector<128x128xf32>
      %slice3A_693 = vector.extract_strided_slice %max3A_63 {offsets = [25, 128], sizes = [1, 128], strides = [1, 1]} : vector<32x512xf32> to vector<1x128xf32>
      %squeeze3A_694 = vector.shape_cast %slice3A_693 : vector<1x128xf32> to vector<128xf32>
      %broadcast_in_dim3A_695 = vector.shape_cast %squeeze3A_694 : vector<128xf32> to vector<1x128xf32>
      %get3A_696 = arith.constant 25 : index
      %get3A_697 = arith.constant 0 : index
      %get3A_698 = arith.constant 128 : index
      %get3A_699 = vector.load %arg1[%get3A_696, %get3A_697, %get3A_698] : memref<32x128x512xf32, #tpu.memory_space<vmem>>, vector<1x128x128xf32>
      %get3A_700 = vector.shape_cast %get3A_699 : vector<1x128x128xf32> to vector<128x128xf32>
      %mul3A_701 = vector.broadcast %broadcast_in_dim3A_695 : vector<1x128xf32> to vector<128x128xf32>
      %mul3A_702 = arith.mulf %mul3A_701, %get3A_700 : vector<128x128xf32>
      %add3A_703 = arith.addf %add3A_692, %mul3A_702 : vector<128x128xf32>
      %slice3A_704 = vector.extract_strided_slice %max3A_63 {offsets = [26, 128], sizes = [1, 128], strides = [1, 1]} : vector<32x512xf32> to vector<1x128xf32>
      %squeeze3A_705 = vector.shape_cast %slice3A_704 : vector<1x128xf32> to vector<128xf32>
      %broadcast_in_dim3A_706 = vector.shape_cast %squeeze3A_705 : vector<128xf32> to vector<1x128xf32>
      %get3A_707 = arith.constant 26 : index
      %get3A_708 = arith.constant 0 : index
      %get3A_709 = arith.constant 128 : index
      %get3A_710 = vector.load %arg1[%get3A_707, %get3A_708, %get3A_709] : memref<32x128x512xf32, #tpu.memory_space<vmem>>, vector<1x128x128xf32>
      %get3A_711 = vector.shape_cast %get3A_710 : vector<1x128x128xf32> to vector<128x128xf32>
      %mul3A_712 = vector.broadcast %broadcast_in_dim3A_706 : vector<1x128xf32> to vector<128x128xf32>
      %mul3A_713 = arith.mulf %mul3A_712, %get3A_711 : vector<128x128xf32>
      %add3A_714 = arith.addf %add3A_703, %mul3A_713 : vector<128x128xf32>
      %slice3A_715 = vector.extract_strided_slice %max3A_63 {offsets = [27, 128], sizes = [1, 128], strides = [1, 1]} : vector<32x512xf32> to vector<1x128xf32>
      %squeeze3A_716 = vector.shape_cast %slice3A_715 : vector<1x128xf32> to vector<128xf32>
      %broadcast_in_dim3A_717 = vector.shape_cast %squeeze3A_716 : vector<128xf32> to vector<1x128xf32>
      %get3A_718 = arith.constant 27 : index
      %get3A_719 = arith.constant 0 : index
      %get3A_720 = arith.constant 128 : index
      %get3A_721 = vector.load %arg1[%get3A_718, %get3A_719, %get3A_720] : memref<32x128x512xf32, #tpu.memory_space<vmem>>, vector<1x128x128xf32>
      %get3A_722 = vector.shape_cast %get3A_721 : vector<1x128x128xf32> to vector<128x128xf32>
      %mul3A_723 = vector.broadcast %broadcast_in_dim3A_717 : vector<1x128xf32> to vector<128x128xf32>
      %mul3A_724 = arith.mulf %mul3A_723, %get3A_722 : vector<128x128xf32>
      %add3A_725 = arith.addf %add3A_714, %mul3A_724 : vector<128x128xf32>
      %slice3A_726 = vector.extract_strided_slice %max3A_63 {offsets = [28, 128], sizes = [1, 128], strides = [1, 1]} : vector<32x512xf32> to vector<1x128xf32>
      %squeeze3A_727 = vector.shape_cast %slice3A_726 : vector<1x128xf32> to vector<128xf32>
      %broadcast_in_dim3A_728 = vector.shape_cast %squeeze3A_727 : vector<128xf32> to vector<1x128xf32>
      %get3A_729 = arith.constant 28 : index
      %get3A_730 = arith.constant 0 : index
      %get3A_731 = arith.constant 128 : index
      %get3A_732 = vector.load %arg1[%get3A_729, %get3A_730, %get3A_731] : memref<32x128x512xf32, #tpu.memory_space<vmem>>, vector<1x128x128xf32>
      %get3A_733 = vector.shape_cast %get3A_732 : vector<1x128x128xf32> to vector<128x128xf32>
      %mul3A_734 = vector.broadcast %broadcast_in_dim3A_728 : vector<1x128xf32> to vector<128x128xf32>
      %mul3A_735 = arith.mulf %mul3A_734, %get3A_733 : vector<128x128xf32>
      %add3A_736 = arith.addf %add3A_725, %mul3A_735 : vector<128x128xf32>
      %slice3A_737 = vector.extract_strided_slice %max3A_63 {offsets = [29, 128], sizes = [1, 128], strides = [1, 1]} : vector<32x512xf32> to vector<1x128xf32>
      %squeeze3A_738 = vector.shape_cast %slice3A_737 : vector<1x128xf32> to vector<128xf32>
      %broadcast_in_dim3A_739 = vector.shape_cast %squeeze3A_738 : vector<128xf32> to vector<1x128xf32>
      %get3A_740 = arith.constant 29 : index
      %get3A_741 = arith.constant 0 : index
      %get3A_742 = arith.constant 128 : index
      %get3A_743 = vector.load %arg1[%get3A_740, %get3A_741, %get3A_742] : memref<32x128x512xf32, #tpu.memory_space<vmem>>, vector<1x128x128xf32>
      %get3A_744 = vector.shape_cast %get3A_743 : vector<1x128x128xf32> to vector<128x128xf32>
      %mul3A_745 = vector.broadcast %broadcast_in_dim3A_739 : vector<1x128xf32> to vector<128x128xf32>
      %mul3A_746 = arith.mulf %mul3A_745, %get3A_744 : vector<128x128xf32>
      %add3A_747 = arith.addf %add3A_736, %mul3A_746 : vector<128x128xf32>
      %slice3A_748 = vector.extract_strided_slice %max3A_63 {offsets = [30, 128], sizes = [1, 128], strides = [1, 1]} : vector<32x512xf32> to vector<1x128xf32>
      %squeeze3A_749 = vector.shape_cast %slice3A_748 : vector<1x128xf32> to vector<128xf32>
      %broadcast_in_dim3A_750 = vector.shape_cast %squeeze3A_749 : vector<128xf32> to vector<1x128xf32>
      %get3A_751 = arith.constant 30 : index
      %get3A_752 = arith.constant 0 : index
      %get3A_753 = arith.constant 128 : index
      %get3A_754 = vector.load %arg1[%get3A_751, %get3A_752, %get3A_753] : memref<32x128x512xf32, #tpu.memory_space<vmem>>, vector<1x128x128xf32>
      %get3A_755 = vector.shape_cast %get3A_754 : vector<1x128x128xf32> to vector<128x128xf32>
      %mul3A_756 = vector.broadcast %broadcast_in_dim3A_750 : vector<1x128xf32> to vector<128x128xf32>
      %mul3A_757 = arith.mulf %mul3A_756, %get3A_755 : vector<128x128xf32>
      %add3A_758 = arith.addf %add3A_747, %mul3A_757 : vector<128x128xf32>
      %slice3A_759 = vector.extract_strided_slice %max3A_63 {offsets = [31, 128], sizes = [1, 128], strides = [1, 1]} : vector<32x512xf32> to vector<1x128xf32>
      %squeeze3A_760 = vector.shape_cast %slice3A_759 : vector<1x128xf32> to vector<128xf32>
      %broadcast_in_dim3A_761 = vector.shape_cast %squeeze3A_760 : vector<128xf32> to vector<1x128xf32>
      %get3A_762 = arith.constant 31 : index
      %get3A_763 = arith.constant 0 : index
      %get3A_764 = arith.constant 128 : index
      %get3A_765 = vector.load %arg1[%get3A_762, %get3A_763, %get3A_764] : memref<32x128x512xf32, #tpu.memory_space<vmem>>, vector<1x128x128xf32>
      %get3A_766 = vector.shape_cast %get3A_765 : vector<1x128x128xf32> to vector<128x128xf32>
      %mul3A_767 = vector.broadcast %broadcast_in_dim3A_761 : vector<1x128xf32> to vector<128x128xf32>
      %mul3A_768 = arith.mulf %mul3A_767, %get3A_766 : vector<128x128xf32>
      %add3A_769 = arith.addf %add3A_758, %mul3A_768 : vector<128x128xf32>
      %broadcast_in_dim3A_770 = arith.constant 0.000000e+00 : f32
      %broadcast_in_dim3A_771 = vector.broadcast %broadcast_in_dim3A_770 : f32 to vector<128x128xf32>
      %slice3A_772 = vector.extract_strided_slice %max3A_63 {offsets = [0, 256], sizes = [1, 128], strides = [1, 1]} : vector<32x512xf32> to vector<1x128xf32>
      %squeeze3A_773 = vector.shape_cast %slice3A_772 : vector<1x128xf32> to vector<128xf32>
      %broadcast_in_dim3A_774 = vector.shape_cast %squeeze3A_773 : vector<128xf32> to vector<1x128xf32>
      %get3A_775 = arith.constant 0 : index
      %get3A_776 = arith.constant 0 : index
      %get3A_777 = arith.constant 256 : index
      %get3A_778 = vector.load %arg1[%get3A_775, %get3A_776, %get3A_777] : memref<32x128x512xf32, #tpu.memory_space<vmem>>, vector<1x128x128xf32>
      %get3A_779 = vector.shape_cast %get3A_778 : vector<1x128x128xf32> to vector<128x128xf32>
      %mul3A_780 = vector.broadcast %broadcast_in_dim3A_774 : vector<1x128xf32> to vector<128x128xf32>
      %mul3A_781 = arith.mulf %mul3A_780, %get3A_779 : vector<128x128xf32>
      %add3A_782 = arith.addf %broadcast_in_dim3A_771, %mul3A_781 : vector<128x128xf32>
      %slice3A_783 = vector.extract_strided_slice %max3A_63 {offsets = [1, 256], sizes = [1, 128], strides = [1, 1]} : vector<32x512xf32> to vector<1x128xf32>
      %squeeze3A_784 = vector.shape_cast %slice3A_783 : vector<1x128xf32> to vector<128xf32>
      %broadcast_in_dim3A_785 = vector.shape_cast %squeeze3A_784 : vector<128xf32> to vector<1x128xf32>
      %get3A_786 = arith.constant 1 : index
      %get3A_787 = arith.constant 0 : index
      %get3A_788 = arith.constant 256 : index
      %get3A_789 = vector.load %arg1[%get3A_786, %get3A_787, %get3A_788] : memref<32x128x512xf32, #tpu.memory_space<vmem>>, vector<1x128x128xf32>
      %get3A_790 = vector.shape_cast %get3A_789 : vector<1x128x128xf32> to vector<128x128xf32>
      %mul3A_791 = vector.broadcast %broadcast_in_dim3A_785 : vector<1x128xf32> to vector<128x128xf32>
      %mul3A_792 = arith.mulf %mul3A_791, %get3A_790 : vector<128x128xf32>
      %add3A_793 = arith.addf %add3A_782, %mul3A_792 : vector<128x128xf32>
      %slice3A_794 = vector.extract_strided_slice %max3A_63 {offsets = [2, 256], sizes = [1, 128], strides = [1, 1]} : vector<32x512xf32> to vector<1x128xf32>
      %squeeze3A_795 = vector.shape_cast %slice3A_794 : vector<1x128xf32> to vector<128xf32>
      %broadcast_in_dim3A_796 = vector.shape_cast %squeeze3A_795 : vector<128xf32> to vector<1x128xf32>
      %get3A_797 = arith.constant 2 : index
      %get3A_798 = arith.constant 0 : index
      %get3A_799 = arith.constant 256 : index
      %get3A_800 = vector.load %arg1[%get3A_797, %get3A_798, %get3A_799] : memref<32x128x512xf32, #tpu.memory_space<vmem>>, vector<1x128x128xf32>
      %get3A_801 = vector.shape_cast %get3A_800 : vector<1x128x128xf32> to vector<128x128xf32>
      %mul3A_802 = vector.broadcast %broadcast_in_dim3A_796 : vector<1x128xf32> to vector<128x128xf32>
      %mul3A_803 = arith.mulf %mul3A_802, %get3A_801 : vector<128x128xf32>
      %add3A_804 = arith.addf %add3A_793, %mul3A_803 : vector<128x128xf32>
      %slice3A_805 = vector.extract_strided_slice %max3A_63 {offsets = [3, 256], sizes = [1, 128], strides = [1, 1]} : vector<32x512xf32> to vector<1x128xf32>
      %squeeze3A_806 = vector.shape_cast %slice3A_805 : vector<1x128xf32> to vector<128xf32>
      %broadcast_in_dim3A_807 = vector.shape_cast %squeeze3A_806 : vector<128xf32> to vector<1x128xf32>
      %get3A_808 = arith.constant 3 : index
      %get3A_809 = arith.constant 0 : index
      %get3A_810 = arith.constant 256 : index
      %get3A_811 = vector.load %arg1[%get3A_808, %get3A_809, %get3A_810] : memref<32x128x512xf32, #tpu.memory_space<vmem>>, vector<1x128x128xf32>
      %get3A_812 = vector.shape_cast %get3A_811 : vector<1x128x128xf32> to vector<128x128xf32>
      %mul3A_813 = vector.broadcast %broadcast_in_dim3A_807 : vector<1x128xf32> to vector<128x128xf32>
      %mul3A_814 = arith.mulf %mul3A_813, %get3A_812 : vector<128x128xf32>
      %add3A_815 = arith.addf %add3A_804, %mul3A_814 : vector<128x128xf32>
      %slice3A_816 = vector.extract_strided_slice %max3A_63 {offsets = [4, 256], sizes = [1, 128], strides = [1, 1]} : vector<32x512xf32> to vector<1x128xf32>
      %squeeze3A_817 = vector.shape_cast %slice3A_816 : vector<1x128xf32> to vector<128xf32>
      %broadcast_in_dim3A_818 = vector.shape_cast %squeeze3A_817 : vector<128xf32> to vector<1x128xf32>
      %get3A_819 = arith.constant 4 : index
      %get3A_820 = arith.constant 0 : index
      %get3A_821 = arith.constant 256 : index
      %get3A_822 = vector.load %arg1[%get3A_819, %get3A_820, %get3A_821] : memref<32x128x512xf32, #tpu.memory_space<vmem>>, vector<1x128x128xf32>
      %get3A_823 = vector.shape_cast %get3A_822 : vector<1x128x128xf32> to vector<128x128xf32>
      %mul3A_824 = vector.broadcast %broadcast_in_dim3A_818 : vector<1x128xf32> to vector<128x128xf32>
      %mul3A_825 = arith.mulf %mul3A_824, %get3A_823 : vector<128x128xf32>
      %add3A_826 = arith.addf %add3A_815, %mul3A_825 : vector<128x128xf32>
      %slice3A_827 = vector.extract_strided_slice %max3A_63 {offsets = [5, 256], sizes = [1, 128], strides = [1, 1]} : vector<32x512xf32> to vector<1x128xf32>
      %squeeze3A_828 = vector.shape_cast %slice3A_827 : vector<1x128xf32> to vector<128xf32>
      %broadcast_in_dim3A_829 = vector.shape_cast %squeeze3A_828 : vector<128xf32> to vector<1x128xf32>
      %get3A_830 = arith.constant 5 : index
      %get3A_831 = arith.constant 0 : index
      %get3A_832 = arith.constant 256 : index
      %get3A_833 = vector.load %arg1[%get3A_830, %get3A_831, %get3A_832] : memref<32x128x512xf32, #tpu.memory_space<vmem>>, vector<1x128x128xf32>
      %get3A_834 = vector.shape_cast %get3A_833 : vector<1x128x128xf32> to vector<128x128xf32>
      %mul3A_835 = vector.broadcast %broadcast_in_dim3A_829 : vector<1x128xf32> to vector<128x128xf32>
      %mul3A_836 = arith.mulf %mul3A_835, %get3A_834 : vector<128x128xf32>
      %add3A_837 = arith.addf %add3A_826, %mul3A_836 : vector<128x128xf32>
      %slice3A_838 = vector.extract_strided_slice %max3A_63 {offsets = [6, 256], sizes = [1, 128], strides = [1, 1]} : vector<32x512xf32> to vector<1x128xf32>
      %squeeze3A_839 = vector.shape_cast %slice3A_838 : vector<1x128xf32> to vector<128xf32>
      %broadcast_in_dim3A_840 = vector.shape_cast %squeeze3A_839 : vector<128xf32> to vector<1x128xf32>
      %get3A_841 = arith.constant 6 : index
      %get3A_842 = arith.constant 0 : index
      %get3A_843 = arith.constant 256 : index
      %get3A_844 = vector.load %arg1[%get3A_841, %get3A_842, %get3A_843] : memref<32x128x512xf32, #tpu.memory_space<vmem>>, vector<1x128x128xf32>
      %get3A_845 = vector.shape_cast %get3A_844 : vector<1x128x128xf32> to vector<128x128xf32>
      %mul3A_846 = vector.broadcast %broadcast_in_dim3A_840 : vector<1x128xf32> to vector<128x128xf32>
      %mul3A_847 = arith.mulf %mul3A_846, %get3A_845 : vector<128x128xf32>
      %add3A_848 = arith.addf %add3A_837, %mul3A_847 : vector<128x128xf32>
      %slice3A_849 = vector.extract_strided_slice %max3A_63 {offsets = [7, 256], sizes = [1, 128], strides = [1, 1]} : vector<32x512xf32> to vector<1x128xf32>
      %squeeze3A_850 = vector.shape_cast %slice3A_849 : vector<1x128xf32> to vector<128xf32>
      %broadcast_in_dim3A_851 = vector.shape_cast %squeeze3A_850 : vector<128xf32> to vector<1x128xf32>
      %get3A_852 = arith.constant 7 : index
      %get3A_853 = arith.constant 0 : index
      %get3A_854 = arith.constant 256 : index
      %get3A_855 = vector.load %arg1[%get3A_852, %get3A_853, %get3A_854] : memref<32x128x512xf32, #tpu.memory_space<vmem>>, vector<1x128x128xf32>
      %get3A_856 = vector.shape_cast %get3A_855 : vector<1x128x128xf32> to vector<128x128xf32>
      %mul3A_857 = vector.broadcast %broadcast_in_dim3A_851 : vector<1x128xf32> to vector<128x128xf32>
      %mul3A_858 = arith.mulf %mul3A_857, %get3A_856 : vector<128x128xf32>
      %add3A_859 = arith.addf %add3A_848, %mul3A_858 : vector<128x128xf32>
      %slice3A_860 = vector.extract_strided_slice %max3A_63 {offsets = [8, 256], sizes = [1, 128], strides = [1, 1]} : vector<32x512xf32> to vector<1x128xf32>
      %squeeze3A_861 = vector.shape_cast %slice3A_860 : vector<1x128xf32> to vector<128xf32>
      %broadcast_in_dim3A_862 = vector.shape_cast %squeeze3A_861 : vector<128xf32> to vector<1x128xf32>
      %get3A_863 = arith.constant 8 : index
      %get3A_864 = arith.constant 0 : index
      %get3A_865 = arith.constant 256 : index
      %get3A_866 = vector.load %arg1[%get3A_863, %get3A_864, %get3A_865] : memref<32x128x512xf32, #tpu.memory_space<vmem>>, vector<1x128x128xf32>
      %get3A_867 = vector.shape_cast %get3A_866 : vector<1x128x128xf32> to vector<128x128xf32>
      %mul3A_868 = vector.broadcast %broadcast_in_dim3A_862 : vector<1x128xf32> to vector<128x128xf32>
      %mul3A_869 = arith.mulf %mul3A_868, %get3A_867 : vector<128x128xf32>
      %add3A_870 = arith.addf %add3A_859, %mul3A_869 : vector<128x128xf32>
      %slice3A_871 = vector.extract_strided_slice %max3A_63 {offsets = [9, 256], sizes = [1, 128], strides = [1, 1]} : vector<32x512xf32> to vector<1x128xf32>
      %squeeze3A_872 = vector.shape_cast %slice3A_871 : vector<1x128xf32> to vector<128xf32>
      %broadcast_in_dim3A_873 = vector.shape_cast %squeeze3A_872 : vector<128xf32> to vector<1x128xf32>
      %get3A_874 = arith.constant 9 : index
      %get3A_875 = arith.constant 0 : index
      %get3A_876 = arith.constant 256 : index
      %get3A_877 = vector.load %arg1[%get3A_874, %get3A_875, %get3A_876] : memref<32x128x512xf32, #tpu.memory_space<vmem>>, vector<1x128x128xf32>
      %get3A_878 = vector.shape_cast %get3A_877 : vector<1x128x128xf32> to vector<128x128xf32>
      %mul3A_879 = vector.broadcast %broadcast_in_dim3A_873 : vector<1x128xf32> to vector<128x128xf32>
      %mul3A_880 = arith.mulf %mul3A_879, %get3A_878 : vector<128x128xf32>
      %add3A_881 = arith.addf %add3A_870, %mul3A_880 : vector<128x128xf32>
      %slice3A_882 = vector.extract_strided_slice %max3A_63 {offsets = [10, 256], sizes = [1, 128], strides = [1, 1]} : vector<32x512xf32> to vector<1x128xf32>
      %squeeze3A_883 = vector.shape_cast %slice3A_882 : vector<1x128xf32> to vector<128xf32>
      %broadcast_in_dim3A_884 = vector.shape_cast %squeeze3A_883 : vector<128xf32> to vector<1x128xf32>
      %get3A_885 = arith.constant 10 : index
      %get3A_886 = arith.constant 0 : index
      %get3A_887 = arith.constant 256 : index
      %get3A_888 = vector.load %arg1[%get3A_885, %get3A_886, %get3A_887] : memref<32x128x512xf32, #tpu.memory_space<vmem>>, vector<1x128x128xf32>
      %get3A_889 = vector.shape_cast %get3A_888 : vector<1x128x128xf32> to vector<128x128xf32>
      %mul3A_890 = vector.broadcast %broadcast_in_dim3A_884 : vector<1x128xf32> to vector<128x128xf32>
      %mul3A_891 = arith.mulf %mul3A_890, %get3A_889 : vector<128x128xf32>
      %add3A_892 = arith.addf %add3A_881, %mul3A_891 : vector<128x128xf32>
      %slice3A_893 = vector.extract_strided_slice %max3A_63 {offsets = [11, 256], sizes = [1, 128], strides = [1, 1]} : vector<32x512xf32> to vector<1x128xf32>
      %squeeze3A_894 = vector.shape_cast %slice3A_893 : vector<1x128xf32> to vector<128xf32>
      %broadcast_in_dim3A_895 = vector.shape_cast %squeeze3A_894 : vector<128xf32> to vector<1x128xf32>
      %get3A_896 = arith.constant 11 : index
      %get3A_897 = arith.constant 0 : index
      %get3A_898 = arith.constant 256 : index
      %get3A_899 = vector.load %arg1[%get3A_896, %get3A_897, %get3A_898] : memref<32x128x512xf32, #tpu.memory_space<vmem>>, vector<1x128x128xf32>
      %get3A_900 = vector.shape_cast %get3A_899 : vector<1x128x128xf32> to vector<128x128xf32>
      %mul3A_901 = vector.broadcast %broadcast_in_dim3A_895 : vector<1x128xf32> to vector<128x128xf32>
      %mul3A_902 = arith.mulf %mul3A_901, %get3A_900 : vector<128x128xf32>
      %add3A_903 = arith.addf %add3A_892, %mul3A_902 : vector<128x128xf32>
      %slice3A_904 = vector.extract_strided_slice %max3A_63 {offsets = [12, 256], sizes = [1, 128], strides = [1, 1]} : vector<32x512xf32> to vector<1x128xf32>
      %squeeze3A_905 = vector.shape_cast %slice3A_904 : vector<1x128xf32> to vector<128xf32>
      %broadcast_in_dim3A_906 = vector.shape_cast %squeeze3A_905 : vector<128xf32> to vector<1x128xf32>
      %get3A_907 = arith.constant 12 : index
      %get3A_908 = arith.constant 0 : index
      %get3A_909 = arith.constant 256 : index
      %get3A_910 = vector.load %arg1[%get3A_907, %get3A_908, %get3A_909] : memref<32x128x512xf32, #tpu.memory_space<vmem>>, vector<1x128x128xf32>
      %get3A_911 = vector.shape_cast %get3A_910 : vector<1x128x128xf32> to vector<128x128xf32>
      %mul3A_912 = vector.broadcast %broadcast_in_dim3A_906 : vector<1x128xf32> to vector<128x128xf32>
      %mul3A_913 = arith.mulf %mul3A_912, %get3A_911 : vector<128x128xf32>
      %add3A_914 = arith.addf %add3A_903, %mul3A_913 : vector<128x128xf32>
      %slice3A_915 = vector.extract_strided_slice %max3A_63 {offsets = [13, 256], sizes = [1, 128], strides = [1, 1]} : vector<32x512xf32> to vector<1x128xf32>
      %squeeze3A_916 = vector.shape_cast %slice3A_915 : vector<1x128xf32> to vector<128xf32>
      %broadcast_in_dim3A_917 = vector.shape_cast %squeeze3A_916 : vector<128xf32> to vector<1x128xf32>
      %get3A_918 = arith.constant 13 : index
      %get3A_919 = arith.constant 0 : index
      %get3A_920 = arith.constant 256 : index
      %get3A_921 = vector.load %arg1[%get3A_918, %get3A_919, %get3A_920] : memref<32x128x512xf32, #tpu.memory_space<vmem>>, vector<1x128x128xf32>
      %get3A_922 = vector.shape_cast %get3A_921 : vector<1x128x128xf32> to vector<128x128xf32>
      %mul3A_923 = vector.broadcast %broadcast_in_dim3A_917 : vector<1x128xf32> to vector<128x128xf32>
      %mul3A_924 = arith.mulf %mul3A_923, %get3A_922 : vector<128x128xf32>
      %add3A_925 = arith.addf %add3A_914, %mul3A_924 : vector<128x128xf32>
      %slice3A_926 = vector.extract_strided_slice %max3A_63 {offsets = [14, 256], sizes = [1, 128], strides = [1, 1]} : vector<32x512xf32> to vector<1x128xf32>
      %squeeze3A_927 = vector.shape_cast %slice3A_926 : vector<1x128xf32> to vector<128xf32>
      %broadcast_in_dim3A_928 = vector.shape_cast %squeeze3A_927 : vector<128xf32> to vector<1x128xf32>
      %get3A_929 = arith.constant 14 : index
      %get3A_930 = arith.constant 0 : index
      %get3A_931 = arith.constant 256 : index
      %get3A_932 = vector.load %arg1[%get3A_929, %get3A_930, %get3A_931] : memref<32x128x512xf32, #tpu.memory_space<vmem>>, vector<1x128x128xf32>
      %get3A_933 = vector.shape_cast %get3A_932 : vector<1x128x128xf32> to vector<128x128xf32>
      %mul3A_934 = vector.broadcast %broadcast_in_dim3A_928 : vector<1x128xf32> to vector<128x128xf32>
      %mul3A_935 = arith.mulf %mul3A_934, %get3A_933 : vector<128x128xf32>
      %add3A_936 = arith.addf %add3A_925, %mul3A_935 : vector<128x128xf32>
      %slice3A_937 = vector.extract_strided_slice %max3A_63 {offsets = [15, 256], sizes = [1, 128], strides = [1, 1]} : vector<32x512xf32> to vector<1x128xf32>
      %squeeze3A_938 = vector.shape_cast %slice3A_937 : vector<1x128xf32> to vector<128xf32>
      %broadcast_in_dim3A_939 = vector.shape_cast %squeeze3A_938 : vector<128xf32> to vector<1x128xf32>
      %get3A_940 = arith.constant 15 : index
      %get3A_941 = arith.constant 0 : index
      %get3A_942 = arith.constant 256 : index
      %get3A_943 = vector.load %arg1[%get3A_940, %get3A_941, %get3A_942] : memref<32x128x512xf32, #tpu.memory_space<vmem>>, vector<1x128x128xf32>
      %get3A_944 = vector.shape_cast %get3A_943 : vector<1x128x128xf32> to vector<128x128xf32>
      %mul3A_945 = vector.broadcast %broadcast_in_dim3A_939 : vector<1x128xf32> to vector<128x128xf32>
      %mul3A_946 = arith.mulf %mul3A_945, %get3A_944 : vector<128x128xf32>
      %add3A_947 = arith.addf %add3A_936, %mul3A_946 : vector<128x128xf32>
      %slice3A_948 = vector.extract_strided_slice %max3A_63 {offsets = [16, 256], sizes = [1, 128], strides = [1, 1]} : vector<32x512xf32> to vector<1x128xf32>
      %squeeze3A_949 = vector.shape_cast %slice3A_948 : vector<1x128xf32> to vector<128xf32>
      %broadcast_in_dim3A_950 = vector.shape_cast %squeeze3A_949 : vector<128xf32> to vector<1x128xf32>
      %get3A_951 = arith.constant 16 : index
      %get3A_952 = arith.constant 0 : index
      %get3A_953 = arith.constant 256 : index
      %get3A_954 = vector.load %arg1[%get3A_951, %get3A_952, %get3A_953] : memref<32x128x512xf32, #tpu.memory_space<vmem>>, vector<1x128x128xf32>
      %get3A_955 = vector.shape_cast %get3A_954 : vector<1x128x128xf32> to vector<128x128xf32>
      %mul3A_956 = vector.broadcast %broadcast_in_dim3A_950 : vector<1x128xf32> to vector<128x128xf32>
      %mul3A_957 = arith.mulf %mul3A_956, %get3A_955 : vector<128x128xf32>
      %add3A_958 = arith.addf %add3A_947, %mul3A_957 : vector<128x128xf32>
      %slice3A_959 = vector.extract_strided_slice %max3A_63 {offsets = [17, 256], sizes = [1, 128], strides = [1, 1]} : vector<32x512xf32> to vector<1x128xf32>
      %squeeze3A_960 = vector.shape_cast %slice3A_959 : vector<1x128xf32> to vector<128xf32>
      %broadcast_in_dim3A_961 = vector.shape_cast %squeeze3A_960 : vector<128xf32> to vector<1x128xf32>
      %get3A_962 = arith.constant 17 : index
      %get3A_963 = arith.constant 0 : index
      %get3A_964 = arith.constant 256 : index
      %get3A_965 = vector.load %arg1[%get3A_962, %get3A_963, %get3A_964] : memref<32x128x512xf32, #tpu.memory_space<vmem>>, vector<1x128x128xf32>
      %get3A_966 = vector.shape_cast %get3A_965 : vector<1x128x128xf32> to vector<128x128xf32>
      %mul3A_967 = vector.broadcast %broadcast_in_dim3A_961 : vector<1x128xf32> to vector<128x128xf32>
      %mul3A_968 = arith.mulf %mul3A_967, %get3A_966 : vector<128x128xf32>
      %add3A_969 = arith.addf %add3A_958, %mul3A_968 : vector<128x128xf32>
      %slice3A_970 = vector.extract_strided_slice %max3A_63 {offsets = [18, 256], sizes = [1, 128], strides = [1, 1]} : vector<32x512xf32> to vector<1x128xf32>
      %squeeze3A_971 = vector.shape_cast %slice3A_970 : vector<1x128xf32> to vector<128xf32>
      %broadcast_in_dim3A_972 = vector.shape_cast %squeeze3A_971 : vector<128xf32> to vector<1x128xf32>
      %get3A_973 = arith.constant 18 : index
      %get3A_974 = arith.constant 0 : index
      %get3A_975 = arith.constant 256 : index
      %get3A_976 = vector.load %arg1[%get3A_973, %get3A_974, %get3A_975] : memref<32x128x512xf32, #tpu.memory_space<vmem>>, vector<1x128x128xf32>
      %get3A_977 = vector.shape_cast %get3A_976 : vector<1x128x128xf32> to vector<128x128xf32>
      %mul3A_978 = vector.broadcast %broadcast_in_dim3A_972 : vector<1x128xf32> to vector<128x128xf32>
      %mul3A_979 = arith.mulf %mul3A_978, %get3A_977 : vector<128x128xf32>
      %add3A_980 = arith.addf %add3A_969, %mul3A_979 : vector<128x128xf32>
      %slice3A_981 = vector.extract_strided_slice %max3A_63 {offsets = [19, 256], sizes = [1, 128], strides = [1, 1]} : vector<32x512xf32> to vector<1x128xf32>
      %squeeze3A_982 = vector.shape_cast %slice3A_981 : vector<1x128xf32> to vector<128xf32>
      %broadcast_in_dim3A_983 = vector.shape_cast %squeeze3A_982 : vector<128xf32> to vector<1x128xf32>
      %get3A_984 = arith.constant 19 : index
      %get3A_985 = arith.constant 0 : index
      %get3A_986 = arith.constant 256 : index
      %get3A_987 = vector.load %arg1[%get3A_984, %get3A_985, %get3A_986] : memref<32x128x512xf32, #tpu.memory_space<vmem>>, vector<1x128x128xf32>
      %get3A_988 = vector.shape_cast %get3A_987 : vector<1x128x128xf32> to vector<128x128xf32>
      %mul3A_989 = vector.broadcast %broadcast_in_dim3A_983 : vector<1x128xf32> to vector<128x128xf32>
      %mul3A_990 = arith.mulf %mul3A_989, %get3A_988 : vector<128x128xf32>
      %add3A_991 = arith.addf %add3A_980, %mul3A_990 : vector<128x128xf32>
      %slice3A_992 = vector.extract_strided_slice %max3A_63 {offsets = [20, 256], sizes = [1, 128], strides = [1, 1]} : vector<32x512xf32> to vector<1x128xf32>
      %squeeze3A_993 = vector.shape_cast %slice3A_992 : vector<1x128xf32> to vector<128xf32>
      %broadcast_in_dim3A_994 = vector.shape_cast %squeeze3A_993 : vector<128xf32> to vector<1x128xf32>
      %get3A_995 = arith.constant 20 : index
      %get3A_996 = arith.constant 0 : index
      %get3A_997 = arith.constant 256 : index
      %get3A_998 = vector.load %arg1[%get3A_995, %get3A_996, %get3A_997] : memref<32x128x512xf32, #tpu.memory_space<vmem>>, vector<1x128x128xf32>
      %get3A_999 = vector.shape_cast %get3A_998 : vector<1x128x128xf32> to vector<128x128xf32>
      %mul3A_1000 = vector.broadcast %broadcast_in_dim3A_994 : vector<1x128xf32> to vector<128x128xf32>
      %mul3A_1001 = arith.mulf %mul3A_1000, %get3A_999 : vector<128x128xf32>
      %add3A_1002 = arith.addf %add3A_991, %mul3A_1001 : vector<128x128xf32>
      %slice3A_1003 = vector.extract_strided_slice %max3A_63 {offsets = [21, 256], sizes = [1, 128], strides = [1, 1]} : vector<32x512xf32> to vector<1x128xf32>
      %squeeze3A_1004 = vector.shape_cast %slice3A_1003 : vector<1x128xf32> to vector<128xf32>
      %broadcast_in_dim3A_1005 = vector.shape_cast %squeeze3A_1004 : vector<128xf32> to vector<1x128xf32>
      %get3A_1006 = arith.constant 21 : index
      %get3A_1007 = arith.constant 0 : index
      %get3A_1008 = arith.constant 256 : index
      %get3A_1009 = vector.load %arg1[%get3A_1006, %get3A_1007, %get3A_1008] : memref<32x128x512xf32, #tpu.memory_space<vmem>>, vector<1x128x128xf32>
      %get3A_1010 = vector.shape_cast %get3A_1009 : vector<1x128x128xf32> to vector<128x128xf32>
      %mul3A_1011 = vector.broadcast %broadcast_in_dim3A_1005 : vector<1x128xf32> to vector<128x128xf32>
      %mul3A_1012 = arith.mulf %mul3A_1011, %get3A_1010 : vector<128x128xf32>
      %add3A_1013 = arith.addf %add3A_1002, %mul3A_1012 : vector<128x128xf32>
      %slice3A_1014 = vector.extract_strided_slice %max3A_63 {offsets = [22, 256], sizes = [1, 128], strides = [1, 1]} : vector<32x512xf32> to vector<1x128xf32>
      %squeeze3A_1015 = vector.shape_cast %slice3A_1014 : vector<1x128xf32> to vector<128xf32>
      %broadcast_in_dim3A_1016 = vector.shape_cast %squeeze3A_1015 : vector<128xf32> to vector<1x128xf32>
      %get3A_1017 = arith.constant 22 : index
      %get3A_1018 = arith.constant 0 : index
      %get3A_1019 = arith.constant 256 : index
      %get3A_1020 = vector.load %arg1[%get3A_1017, %get3A_1018, %get3A_1019] : memref<32x128x512xf32, #tpu.memory_space<vmem>>, vector<1x128x128xf32>
      %get3A_1021 = vector.shape_cast %get3A_1020 : vector<1x128x128xf32> to vector<128x128xf32>
      %mul3A_1022 = vector.broadcast %broadcast_in_dim3A_1016 : vector<1x128xf32> to vector<128x128xf32>
      %mul3A_1023 = arith.mulf %mul3A_1022, %get3A_1021 : vector<128x128xf32>
      %add3A_1024 = arith.addf %add3A_1013, %mul3A_1023 : vector<128x128xf32>
      %slice3A_1025 = vector.extract_strided_slice %max3A_63 {offsets = [23, 256], sizes = [1, 128], strides = [1, 1]} : vector<32x512xf32> to vector<1x128xf32>
      %squeeze3A_1026 = vector.shape_cast %slice3A_1025 : vector<1x128xf32> to vector<128xf32>
      %broadcast_in_dim3A_1027 = vector.shape_cast %squeeze3A_1026 : vector<128xf32> to vector<1x128xf32>
      %get3A_1028 = arith.constant 23 : index
      %get3A_1029 = arith.constant 0 : index
      %get3A_1030 = arith.constant 256 : index
      %get3A_1031 = vector.load %arg1[%get3A_1028, %get3A_1029, %get3A_1030] : memref<32x128x512xf32, #tpu.memory_space<vmem>>, vector<1x128x128xf32>
      %get3A_1032 = vector.shape_cast %get3A_1031 : vector<1x128x128xf32> to vector<128x128xf32>
      %mul3A_1033 = vector.broadcast %broadcast_in_dim3A_1027 : vector<1x128xf32> to vector<128x128xf32>
      %mul3A_1034 = arith.mulf %mul3A_1033, %get3A_1032 : vector<128x128xf32>
      %add3A_1035 = arith.addf %add3A_1024, %mul3A_1034 : vector<128x128xf32>
      %slice3A_1036 = vector.extract_strided_slice %max3A_63 {offsets = [24, 256], sizes = [1, 128], strides = [1, 1]} : vector<32x512xf32> to vector<1x128xf32>
      %squeeze3A_1037 = vector.shape_cast %slice3A_1036 : vector<1x128xf32> to vector<128xf32>
      %broadcast_in_dim3A_1038 = vector.shape_cast %squeeze3A_1037 : vector<128xf32> to vector<1x128xf32>
      %get3A_1039 = arith.constant 24 : index
      %get3A_1040 = arith.constant 0 : index
      %get3A_1041 = arith.constant 256 : index
      %get3A_1042 = vector.load %arg1[%get3A_1039, %get3A_1040, %get3A_1041] : memref<32x128x512xf32, #tpu.memory_space<vmem>>, vector<1x128x128xf32>
      %get3A_1043 = vector.shape_cast %get3A_1042 : vector<1x128x128xf32> to vector<128x128xf32>
      %mul3A_1044 = vector.broadcast %broadcast_in_dim3A_1038 : vector<1x128xf32> to vector<128x128xf32>
      %mul3A_1045 = arith.mulf %mul3A_1044, %get3A_1043 : vector<128x128xf32>
      %add3A_1046 = arith.addf %add3A_1035, %mul3A_1045 : vector<128x128xf32>
      %slice3A_1047 = vector.extract_strided_slice %max3A_63 {offsets = [25, 256], sizes = [1, 128], strides = [1, 1]} : vector<32x512xf32> to vector<1x128xf32>
      %squeeze3A_1048 = vector.shape_cast %slice3A_1047 : vector<1x128xf32> to vector<128xf32>
      %broadcast_in_dim3A_1049 = vector.shape_cast %squeeze3A_1048 : vector<128xf32> to vector<1x128xf32>
      %get3A_1050 = arith.constant 25 : index
      %get3A_1051 = arith.constant 0 : index
      %get3A_1052 = arith.constant 256 : index
      %get3A_1053 = vector.load %arg1[%get3A_1050, %get3A_1051, %get3A_1052] : memref<32x128x512xf32, #tpu.memory_space<vmem>>, vector<1x128x128xf32>
      %get3A_1054 = vector.shape_cast %get3A_1053 : vector<1x128x128xf32> to vector<128x128xf32>
      %mul3A_1055 = vector.broadcast %broadcast_in_dim3A_1049 : vector<1x128xf32> to vector<128x128xf32>
      %mul3A_1056 = arith.mulf %mul3A_1055, %get3A_1054 : vector<128x128xf32>
      %add3A_1057 = arith.addf %add3A_1046, %mul3A_1056 : vector<128x128xf32>
      %slice3A_1058 = vector.extract_strided_slice %max3A_63 {offsets = [26, 256], sizes = [1, 128], strides = [1, 1]} : vector<32x512xf32> to vector<1x128xf32>
      %squeeze3A_1059 = vector.shape_cast %slice3A_1058 : vector<1x128xf32> to vector<128xf32>
      %broadcast_in_dim3A_1060 = vector.shape_cast %squeeze3A_1059 : vector<128xf32> to vector<1x128xf32>
      %get3A_1061 = arith.constant 26 : index
      %get3A_1062 = arith.constant 0 : index
      %get3A_1063 = arith.constant 256 : index
      %get3A_1064 = vector.load %arg1[%get3A_1061, %get3A_1062, %get3A_1063] : memref<32x128x512xf32, #tpu.memory_space<vmem>>, vector<1x128x128xf32>
      %get3A_1065 = vector.shape_cast %get3A_1064 : vector<1x128x128xf32> to vector<128x128xf32>
      %mul3A_1066 = vector.broadcast %broadcast_in_dim3A_1060 : vector<1x128xf32> to vector<128x128xf32>
      %mul3A_1067 = arith.mulf %mul3A_1066, %get3A_1065 : vector<128x128xf32>
      %add3A_1068 = arith.addf %add3A_1057, %mul3A_1067 : vector<128x128xf32>
      %slice3A_1069 = vector.extract_strided_slice %max3A_63 {offsets = [27, 256], sizes = [1, 128], strides = [1, 1]} : vector<32x512xf32> to vector<1x128xf32>
      %squeeze3A_1070 = vector.shape_cast %slice3A_1069 : vector<1x128xf32> to vector<128xf32>
      %broadcast_in_dim3A_1071 = vector.shape_cast %squeeze3A_1070 : vector<128xf32> to vector<1x128xf32>
      %get3A_1072 = arith.constant 27 : index
      %get3A_1073 = arith.constant 0 : index
      %get3A_1074 = arith.constant 256 : index
      %get3A_1075 = vector.load %arg1[%get3A_1072, %get3A_1073, %get3A_1074] : memref<32x128x512xf32, #tpu.memory_space<vmem>>, vector<1x128x128xf32>
      %get3A_1076 = vector.shape_cast %get3A_1075 : vector<1x128x128xf32> to vector<128x128xf32>
      %mul3A_1077 = vector.broadcast %broadcast_in_dim3A_1071 : vector<1x128xf32> to vector<128x128xf32>
      %mul3A_1078 = arith.mulf %mul3A_1077, %get3A_1076 : vector<128x128xf32>
      %add3A_1079 = arith.addf %add3A_1068, %mul3A_1078 : vector<128x128xf32>
      %slice3A_1080 = vector.extract_strided_slice %max3A_63 {offsets = [28, 256], sizes = [1, 128], strides = [1, 1]} : vector<32x512xf32> to vector<1x128xf32>
      %squeeze3A_1081 = vector.shape_cast %slice3A_1080 : vector<1x128xf32> to vector<128xf32>
      %broadcast_in_dim3A_1082 = vector.shape_cast %squeeze3A_1081 : vector<128xf32> to vector<1x128xf32>
      %get3A_1083 = arith.constant 28 : index
      %get3A_1084 = arith.constant 0 : index
      %get3A_1085 = arith.constant 256 : index
      %get3A_1086 = vector.load %arg1[%get3A_1083, %get3A_1084, %get3A_1085] : memref<32x128x512xf32, #tpu.memory_space<vmem>>, vector<1x128x128xf32>
      %get3A_1087 = vector.shape_cast %get3A_1086 : vector<1x128x128xf32> to vector<128x128xf32>
      %mul3A_1088 = vector.broadcast %broadcast_in_dim3A_1082 : vector<1x128xf32> to vector<128x128xf32>
      %mul3A_1089 = arith.mulf %mul3A_1088, %get3A_1087 : vector<128x128xf32>
      %add3A_1090 = arith.addf %add3A_1079, %mul3A_1089 : vector<128x128xf32>
      %slice3A_1091 = vector.extract_strided_slice %max3A_63 {offsets = [29, 256], sizes = [1, 128], strides = [1, 1]} : vector<32x512xf32> to vector<1x128xf32>
      %squeeze3A_1092 = vector.shape_cast %slice3A_1091 : vector<1x128xf32> to vector<128xf32>
      %broadcast_in_dim3A_1093 = vector.shape_cast %squeeze3A_1092 : vector<128xf32> to vector<1x128xf32>
      %get3A_1094 = arith.constant 29 : index
      %get3A_1095 = arith.constant 0 : index
      %get3A_1096 = arith.constant 256 : index
      %get3A_1097 = vector.load %arg1[%get3A_1094, %get3A_1095, %get3A_1096] : memref<32x128x512xf32, #tpu.memory_space<vmem>>, vector<1x128x128xf32>
      %get3A_1098 = vector.shape_cast %get3A_1097 : vector<1x128x128xf32> to vector<128x128xf32>
      %mul3A_1099 = vector.broadcast %broadcast_in_dim3A_1093 : vector<1x128xf32> to vector<128x128xf32>
      %mul3A_1100 = arith.mulf %mul3A_1099, %get3A_1098 : vector<128x128xf32>
      %add3A_1101 = arith.addf %add3A_1090, %mul3A_1100 : vector<128x128xf32>
      %slice3A_1102 = vector.extract_strided_slice %max3A_63 {offsets = [30, 256], sizes = [1, 128], strides = [1, 1]} : vector<32x512xf32> to vector<1x128xf32>
      %squeeze3A_1103 = vector.shape_cast %slice3A_1102 : vector<1x128xf32> to vector<128xf32>
      %broadcast_in_dim3A_1104 = vector.shape_cast %squeeze3A_1103 : vector<128xf32> to vector<1x128xf32>
      %get3A_1105 = arith.constant 30 : index
      %get3A_1106 = arith.constant 0 : index
      %get3A_1107 = arith.constant 256 : index
      %get3A_1108 = vector.load %arg1[%get3A_1105, %get3A_1106, %get3A_1107] : memref<32x128x512xf32, #tpu.memory_space<vmem>>, vector<1x128x128xf32>
      %get3A_1109 = vector.shape_cast %get3A_1108 : vector<1x128x128xf32> to vector<128x128xf32>
      %mul3A_1110 = vector.broadcast %broadcast_in_dim3A_1104 : vector<1x128xf32> to vector<128x128xf32>
      %mul3A_1111 = arith.mulf %mul3A_1110, %get3A_1109 : vector<128x128xf32>
      %add3A_1112 = arith.addf %add3A_1101, %mul3A_1111 : vector<128x128xf32>
      %slice3A_1113 = vector.extract_strided_slice %max3A_63 {offsets = [31, 256], sizes = [1, 128], strides = [1, 1]} : vector<32x512xf32> to vector<1x128xf32>
      %squeeze3A_1114 = vector.shape_cast %slice3A_1113 : vector<1x128xf32> to vector<128xf32>
      %broadcast_in_dim3A_1115 = vector.shape_cast %squeeze3A_1114 : vector<128xf32> to vector<1x128xf32>
      %get3A_1116 = arith.constant 31 : index
      %get3A_1117 = arith.constant 0 : index
      %get3A_1118 = arith.constant 256 : index
      %get3A_1119 = vector.load %arg1[%get3A_1116, %get3A_1117, %get3A_1118] : memref<32x128x512xf32, #tpu.memory_space<vmem>>, vector<1x128x128xf32>
      %get3A_1120 = vector.shape_cast %get3A_1119 : vector<1x128x128xf32> to vector<128x128xf32>
      %mul3A_1121 = vector.broadcast %broadcast_in_dim3A_1115 : vector<1x128xf32> to vector<128x128xf32>
      %mul3A_1122 = arith.mulf %mul3A_1121, %get3A_1120 : vector<128x128xf32>
      %add3A_1123 = arith.addf %add3A_1112, %mul3A_1122 : vector<128x128xf32>
      %broadcast_in_dim3A_1124 = arith.constant 0.000000e+00 : f32
      %broadcast_in_dim3A_1125 = vector.broadcast %broadcast_in_dim3A_1124 : f32 to vector<128x128xf32>
      %slice3A_1126 = vector.extract_strided_slice %max3A_63 {offsets = [0, 384], sizes = [1, 128], strides = [1, 1]} : vector<32x512xf32> to vector<1x128xf32>
      %squeeze3A_1127 = vector.shape_cast %slice3A_1126 : vector<1x128xf32> to vector<128xf32>
      %broadcast_in_dim3A_1128 = vector.shape_cast %squeeze3A_1127 : vector<128xf32> to vector<1x128xf32>
      %get3A_1129 = arith.constant 0 : index
      %get3A_1130 = arith.constant 0 : index
      %get3A_1131 = arith.constant 384 : index
      %get3A_1132 = vector.load %arg1[%get3A_1129, %get3A_1130, %get3A_1131] : memref<32x128x512xf32, #tpu.memory_space<vmem>>, vector<1x128x128xf32>
      %get3A_1133 = vector.shape_cast %get3A_1132 : vector<1x128x128xf32> to vector<128x128xf32>
      %mul3A_1134 = vector.broadcast %broadcast_in_dim3A_1128 : vector<1x128xf32> to vector<128x128xf32>
      %mul3A_1135 = arith.mulf %mul3A_1134, %get3A_1133 : vector<128x128xf32>
      %add3A_1136 = arith.addf %broadcast_in_dim3A_1125, %mul3A_1135 : vector<128x128xf32>
      %slice3A_1137 = vector.extract_strided_slice %max3A_63 {offsets = [1, 384], sizes = [1, 128], strides = [1, 1]} : vector<32x512xf32> to vector<1x128xf32>
      %squeeze3A_1138 = vector.shape_cast %slice3A_1137 : vector<1x128xf32> to vector<128xf32>
      %broadcast_in_dim3A_1139 = vector.shape_cast %squeeze3A_1138 : vector<128xf32> to vector<1x128xf32>
      %get3A_1140 = arith.constant 1 : index
      %get3A_1141 = arith.constant 0 : index
      %get3A_1142 = arith.constant 384 : index
      %get3A_1143 = vector.load %arg1[%get3A_1140, %get3A_1141, %get3A_1142] : memref<32x128x512xf32, #tpu.memory_space<vmem>>, vector<1x128x128xf32>
      %get3A_1144 = vector.shape_cast %get3A_1143 : vector<1x128x128xf32> to vector<128x128xf32>
      %mul3A_1145 = vector.broadcast %broadcast_in_dim3A_1139 : vector<1x128xf32> to vector<128x128xf32>
      %mul3A_1146 = arith.mulf %mul3A_1145, %get3A_1144 : vector<128x128xf32>
      %add3A_1147 = arith.addf %add3A_1136, %mul3A_1146 : vector<128x128xf32>
      %slice3A_1148 = vector.extract_strided_slice %max3A_63 {offsets = [2, 384], sizes = [1, 128], strides = [1, 1]} : vector<32x512xf32> to vector<1x128xf32>
      %squeeze3A_1149 = vector.shape_cast %slice3A_1148 : vector<1x128xf32> to vector<128xf32>
      %broadcast_in_dim3A_1150 = vector.shape_cast %squeeze3A_1149 : vector<128xf32> to vector<1x128xf32>
      %get3A_1151 = arith.constant 2 : index
      %get3A_1152 = arith.constant 0 : index
      %get3A_1153 = arith.constant 384 : index
      %get3A_1154 = vector.load %arg1[%get3A_1151, %get3A_1152, %get3A_1153] : memref<32x128x512xf32, #tpu.memory_space<vmem>>, vector<1x128x128xf32>
      %get3A_1155 = vector.shape_cast %get3A_1154 : vector<1x128x128xf32> to vector<128x128xf32>
      %mul3A_1156 = vector.broadcast %broadcast_in_dim3A_1150 : vector<1x128xf32> to vector<128x128xf32>
      %mul3A_1157 = arith.mulf %mul3A_1156, %get3A_1155 : vector<128x128xf32>
      %add3A_1158 = arith.addf %add3A_1147, %mul3A_1157 : vector<128x128xf32>
      %slice3A_1159 = vector.extract_strided_slice %max3A_63 {offsets = [3, 384], sizes = [1, 128], strides = [1, 1]} : vector<32x512xf32> to vector<1x128xf32>
      %squeeze3A_1160 = vector.shape_cast %slice3A_1159 : vector<1x128xf32> to vector<128xf32>
      %broadcast_in_dim3A_1161 = vector.shape_cast %squeeze3A_1160 : vector<128xf32> to vector<1x128xf32>
      %get3A_1162 = arith.constant 3 : index
      %get3A_1163 = arith.constant 0 : index
      %get3A_1164 = arith.constant 384 : index
      %get3A_1165 = vector.load %arg1[%get3A_1162, %get3A_1163, %get3A_1164] : memref<32x128x512xf32, #tpu.memory_space<vmem>>, vector<1x128x128xf32>
      %get3A_1166 = vector.shape_cast %get3A_1165 : vector<1x128x128xf32> to vector<128x128xf32>
      %mul3A_1167 = vector.broadcast %broadcast_in_dim3A_1161 : vector<1x128xf32> to vector<128x128xf32>
      %mul3A_1168 = arith.mulf %mul3A_1167, %get3A_1166 : vector<128x128xf32>
      %add3A_1169 = arith.addf %add3A_1158, %mul3A_1168 : vector<128x128xf32>
      %slice3A_1170 = vector.extract_strided_slice %max3A_63 {offsets = [4, 384], sizes = [1, 128], strides = [1, 1]} : vector<32x512xf32> to vector<1x128xf32>
      %squeeze3A_1171 = vector.shape_cast %slice3A_1170 : vector<1x128xf32> to vector<128xf32>
      %broadcast_in_dim3A_1172 = vector.shape_cast %squeeze3A_1171 : vector<128xf32> to vector<1x128xf32>
      %get3A_1173 = arith.constant 4 : index
      %get3A_1174 = arith.constant 0 : index
      %get3A_1175 = arith.constant 384 : index
      %get3A_1176 = vector.load %arg1[%get3A_1173, %get3A_1174, %get3A_1175] : memref<32x128x512xf32, #tpu.memory_space<vmem>>, vector<1x128x128xf32>
      %get3A_1177 = vector.shape_cast %get3A_1176 : vector<1x128x128xf32> to vector<128x128xf32>
      %mul3A_1178 = vector.broadcast %broadcast_in_dim3A_1172 : vector<1x128xf32> to vector<128x128xf32>
      %mul3A_1179 = arith.mulf %mul3A_1178, %get3A_1177 : vector<128x128xf32>
      %add3A_1180 = arith.addf %add3A_1169, %mul3A_1179 : vector<128x128xf32>
      %slice3A_1181 = vector.extract_strided_slice %max3A_63 {offsets = [5, 384], sizes = [1, 128], strides = [1, 1]} : vector<32x512xf32> to vector<1x128xf32>
      %squeeze3A_1182 = vector.shape_cast %slice3A_1181 : vector<1x128xf32> to vector<128xf32>
      %broadcast_in_dim3A_1183 = vector.shape_cast %squeeze3A_1182 : vector<128xf32> to vector<1x128xf32>
      %get3A_1184 = arith.constant 5 : index
      %get3A_1185 = arith.constant 0 : index
      %get3A_1186 = arith.constant 384 : index
      %get3A_1187 = vector.load %arg1[%get3A_1184, %get3A_1185, %get3A_1186] : memref<32x128x512xf32, #tpu.memory_space<vmem>>, vector<1x128x128xf32>
      %get3A_1188 = vector.shape_cast %get3A_1187 : vector<1x128x128xf32> to vector<128x128xf32>
      %mul3A_1189 = vector.broadcast %broadcast_in_dim3A_1183 : vector<1x128xf32> to vector<128x128xf32>
      %mul3A_1190 = arith.mulf %mul3A_1189, %get3A_1188 : vector<128x128xf32>
      %add3A_1191 = arith.addf %add3A_1180, %mul3A_1190 : vector<128x128xf32>
      %slice3A_1192 = vector.extract_strided_slice %max3A_63 {offsets = [6, 384], sizes = [1, 128], strides = [1, 1]} : vector<32x512xf32> to vector<1x128xf32>
      %squeeze3A_1193 = vector.shape_cast %slice3A_1192 : vector<1x128xf32> to vector<128xf32>
      %broadcast_in_dim3A_1194 = vector.shape_cast %squeeze3A_1193 : vector<128xf32> to vector<1x128xf32>
      %get3A_1195 = arith.constant 6 : index
      %get3A_1196 = arith.constant 0 : index
      %get3A_1197 = arith.constant 384 : index
      %get3A_1198 = vector.load %arg1[%get3A_1195, %get3A_1196, %get3A_1197] : memref<32x128x512xf32, #tpu.memory_space<vmem>>, vector<1x128x128xf32>
      %get3A_1199 = vector.shape_cast %get3A_1198 : vector<1x128x128xf32> to vector<128x128xf32>
      %mul3A_1200 = vector.broadcast %broadcast_in_dim3A_1194 : vector<1x128xf32> to vector<128x128xf32>
      %mul3A_1201 = arith.mulf %mul3A_1200, %get3A_1199 : vector<128x128xf32>
      %add3A_1202 = arith.addf %add3A_1191, %mul3A_1201 : vector<128x128xf32>
      %slice3A_1203 = vector.extract_strided_slice %max3A_63 {offsets = [7, 384], sizes = [1, 128], strides = [1, 1]} : vector<32x512xf32> to vector<1x128xf32>
      %squeeze3A_1204 = vector.shape_cast %slice3A_1203 : vector<1x128xf32> to vector<128xf32>
      %broadcast_in_dim3A_1205 = vector.shape_cast %squeeze3A_1204 : vector<128xf32> to vector<1x128xf32>
      %get3A_1206 = arith.constant 7 : index
      %get3A_1207 = arith.constant 0 : index
      %get3A_1208 = arith.constant 384 : index
      %get3A_1209 = vector.load %arg1[%get3A_1206, %get3A_1207, %get3A_1208] : memref<32x128x512xf32, #tpu.memory_space<vmem>>, vector<1x128x128xf32>
      %get3A_1210 = vector.shape_cast %get3A_1209 : vector<1x128x128xf32> to vector<128x128xf32>
      %mul3A_1211 = vector.broadcast %broadcast_in_dim3A_1205 : vector<1x128xf32> to vector<128x128xf32>
      %mul3A_1212 = arith.mulf %mul3A_1211, %get3A_1210 : vector<128x128xf32>
      %add3A_1213 = arith.addf %add3A_1202, %mul3A_1212 : vector<128x128xf32>
      %slice3A_1214 = vector.extract_strided_slice %max3A_63 {offsets = [8, 384], sizes = [1, 128], strides = [1, 1]} : vector<32x512xf32> to vector<1x128xf32>
      %squeeze3A_1215 = vector.shape_cast %slice3A_1214 : vector<1x128xf32> to vector<128xf32>
      %broadcast_in_dim3A_1216 = vector.shape_cast %squeeze3A_1215 : vector<128xf32> to vector<1x128xf32>
      %get3A_1217 = arith.constant 8 : index
      %get3A_1218 = arith.constant 0 : index
      %get3A_1219 = arith.constant 384 : index
      %get3A_1220 = vector.load %arg1[%get3A_1217, %get3A_1218, %get3A_1219] : memref<32x128x512xf32, #tpu.memory_space<vmem>>, vector<1x128x128xf32>
      %get3A_1221 = vector.shape_cast %get3A_1220 : vector<1x128x128xf32> to vector<128x128xf32>
      %mul3A_1222 = vector.broadcast %broadcast_in_dim3A_1216 : vector<1x128xf32> to vector<128x128xf32>
      %mul3A_1223 = arith.mulf %mul3A_1222, %get3A_1221 : vector<128x128xf32>
      %add3A_1224 = arith.addf %add3A_1213, %mul3A_1223 : vector<128x128xf32>
      %slice3A_1225 = vector.extract_strided_slice %max3A_63 {offsets = [9, 384], sizes = [1, 128], strides = [1, 1]} : vector<32x512xf32> to vector<1x128xf32>
      %squeeze3A_1226 = vector.shape_cast %slice3A_1225 : vector<1x128xf32> to vector<128xf32>
      %broadcast_in_dim3A_1227 = vector.shape_cast %squeeze3A_1226 : vector<128xf32> to vector<1x128xf32>
      %get3A_1228 = arith.constant 9 : index
      %get3A_1229 = arith.constant 0 : index
      %get3A_1230 = arith.constant 384 : index
      %get3A_1231 = vector.load %arg1[%get3A_1228, %get3A_1229, %get3A_1230] : memref<32x128x512xf32, #tpu.memory_space<vmem>>, vector<1x128x128xf32>
      %get3A_1232 = vector.shape_cast %get3A_1231 : vector<1x128x128xf32> to vector<128x128xf32>
      %mul3A_1233 = vector.broadcast %broadcast_in_dim3A_1227 : vector<1x128xf32> to vector<128x128xf32>
      %mul3A_1234 = arith.mulf %mul3A_1233, %get3A_1232 : vector<128x128xf32>
      %add3A_1235 = arith.addf %add3A_1224, %mul3A_1234 : vector<128x128xf32>
      %slice3A_1236 = vector.extract_strided_slice %max3A_63 {offsets = [10, 384], sizes = [1, 128], strides = [1, 1]} : vector<32x512xf32> to vector<1x128xf32>
      %squeeze3A_1237 = vector.shape_cast %slice3A_1236 : vector<1x128xf32> to vector<128xf32>
      %broadcast_in_dim3A_1238 = vector.shape_cast %squeeze3A_1237 : vector<128xf32> to vector<1x128xf32>
      %get3A_1239 = arith.constant 10 : index
      %get3A_1240 = arith.constant 0 : index
      %get3A_1241 = arith.constant 384 : index
      %get3A_1242 = vector.load %arg1[%get3A_1239, %get3A_1240, %get3A_1241] : memref<32x128x512xf32, #tpu.memory_space<vmem>>, vector<1x128x128xf32>
      %get3A_1243 = vector.shape_cast %get3A_1242 : vector<1x128x128xf32> to vector<128x128xf32>
      %mul3A_1244 = vector.broadcast %broadcast_in_dim3A_1238 : vector<1x128xf32> to vector<128x128xf32>
      %mul3A_1245 = arith.mulf %mul3A_1244, %get3A_1243 : vector<128x128xf32>
      %add3A_1246 = arith.addf %add3A_1235, %mul3A_1245 : vector<128x128xf32>
      %slice3A_1247 = vector.extract_strided_slice %max3A_63 {offsets = [11, 384], sizes = [1, 128], strides = [1, 1]} : vector<32x512xf32> to vector<1x128xf32>
      %squeeze3A_1248 = vector.shape_cast %slice3A_1247 : vector<1x128xf32> to vector<128xf32>
      %broadcast_in_dim3A_1249 = vector.shape_cast %squeeze3A_1248 : vector<128xf32> to vector<1x128xf32>
      %get3A_1250 = arith.constant 11 : index
      %get3A_1251 = arith.constant 0 : index
      %get3A_1252 = arith.constant 384 : index
      %get3A_1253 = vector.load %arg1[%get3A_1250, %get3A_1251, %get3A_1252] : memref<32x128x512xf32, #tpu.memory_space<vmem>>, vector<1x128x128xf32>
      %get3A_1254 = vector.shape_cast %get3A_1253 : vector<1x128x128xf32> to vector<128x128xf32>
      %mul3A_1255 = vector.broadcast %broadcast_in_dim3A_1249 : vector<1x128xf32> to vector<128x128xf32>
      %mul3A_1256 = arith.mulf %mul3A_1255, %get3A_1254 : vector<128x128xf32>
      %add3A_1257 = arith.addf %add3A_1246, %mul3A_1256 : vector<128x128xf32>
      %slice3A_1258 = vector.extract_strided_slice %max3A_63 {offsets = [12, 384], sizes = [1, 128], strides = [1, 1]} : vector<32x512xf32> to vector<1x128xf32>
      %squeeze3A_1259 = vector.shape_cast %slice3A_1258 : vector<1x128xf32> to vector<128xf32>
      %broadcast_in_dim3A_1260 = vector.shape_cast %squeeze3A_1259 : vector<128xf32> to vector<1x128xf32>
      %get3A_1261 = arith.constant 12 : index
      %get3A_1262 = arith.constant 0 : index
      %get3A_1263 = arith.constant 384 : index
      %get3A_1264 = vector.load %arg1[%get3A_1261, %get3A_1262, %get3A_1263] : memref<32x128x512xf32, #tpu.memory_space<vmem>>, vector<1x128x128xf32>
      %get3A_1265 = vector.shape_cast %get3A_1264 : vector<1x128x128xf32> to vector<128x128xf32>
      %mul3A_1266 = vector.broadcast %broadcast_in_dim3A_1260 : vector<1x128xf32> to vector<128x128xf32>
      %mul3A_1267 = arith.mulf %mul3A_1266, %get3A_1265 : vector<128x128xf32>
      %add3A_1268 = arith.addf %add3A_1257, %mul3A_1267 : vector<128x128xf32>
      %slice3A_1269 = vector.extract_strided_slice %max3A_63 {offsets = [13, 384], sizes = [1, 128], strides = [1, 1]} : vector<32x512xf32> to vector<1x128xf32>
      %squeeze3A_1270 = vector.shape_cast %slice3A_1269 : vector<1x128xf32> to vector<128xf32>
      %broadcast_in_dim3A_1271 = vector.shape_cast %squeeze3A_1270 : vector<128xf32> to vector<1x128xf32>
      %get3A_1272 = arith.constant 13 : index
      %get3A_1273 = arith.constant 0 : index
      %get3A_1274 = arith.constant 384 : index
      %get3A_1275 = vector.load %arg1[%get3A_1272, %get3A_1273, %get3A_1274] : memref<32x128x512xf32, #tpu.memory_space<vmem>>, vector<1x128x128xf32>
      %get3A_1276 = vector.shape_cast %get3A_1275 : vector<1x128x128xf32> to vector<128x128xf32>
      %mul3A_1277 = vector.broadcast %broadcast_in_dim3A_1271 : vector<1x128xf32> to vector<128x128xf32>
      %mul3A_1278 = arith.mulf %mul3A_1277, %get3A_1276 : vector<128x128xf32>
      %add3A_1279 = arith.addf %add3A_1268, %mul3A_1278 : vector<128x128xf32>
      %slice3A_1280 = vector.extract_strided_slice %max3A_63 {offsets = [14, 384], sizes = [1, 128], strides = [1, 1]} : vector<32x512xf32> to vector<1x128xf32>
      %squeeze3A_1281 = vector.shape_cast %slice3A_1280 : vector<1x128xf32> to vector<128xf32>
      %broadcast_in_dim3A_1282 = vector.shape_cast %squeeze3A_1281 : vector<128xf32> to vector<1x128xf32>
      %get3A_1283 = arith.constant 14 : index
      %get3A_1284 = arith.constant 0 : index
      %get3A_1285 = arith.constant 384 : index
      %get3A_1286 = vector.load %arg1[%get3A_1283, %get3A_1284, %get3A_1285] : memref<32x128x512xf32, #tpu.memory_space<vmem>>, vector<1x128x128xf32>
      %get3A_1287 = vector.shape_cast %get3A_1286 : vector<1x128x128xf32> to vector<128x128xf32>
      %mul3A_1288 = vector.broadcast %broadcast_in_dim3A_1282 : vector<1x128xf32> to vector<128x128xf32>
      %mul3A_1289 = arith.mulf %mul3A_1288, %get3A_1287 : vector<128x128xf32>
      %add3A_1290 = arith.addf %add3A_1279, %mul3A_1289 : vector<128x128xf32>
      %slice3A_1291 = vector.extract_strided_slice %max3A_63 {offsets = [15, 384], sizes = [1, 128], strides = [1, 1]} : vector<32x512xf32> to vector<1x128xf32>
      %squeeze3A_1292 = vector.shape_cast %slice3A_1291 : vector<1x128xf32> to vector<128xf32>
      %broadcast_in_dim3A_1293 = vector.shape_cast %squeeze3A_1292 : vector<128xf32> to vector<1x128xf32>
      %get3A_1294 = arith.constant 15 : index
      %get3A_1295 = arith.constant 0 : index
      %get3A_1296 = arith.constant 384 : index
      %get3A_1297 = vector.load %arg1[%get3A_1294, %get3A_1295, %get3A_1296] : memref<32x128x512xf32, #tpu.memory_space<vmem>>, vector<1x128x128xf32>
      %get3A_1298 = vector.shape_cast %get3A_1297 : vector<1x128x128xf32> to vector<128x128xf32>
      %mul3A_1299 = vector.broadcast %broadcast_in_dim3A_1293 : vector<1x128xf32> to vector<128x128xf32>
      %mul3A_1300 = arith.mulf %mul3A_1299, %get3A_1298 : vector<128x128xf32>
      %add3A_1301 = arith.addf %add3A_1290, %mul3A_1300 : vector<128x128xf32>
      %slice3A_1302 = vector.extract_strided_slice %max3A_63 {offsets = [16, 384], sizes = [1, 128], strides = [1, 1]} : vector<32x512xf32> to vector<1x128xf32>
      %squeeze3A_1303 = vector.shape_cast %slice3A_1302 : vector<1x128xf32> to vector<128xf32>
      %broadcast_in_dim3A_1304 = vector.shape_cast %squeeze3A_1303 : vector<128xf32> to vector<1x128xf32>
      %get3A_1305 = arith.constant 16 : index
      %get3A_1306 = arith.constant 0 : index
      %get3A_1307 = arith.constant 384 : index
      %get3A_1308 = vector.load %arg1[%get3A_1305, %get3A_1306, %get3A_1307] : memref<32x128x512xf32, #tpu.memory_space<vmem>>, vector<1x128x128xf32>
      %get3A_1309 = vector.shape_cast %get3A_1308 : vector<1x128x128xf32> to vector<128x128xf32>
      %mul3A_1310 = vector.broadcast %broadcast_in_dim3A_1304 : vector<1x128xf32> to vector<128x128xf32>
      %mul3A_1311 = arith.mulf %mul3A_1310, %get3A_1309 : vector<128x128xf32>
      %add3A_1312 = arith.addf %add3A_1301, %mul3A_1311 : vector<128x128xf32>
      %slice3A_1313 = vector.extract_strided_slice %max3A_63 {offsets = [17, 384], sizes = [1, 128], strides = [1, 1]} : vector<32x512xf32> to vector<1x128xf32>
      %squeeze3A_1314 = vector.shape_cast %slice3A_1313 : vector<1x128xf32> to vector<128xf32>
      %broadcast_in_dim3A_1315 = vector.shape_cast %squeeze3A_1314 : vector<128xf32> to vector<1x128xf32>
      %get3A_1316 = arith.constant 17 : index
      %get3A_1317 = arith.constant 0 : index
      %get3A_1318 = arith.constant 384 : index
      %get3A_1319 = vector.load %arg1[%get3A_1316, %get3A_1317, %get3A_1318] : memref<32x128x512xf32, #tpu.memory_space<vmem>>, vector<1x128x128xf32>
      %get3A_1320 = vector.shape_cast %get3A_1319 : vector<1x128x128xf32> to vector<128x128xf32>
      %mul3A_1321 = vector.broadcast %broadcast_in_dim3A_1315 : vector<1x128xf32> to vector<128x128xf32>
      %mul3A_1322 = arith.mulf %mul3A_1321, %get3A_1320 : vector<128x128xf32>
      %add3A_1323 = arith.addf %add3A_1312, %mul3A_1322 : vector<128x128xf32>
      %slice3A_1324 = vector.extract_strided_slice %max3A_63 {offsets = [18, 384], sizes = [1, 128], strides = [1, 1]} : vector<32x512xf32> to vector<1x128xf32>
      %squeeze3A_1325 = vector.shape_cast %slice3A_1324 : vector<1x128xf32> to vector<128xf32>
      %broadcast_in_dim3A_1326 = vector.shape_cast %squeeze3A_1325 : vector<128xf32> to vector<1x128xf32>
      %get3A_1327 = arith.constant 18 : index
      %get3A_1328 = arith.constant 0 : index
      %get3A_1329 = arith.constant 384 : index
      %get3A_1330 = vector.load %arg1[%get3A_1327, %get3A_1328, %get3A_1329] : memref<32x128x512xf32, #tpu.memory_space<vmem>>, vector<1x128x128xf32>
      %get3A_1331 = vector.shape_cast %get3A_1330 : vector<1x128x128xf32> to vector<128x128xf32>
      %mul3A_1332 = vector.broadcast %broadcast_in_dim3A_1326 : vector<1x128xf32> to vector<128x128xf32>
      %mul3A_1333 = arith.mulf %mul3A_1332, %get3A_1331 : vector<128x128xf32>
      %add3A_1334 = arith.addf %add3A_1323, %mul3A_1333 : vector<128x128xf32>
      %slice3A_1335 = vector.extract_strided_slice %max3A_63 {offsets = [19, 384], sizes = [1, 128], strides = [1, 1]} : vector<32x512xf32> to vector<1x128xf32>
      %squeeze3A_1336 = vector.shape_cast %slice3A_1335 : vector<1x128xf32> to vector<128xf32>
      %broadcast_in_dim3A_1337 = vector.shape_cast %squeeze3A_1336 : vector<128xf32> to vector<1x128xf32>
      %get3A_1338 = arith.constant 19 : index
      %get3A_1339 = arith.constant 0 : index
      %get3A_1340 = arith.constant 384 : index
      %get3A_1341 = vector.load %arg1[%get3A_1338, %get3A_1339, %get3A_1340] : memref<32x128x512xf32, #tpu.memory_space<vmem>>, vector<1x128x128xf32>
      %get3A_1342 = vector.shape_cast %get3A_1341 : vector<1x128x128xf32> to vector<128x128xf32>
      %mul3A_1343 = vector.broadcast %broadcast_in_dim3A_1337 : vector<1x128xf32> to vector<128x128xf32>
      %mul3A_1344 = arith.mulf %mul3A_1343, %get3A_1342 : vector<128x128xf32>
      %add3A_1345 = arith.addf %add3A_1334, %mul3A_1344 : vector<128x128xf32>
      %slice3A_1346 = vector.extract_strided_slice %max3A_63 {offsets = [20, 384], sizes = [1, 128], strides = [1, 1]} : vector<32x512xf32> to vector<1x128xf32>
      %squeeze3A_1347 = vector.shape_cast %slice3A_1346 : vector<1x128xf32> to vector<128xf32>
      %broadcast_in_dim3A_1348 = vector.shape_cast %squeeze3A_1347 : vector<128xf32> to vector<1x128xf32>
      %get3A_1349 = arith.constant 20 : index
      %get3A_1350 = arith.constant 0 : index
      %get3A_1351 = arith.constant 384 : index
      %get3A_1352 = vector.load %arg1[%get3A_1349, %get3A_1350, %get3A_1351] : memref<32x128x512xf32, #tpu.memory_space<vmem>>, vector<1x128x128xf32>
      %get3A_1353 = vector.shape_cast %get3A_1352 : vector<1x128x128xf32> to vector<128x128xf32>
      %mul3A_1354 = vector.broadcast %broadcast_in_dim3A_1348 : vector<1x128xf32> to vector<128x128xf32>
      %mul3A_1355 = arith.mulf %mul3A_1354, %get3A_1353 : vector<128x128xf32>
      %add3A_1356 = arith.addf %add3A_1345, %mul3A_1355 : vector<128x128xf32>
      %slice3A_1357 = vector.extract_strided_slice %max3A_63 {offsets = [21, 384], sizes = [1, 128], strides = [1, 1]} : vector<32x512xf32> to vector<1x128xf32>
      %squeeze3A_1358 = vector.shape_cast %slice3A_1357 : vector<1x128xf32> to vector<128xf32>
      %broadcast_in_dim3A_1359 = vector.shape_cast %squeeze3A_1358 : vector<128xf32> to vector<1x128xf32>
      %get3A_1360 = arith.constant 21 : index
      %get3A_1361 = arith.constant 0 : index
      %get3A_1362 = arith.constant 384 : index
      %get3A_1363 = vector.load %arg1[%get3A_1360, %get3A_1361, %get3A_1362] : memref<32x128x512xf32, #tpu.memory_space<vmem>>, vector<1x128x128xf32>
      %get3A_1364 = vector.shape_cast %get3A_1363 : vector<1x128x128xf32> to vector<128x128xf32>
      %mul3A_1365 = vector.broadcast %broadcast_in_dim3A_1359 : vector<1x128xf32> to vector<128x128xf32>
      %mul3A_1366 = arith.mulf %mul3A_1365, %get3A_1364 : vector<128x128xf32>
      %add3A_1367 = arith.addf %add3A_1356, %mul3A_1366 : vector<128x128xf32>
      %slice3A_1368 = vector.extract_strided_slice %max3A_63 {offsets = [22, 384], sizes = [1, 128], strides = [1, 1]} : vector<32x512xf32> to vector<1x128xf32>
      %squeeze3A_1369 = vector.shape_cast %slice3A_1368 : vector<1x128xf32> to vector<128xf32>
      %broadcast_in_dim3A_1370 = vector.shape_cast %squeeze3A_1369 : vector<128xf32> to vector<1x128xf32>
      %get3A_1371 = arith.constant 22 : index
      %get3A_1372 = arith.constant 0 : index
      %get3A_1373 = arith.constant 384 : index
      %get3A_1374 = vector.load %arg1[%get3A_1371, %get3A_1372, %get3A_1373] : memref<32x128x512xf32, #tpu.memory_space<vmem>>, vector<1x128x128xf32>
      %get3A_1375 = vector.shape_cast %get3A_1374 : vector<1x128x128xf32> to vector<128x128xf32>
      %mul3A_1376 = vector.broadcast %broadcast_in_dim3A_1370 : vector<1x128xf32> to vector<128x128xf32>
      %mul3A_1377 = arith.mulf %mul3A_1376, %get3A_1375 : vector<128x128xf32>
      %add3A_1378 = arith.addf %add3A_1367, %mul3A_1377 : vector<128x128xf32>
      %slice3A_1379 = vector.extract_strided_slice %max3A_63 {offsets = [23, 384], sizes = [1, 128], strides = [1, 1]} : vector<32x512xf32> to vector<1x128xf32>
      %squeeze3A_1380 = vector.shape_cast %slice3A_1379 : vector<1x128xf32> to vector<128xf32>
      %broadcast_in_dim3A_1381 = vector.shape_cast %squeeze3A_1380 : vector<128xf32> to vector<1x128xf32>
      %get3A_1382 = arith.constant 23 : index
      %get3A_1383 = arith.constant 0 : index
      %get3A_1384 = arith.constant 384 : index
      %get3A_1385 = vector.load %arg1[%get3A_1382, %get3A_1383, %get3A_1384] : memref<32x128x512xf32, #tpu.memory_space<vmem>>, vector<1x128x128xf32>
      %get3A_1386 = vector.shape_cast %get3A_1385 : vector<1x128x128xf32> to vector<128x128xf32>
      %mul3A_1387 = vector.broadcast %broadcast_in_dim3A_1381 : vector<1x128xf32> to vector<128x128xf32>
      %mul3A_1388 = arith.mulf %mul3A_1387, %get3A_1386 : vector<128x128xf32>
      %add3A_1389 = arith.addf %add3A_1378, %mul3A_1388 : vector<128x128xf32>
      %slice3A_1390 = vector.extract_strided_slice %max3A_63 {offsets = [24, 384], sizes = [1, 128], strides = [1, 1]} : vector<32x512xf32> to vector<1x128xf32>
      %squeeze3A_1391 = vector.shape_cast %slice3A_1390 : vector<1x128xf32> to vector<128xf32>
      %broadcast_in_dim3A_1392 = vector.shape_cast %squeeze3A_1391 : vector<128xf32> to vector<1x128xf32>
      %get3A_1393 = arith.constant 24 : index
      %get3A_1394 = arith.constant 0 : index
      %get3A_1395 = arith.constant 384 : index
      %get3A_1396 = vector.load %arg1[%get3A_1393, %get3A_1394, %get3A_1395] : memref<32x128x512xf32, #tpu.memory_space<vmem>>, vector<1x128x128xf32>
      %get3A_1397 = vector.shape_cast %get3A_1396 : vector<1x128x128xf32> to vector<128x128xf32>
      %mul3A_1398 = vector.broadcast %broadcast_in_dim3A_1392 : vector<1x128xf32> to vector<128x128xf32>
      %mul3A_1399 = arith.mulf %mul3A_1398, %get3A_1397 : vector<128x128xf32>
      %add3A_1400 = arith.addf %add3A_1389, %mul3A_1399 : vector<128x128xf32>
      %slice3A_1401 = vector.extract_strided_slice %max3A_63 {offsets = [25, 384], sizes = [1, 128], strides = [1, 1]} : vector<32x512xf32> to vector<1x128xf32>
      %squeeze3A_1402 = vector.shape_cast %slice3A_1401 : vector<1x128xf32> to vector<128xf32>
      %broadcast_in_dim3A_1403 = vector.shape_cast %squeeze3A_1402 : vector<128xf32> to vector<1x128xf32>
      %get3A_1404 = arith.constant 25 : index
      %get3A_1405 = arith.constant 0 : index
      %get3A_1406 = arith.constant 384 : index
      %get3A_1407 = vector.load %arg1[%get3A_1404, %get3A_1405, %get3A_1406] : memref<32x128x512xf32, #tpu.memory_space<vmem>>, vector<1x128x128xf32>
      %get3A_1408 = vector.shape_cast %get3A_1407 : vector<1x128x128xf32> to vector<128x128xf32>
      %mul3A_1409 = vector.broadcast %broadcast_in_dim3A_1403 : vector<1x128xf32> to vector<128x128xf32>
      %mul3A_1410 = arith.mulf %mul3A_1409, %get3A_1408 : vector<128x128xf32>
      %add3A_1411 = arith.addf %add3A_1400, %mul3A_1410 : vector<128x128xf32>
      %slice3A_1412 = vector.extract_strided_slice %max3A_63 {offsets = [26, 384], sizes = [1, 128], strides = [1, 1]} : vector<32x512xf32> to vector<1x128xf32>
      %squeeze3A_1413 = vector.shape_cast %slice3A_1412 : vector<1x128xf32> to vector<128xf32>
      %broadcast_in_dim3A_1414 = vector.shape_cast %squeeze3A_1413 : vector<128xf32> to vector<1x128xf32>
      %get3A_1415 = arith.constant 26 : index
      %get3A_1416 = arith.constant 0 : index
      %get3A_1417 = arith.constant 384 : index
      %get3A_1418 = vector.load %arg1[%get3A_1415, %get3A_1416, %get3A_1417] : memref<32x128x512xf32, #tpu.memory_space<vmem>>, vector<1x128x128xf32>
      %get3A_1419 = vector.shape_cast %get3A_1418 : vector<1x128x128xf32> to vector<128x128xf32>
      %mul3A_1420 = vector.broadcast %broadcast_in_dim3A_1414 : vector<1x128xf32> to vector<128x128xf32>
      %mul3A_1421 = arith.mulf %mul3A_1420, %get3A_1419 : vector<128x128xf32>
      %add3A_1422 = arith.addf %add3A_1411, %mul3A_1421 : vector<128x128xf32>
      %slice3A_1423 = vector.extract_strided_slice %max3A_63 {offsets = [27, 384], sizes = [1, 128], strides = [1, 1]} : vector<32x512xf32> to vector<1x128xf32>
      %squeeze3A_1424 = vector.shape_cast %slice3A_1423 : vector<1x128xf32> to vector<128xf32>
      %broadcast_in_dim3A_1425 = vector.shape_cast %squeeze3A_1424 : vector<128xf32> to vector<1x128xf32>
      %get3A_1426 = arith.constant 27 : index
      %get3A_1427 = arith.constant 0 : index
      %get3A_1428 = arith.constant 384 : index
      %get3A_1429 = vector.load %arg1[%get3A_1426, %get3A_1427, %get3A_1428] : memref<32x128x512xf32, #tpu.memory_space<vmem>>, vector<1x128x128xf32>
      %get3A_1430 = vector.shape_cast %get3A_1429 : vector<1x128x128xf32> to vector<128x128xf32>
      %mul3A_1431 = vector.broadcast %broadcast_in_dim3A_1425 : vector<1x128xf32> to vector<128x128xf32>
      %mul3A_1432 = arith.mulf %mul3A_1431, %get3A_1430 : vector<128x128xf32>
      %add3A_1433 = arith.addf %add3A_1422, %mul3A_1432 : vector<128x128xf32>
      %slice3A_1434 = vector.extract_strided_slice %max3A_63 {offsets = [28, 384], sizes = [1, 128], strides = [1, 1]} : vector<32x512xf32> to vector<1x128xf32>
      %squeeze3A_1435 = vector.shape_cast %slice3A_1434 : vector<1x128xf32> to vector<128xf32>
      %broadcast_in_dim3A_1436 = vector.shape_cast %squeeze3A_1435 : vector<128xf32> to vector<1x128xf32>
      %get3A_1437 = arith.constant 28 : index
      %get3A_1438 = arith.constant 0 : index
      %get3A_1439 = arith.constant 384 : index
      %get3A_1440 = vector.load %arg1[%get3A_1437, %get3A_1438, %get3A_1439] : memref<32x128x512xf32, #tpu.memory_space<vmem>>, vector<1x128x128xf32>
      %get3A_1441 = vector.shape_cast %get3A_1440 : vector<1x128x128xf32> to vector<128x128xf32>
      %mul3A_1442 = vector.broadcast %broadcast_in_dim3A_1436 : vector<1x128xf32> to vector<128x128xf32>
      %mul3A_1443 = arith.mulf %mul3A_1442, %get3A_1441 : vector<128x128xf32>
      %add3A_1444 = arith.addf %add3A_1433, %mul3A_1443 : vector<128x128xf32>
      %slice3A_1445 = vector.extract_strided_slice %max3A_63 {offsets = [29, 384], sizes = [1, 128], strides = [1, 1]} : vector<32x512xf32> to vector<1x128xf32>
      %squeeze3A_1446 = vector.shape_cast %slice3A_1445 : vector<1x128xf32> to vector<128xf32>
      %broadcast_in_dim3A_1447 = vector.shape_cast %squeeze3A_1446 : vector<128xf32> to vector<1x128xf32>
      %get3A_1448 = arith.constant 29 : index
      %get3A_1449 = arith.constant 0 : index
      %get3A_1450 = arith.constant 384 : index
      %get3A_1451 = vector.load %arg1[%get3A_1448, %get3A_1449, %get3A_1450] : memref<32x128x512xf32, #tpu.memory_space<vmem>>, vector<1x128x128xf32>
      %get3A_1452 = vector.shape_cast %get3A_1451 : vector<1x128x128xf32> to vector<128x128xf32>
      %mul3A_1453 = vector.broadcast %broadcast_in_dim3A_1447 : vector<1x128xf32> to vector<128x128xf32>
      %mul3A_1454 = arith.mulf %mul3A_1453, %get3A_1452 : vector<128x128xf32>
      %add3A_1455 = arith.addf %add3A_1444, %mul3A_1454 : vector<128x128xf32>
      %slice3A_1456 = vector.extract_strided_slice %max3A_63 {offsets = [30, 384], sizes = [1, 128], strides = [1, 1]} : vector<32x512xf32> to vector<1x128xf32>
      %squeeze3A_1457 = vector.shape_cast %slice3A_1456 : vector<1x128xf32> to vector<128xf32>
      %broadcast_in_dim3A_1458 = vector.shape_cast %squeeze3A_1457 : vector<128xf32> to vector<1x128xf32>
      %get3A_1459 = arith.constant 30 : index
      %get3A_1460 = arith.constant 0 : index
      %get3A_1461 = arith.constant 384 : index
      %get3A_1462 = vector.load %arg1[%get3A_1459, %get3A_1460, %get3A_1461] : memref<32x128x512xf32, #tpu.memory_space<vmem>>, vector<1x128x128xf32>
      %get3A_1463 = vector.shape_cast %get3A_1462 : vector<1x128x128xf32> to vector<128x128xf32>
      %mul3A_1464 = vector.broadcast %broadcast_in_dim3A_1458 : vector<1x128xf32> to vector<128x128xf32>
      %mul3A_1465 = arith.mulf %mul3A_1464, %get3A_1463 : vector<128x128xf32>
      %add3A_1466 = arith.addf %add3A_1455, %mul3A_1465 : vector<128x128xf32>
      %slice3A_1467 = vector.extract_strided_slice %max3A_63 {offsets = [31, 384], sizes = [1, 128], strides = [1, 1]} : vector<32x512xf32> to vector<1x128xf32>
      %squeeze3A_1468 = vector.shape_cast %slice3A_1467 : vector<1x128xf32> to vector<128xf32>
      %broadcast_in_dim3A_1469 = vector.shape_cast %squeeze3A_1468 : vector<128xf32> to vector<1x128xf32>
      %get3A_1470 = arith.constant 31 : index
      %get3A_1471 = arith.constant 0 : index
      %get3A_1472 = arith.constant 384 : index
      %get3A_1473 = vector.load %arg1[%get3A_1470, %get3A_1471, %get3A_1472] : memref<32x128x512xf32, #tpu.memory_space<vmem>>, vector<1x128x128xf32>
      %get3A_1474 = vector.shape_cast %get3A_1473 : vector<1x128x128xf32> to vector<128x128xf32>
      %mul3A_1475 = vector.broadcast %broadcast_in_dim3A_1469 : vector<1x128xf32> to vector<128x128xf32>
      %mul3A_1476 = arith.mulf %mul3A_1475, %get3A_1474 : vector<128x128xf32>
      %add3A_1477 = arith.addf %add3A_1466, %mul3A_1476 : vector<128x128xf32>
      %concatenate3A = tpu.concatenate %add3A_415, %add3A_769, %add3A_1123, %add3A_1477 in 1 : vector<128x128xf32>, vector<128x128xf32>, vector<128x128xf32>, vector<128x128xf32> -> vector<128x512xf32>
      %get3A_1478 = arith.index_cast %scan3A_36 : i32 to index
      %get3A_1479 = arith.constant 0 : index
      %get3A_1480 = arith.constant 0 : index
      %get3A_1481 = vector.load %arg7[%get3A_1478, %get3A_1479, %get3A_1480] : memref<15x128x128xf32, #tpu.memory_space<vmem>>, vector<1x128x128xf32>
      %get3A_1482 = vector.shape_cast %get3A_1481 : vector<1x128x128xf32> to vector<128x128xf32>
      %dot_general3A = arith.constant dense<0.000000e+00> : vector<128x512xf32>
      %dot_general3A_1483 = tpu.matmul %get3A_1482, %concatenate3A, %dot_general3A {dimension_numbers = #tpu.dot_dimension_numbers<[1], [0], [0], [1], [0, 0, 1, 1], [], []>, transpose_lhs_hint = false} : vector<128x128xf32>, vector<128x512xf32>, vector<128x512xf32> -> vector<128x512xf32>
      %add3A_1484 = arith.addf %scan3A_37, %dot_general3A_1483 : vector<128x512xf32>
      scf.yield %add3A_1484 : vector<128x512xf32>
    }
    %scan3A_33 = arith.constant 15 : i32
    %swap3A = arith.constant 0 : index
    %swap3A_34 = arith.constant 0 : index
    %swap3A_35 = vector.load %arg8[%swap3A, %swap3A_34] : memref<128x512xf32, #tpu.memory_space<vmem>>, vector<128x512xf32>
    tpu.vector_store %arg8[%swap3A, %swap3A_34], %scan3A_32 {strides = array<i32>} : memref<128x512xf32, #tpu.memory_space<vmem>>, vector<128x512xf32>,
    return
  }
  func.func @transform_0(%arg0: i32) -> (i32, i32, i32) {
    %c0_i32 = arith.constant 0 : i32
    %c0_i32_0 = arith.constant 0 : i32
    %c0_i32_1 = arith.constant 0 : i32
    return %c0_i32, %c0_i32_0, %arg0 : i32, i32, i32
  }
  func.func @transform_1(%arg0: i32) -> (i32, i32) {
    %c0_i32 = arith.constant 0 : i32
    %c0_i32_0 = arith.constant 0 : i32
    return %c0_i32, %arg0 : i32, i32
  }
  func.func @transform_2(%arg0: i32) -> (i32, i32) {
    %c0_i32 = arith.constant 0 : i32
    %c0_i32_0 = arith.constant 0 : i32
    return %c0_i32, %arg0 : i32, i32
  }
  func.func @transform_3(%arg0: i32) -> (i32, i32) {
    %c0_i32 = arith.constant 0 : i32
    %c0_i32_0 = arith.constant 0 : i32
    return %c0_i32, %arg0 : i32, i32
  }
  func.func @transform_4(%arg0: i32) -> (i32, i32) {
    %c0_i32 = arith.constant 0 : i32
    %c0_i32_0 = arith.constant 0 : i32
    return %c0_i32, %arg0 : i32, i32
  }
  func.func @transform_5(%arg0: i32) -> (i32, i32) {
    %c0_i32 = arith.constant 0 : i32
    %c0_i32_0 = arith.constant 0 : i32
    %c0_i32_1 = arith.constant 0 : i32
    return %c0_i32, %c0_i32_0 : i32, i32
  }
  func.func @transform_6(%arg0: i32) -> (i32, i32, i32) {
    %c0_i32 = arith.constant 0 : i32
    %c0_i32_0 = arith.constant 0 : i32
    %c0_i32_1 = arith.constant 0 : i32
    %c0_i32_2 = arith.constant 0 : i32
    return %c0_i32, %c0_i32_0, %c0_i32_1 : i32, i32, i32
  }
  func.func @transform_7(%arg0: i32) -> (i32, i32) {
    %c0_i32 = arith.constant 0 : i32
    %c0_i32_0 = arith.constant 0 : i32
    return %c0_i32, %arg0 : i32, i32
  }
}

</mosaic_0001>

<sc_bundles>
// kernel: kernel.4.cloned.1.call-start
scs
__scs_entry_jumppad:
0x0: {  	(pc) =	sbr.rel $0x88, $3  }
0x1: {  	(tag) =	ssettag $0x0;
	lr =	simm.s32 $0x1  }
0x2: {  	[smem:$0x3F9B] =	sst lr;
	_ =	strace $0xD0000000  }
0x3: {  	_ = 	snop  }
0x4: {  	_ = 	snop  }
0x5: {  	_ = 	snop  }
0x6: {  	_ = 	snop  }
0x7: {  	_ = 	snop  }
__scs_overlays_trampoline_lowered:
0x8: {  	[smem:$0x3FAA] =	sst s0  }
0x9: {  	[smem:$0x3FAB] =	sst s1  }
0xa: {  	[smem:$0x3FAC] =	sst s2  }
0xb: {  	[smem:$0x3FAD] =	sst s3  }
0xc: {  	[smem:$0x3FAE] =	sst s4  }
0xd: {  	[smem:$0x3FAF] =	sst s5  }
0xe: {  	[smem:$0x3FB0] =	sst s6  }
0xf: {  	[smem:$0x3FB1] =	sst s7  }
0x10: {  	[smem:$0x3FB2] =	sst s8  }
0x11: {  	[smem:$0x3FB3] =	sst s9;
	s0 =	simm.s32 @!p0 $0x0  }
0x12: {  	s1 =	sld [smem:$0x3F99];
	s0 =	simm.s32 @p0 $0x1  }
0x13: {  	[smem:$0x3FB4] =	sst s0;
	s0 =	simm.s32 @!p1 $0x0  }
0x14: {  	s2 =	sld [smem:$0x3F98];
	s0 =	simm.s32 @p1 $0x1  }
0x15: {  	[smem:$0x3FB5] =	sst s0;
	s0 =	simm.s32 @!p2 $0x0  }
0x16: {  	s3 =	sld [smem:$0x3FDB];
	s0 =	simm.s32 @p2 $0x1  }
0x17: {  	s4 =	simm.s32 $0x1BF5;
	[smem:$0x3FB7] =	sst s0  }
0x18: {  	s0 =	sld [smem:$0x3F9A];
	_ =	swait.ge [sflag:s4], $0x0  }
0x19: {  	s7 =	sld [smem:$0x3F9B]  }
0x1a: {  	s8 =	sadd.s32 $0xFFFFE003, lr  }
0x1b: {  	s9 =	sadd.s32 $0xFFFFFEF7, lr;
	s5 =	simm.s32 $0xFFFFFFFF;
	p2 =	slt.u32 s8, $0xFFFFF086  }
0x1c: {  	p1 =	slt.u32 s9, $0xF7A;
	s5 =	simm.s32 @!p2 $0x0  }
0x1d: {  	s5 =	simm.s32 @p1 $0x1;
	p0 =	seq.s32 s7, s2  }
0x1e: {  	s7 =	smul.u32 @!p0 $0xF7A, s2;
	p2 =	seq.s32 @!p0 s5, $0x0  }
0x1f: {  	s9 =	smul.u32 $0xF7A, s1;
	s8 =	simm.s32 @!p0 $0x1BF5;
	p2 =	por !p2, p0  }
0x20: {  	[sflag:s8] =	ssyncset.s32 @!p0 $0xFFFFF086;
	s6 =	sadd.s32 @!p0 s3, s7;
	s7 =	simm.s32 @!p0 $0x108  }
0x21: {  	s3 =	sadd.s32 s3, s9;
	s6 =	sadd.s32 @!p0 $0x88, s6;
	s7 =	simm.s32 @p2 $0x1082  }
0x22: {  	[simem:s7], [sflag:s8] =	dma.local @!p0 [hbm:s6], $0xF7A  }
0x23: {  	s9 =	sor.u32 $0xD0000000, s2;
	s6 =	simm.s32 $0x108;
	_ =	swait.ge @!p0 [sflag:s8], $0x0  }
0x24: {  	s3 =	sadd.s32 $0x88, s3;
	s6 =	simm.s32 @!p1 $0x1082;
	[sflag:s4] =	ssyncset.s32 $0xFFFFF086  }
0x25: {  	[simem:s6], [sflag:s4] =	dma.local [hbm:s3], $0xF7A  }
0x26: {  	[smem:$0x3F9B] =	sst s1;
	(tag) =	ssettag s2;
	_ =	strace s9  }
0x27: {  	s1 =	sld [smem:$0x3FAB]  }
0x28: {  	s2 =	sld [smem:$0x3FAC]  }
0x29: {  	s4 =	sld [smem:$0x3FAE]  }
0x2a: {  	p0 =	seq.s32 s5, $0x0;
	s5 =	sld [smem:$0x3FAF]  }
0x2b: {  	s6 =	sld [smem:$0x3FB0]  }
0x2c: {  	s7 =	sld [smem:$0x3FB1]  }
0x2d: {  	s3 =	simm.s32 $0x108;
	s8 =	sld [smem:$0x3FB2]  }
0x2e: {  	s3 =	simm.s32 @!p0 $0x1082;
	s9 =	sld [smem:$0x3FB3]  }
0x2f: {  	lr =	sadd.s32 s0, s3;
	s0 =	sld [smem:$0x3FAA]  }
0x30: {  	s3 =	sld [smem:$0x3FAD]  }
0x31: {  	[smem:$0x3FB6] =	sst s10  }
0x32: {  	s10 =	sld [smem:$0x3FB4];
	_ =	sdelay $0x3  }
0x33: {  	p0 =	seq.s32 s10, $0x1;
	s10 =	sld [smem:$0x3FB6];
	_ =	sdelay $0x3  }
0x34: {  	[smem:$0x3FB6] =	sst s10  }
0x35: {  	s10 =	sld [smem:$0x3FB5];
	_ =	sdelay $0x3  }
0x36: {  	p1 =	seq.s32 s10, $0x1;
	s10 =	sld [smem:$0x3FB6];
	_ =	sdelay $0x3  }
0x37: {  	[smem:$0x3FB6] =	sst s10  }
0x38: {  	s10 =	sld [smem:$0x3FB7]  }
0x39: {  	_ = 	snop;
	(pc) =	sbr.ind lr, $3  }
0x3a: {  	_ = 	snop  }
0x3b: {  	_ = 	snop  }
0x3c: {  	p2 =	seq.s32 s10, $0x1;
	s10 =	sld [smem:$0x3FB6]  }
0x3d: {  	_ =	shalt  }
0x3e: {  	_ =	shalt  }
0x3f: {  	_ =	shalt  }
0x40: {  	_ =	shalt  }
0x41: {  	_ =	shalt  }
0x42: {  	_ =	shalt  }
0x43: {  	_ =	shalt  }
0x44: {  	_ =	shalt  }
0x45: {  	_ =	shalt  }
0x46: {  	_ =	shalt  }
0x47: {  	_ =	shalt  }
0x48: {  	_ =	shalt  }
0x49: {  	_ =	shalt  }
0x4a: {  	_ =	shalt  }
0x4b: {  	_ =	shalt  }
0x4c: {  	_ =	shalt  }
0x4d: {  	_ =	shalt  }
0x4e: {  	_ =	shalt  }
0x4f: {  	_ =	shalt  }
0x50: {  	_ =	shalt  }
0x51: {  	_ =	shalt  }
0x52: {  	_ =	shalt  }
0x53: {  	_ =	shalt  }
0x54: {  	_ =	shalt  }
0x55: {  	_ =	shalt  }
0x56: {  	_ =	shalt  }
0x57: {  	_ =	shalt  }
0x58: {  	_ =	shalt  }
0x59: {  	_ =	shalt  }
0x5a: {  	_ =	shalt  }
0x5b: {  	_ =	shalt  }
0x5c: {  	_ =	shalt  }
0x5d: {  	_ =	shalt  }
0x5e: {  	_ =	shalt  }
0x5f: {  	_ =	shalt  }
0x60: {  	_ =	shalt  }
0x61: {  	_ =	shalt  }
0x62: {  	_ =	shalt  }
0x63: {  	_ =	shalt  }
0x64: {  	_ =	shalt  }
0x65: {  	_ =	shalt  }
0x66: {  	_ =	shalt  }
0x67: {  	_ =	shalt  }
0x68: {  	_ =	shalt  }
0x69: {  	_ =	shalt  }
0x6a: {  	_ =	shalt  }
0x6b: {  	_ =	shalt  }
0x6c: {  	_ =	shalt  }
0x6d: {  	_ =	shalt  }
0x6e: {  	_ =	shalt  }
0x6f: {  	_ =	shalt  }
0x70: {  	_ =	shalt  }
0x71: {  	_ =	shalt  }
0x72: {  	_ =	shalt  }
0x73: {  	_ =	shalt  }
0x74: {  	_ =	shalt  }
0x75: {  	_ =	shalt  }
0x76: {  	_ =	shalt  }
0x77: {  	_ =	shalt  }
0x78: {  	_ =	shalt  }
0x79: {  	_ =	shalt  }
0x7a: {  	_ =	shalt  }
0x7b: {  	_ =	shalt  }
0x7c: {  	_ =	shalt  }
0x7d: {  	_ =	shalt  }
0x7e: {  	_ =	shalt  }
0x7f: {  	_ =	shalt  }
0x80: {  	_ =	shalt  }
0x81: {  	_ =	shalt  }
0x82: {  	_ =	shalt  }
0x83: {  	_ =	shalt  }
0x84: {  	_ =	shalt  }
0x85: {  	_ =	shalt  }
0x86: {  	_ =	shalt  }
0x87: {  	_ =	shalt  }
.Lfunc_end0:
.L_simem_size_0:
called_computation.1_lowered:
.L_overlay_start_0:
0x88: {  	s2 =	sld [smem:$0x3FD9]  }
0x89: {  	s3 =	sld [smem:$0x3FFE];
	_ =	sdelay $0x1  }
0x8a: {  	s1 =	srdreg.scid  }
0x8b: {  	s0 =	sand.u32 $0x1, s1  }
0x8c: {  	s17 =	sshll.u32 s0, $0xA;
	s2 =	sadd.s32 s3, s2  }
0x8d: {  	s2 =	sadd.s32 s2, s17  }
0x8e: {  	[smem:$0x3FC2] =	sst s2  }
0x8f: {  	_ = 	snop  }
0x90: {  	s2 =	sld [smem:$0x3FC7]  }
0x91: {  	s18 =	sld [smem:$0x3FD0];
	(tm) =	ssettm $0x1  }
0x92: {  	s4 =	sld [smem:$0x3FFB];
	_ =	sdelay $0x3  }
0x93: {  	_ =	strace s4  }
0x94: {  	s4 =	sld [smem:$0x3FFC];
	_ =	sdelay $0x3  }
0x95: {  	_ =	strace s4  }
0x96: {  	s4 =	sld [smem:$0x3FFD];
	_ =	sdelay $0x3  }
0x97: {  	_ =	strace s4  }
0x98: {  	_ =	strace $0x8FFFFFFF  }
0x99: {  	s19 =	sld [smem:$0x3FDB];
	_ =	sdelay $0x1  }
0x9a: {  	s5 =	simm.s32 $_scs_section_size  }
0x9b: {  	s6 =	simm.s32 $_size__tile_overlayer_lowered;
	s7 =	simm.s32 $_tile_overlayer_lowered  }
0x9c: {  	s22 =	simm.s32 $0x1BFF;
	s21 =	sshll.u32 s7, $0x1;
	s4 =	sadd.s32 s5, s19  }
0x9d: {  	s8 =	simm.s32 $0x0;
	s20 =	sshll.u32 s6, $0x1;
	s6 =	sadd.s32 s21, s4  }
0x9e: {  	[timem:s8], [sflag:s22] =	dma.local [hbm:s6], s20  }
0x9f: {  	_ =	swait.ge [sflag:s22], s20  }
0xa0: {  	s5 =	ssub.s32 $0x0, s20;
	[sflag:s22] =	ssyncset.done $0x0  }
0xa1: {  	[sflag:s22] =	ssyncadd.s32 s5;
	_ =	sdelay $0x1  }
0xa2: {  	s23 =	simm.s32 $0x1B8B  }
0xa3: {  	_ =	swait.ge [sflag:s23], $0x1  }
0xa4: {  	[sflag:s23] =	ssyncset.done $0x0  }
0xa5: {  	s25 =	simm.s32 $0x1B8E;
	s24 =	sld [smem:$0x3FFE];
	[sflag:s23] =	ssyncadd.s32 $0xFFFFFFFF  }
0xa6: {  	s26 =	simm.s32 $execute0_lowered;
	[smem:$0x3FD2] =	sst s25  }
0xa7: {  	s6 =	sshll.u32 s26, $0x1;
	_ =	strace $0x80000046;
	[dreg:$0x1] =	wrdreg $0xFFFFFFFF  }
0xa8: {  	s28 =	simm.s32 $_size_execute0_lowered;
	s4 =	sadd.s32 s4, s6;
	[dreg:$0x0] =	wrdreg $0x0  }
0xa9: {  	s6 =	sshll.u32 s28, $0x1;
	[dreg:$0x2] =	wrdreg s4  }
0xaa: {  	[dreg:$0x3] =	wrdreg s6  }
0xab: {  	[dreg:$0x4] =	wrdreg $0xC0  }
0xac: {  	_ =	task [dreg:s8], $0x5FFFF  }
0xad: {  	[dreg:$0x1] =	wrdreg $0xFFFFFFFF  }
0xae: {  	[dreg:$0x0] =	wrdreg $0x60  }
0xaf: {  	[dreg:$0x2] =	wrdreg s2  }
0xb0: {  	[dreg:$0x3] =	wrdreg s24  }
0xb1: {  	[dreg:$0x4] =	wrdreg s18  }
0xb2: {  	[dreg:$0x5] =	wrdreg $0x9  }
0xb3: {  	_ =	task.clear_ibuf [dreg:s8], $0x6FFFF;
	_ =	strace $0x90000046  }
0xb4: {  	s29 =	simm.s32 $0x9;
	_ =	strace $0x80000048  }
0xb5: {  	_ =	swait.ge [sflag:s29], $0x1  }
0xb6: {  	[sflag:s29] =	ssyncadd.s32 $0xFFFFFFFF  }
0xb7: {  	_ =	strace $0x90000048  }
0xb8: {  	_ =	sfence  }
0xb9: {  	s30 =	sld [smem:$0x0];
	_ =	sdelay $0x2  }
0xba: {  	s31 =	sshll.u32 s1, $0xD;
	s1 =	sshrl.u32 s1, $0x2  }
0xbb: {  	s3 =	sand.u32 $0x4000, s31;
	s1 =	sadd.s32 s1, s30  }
0xbc: {  	s0 =	sor.u32 s3, s0;
	s1 =	sshll.u32 s1, $0x11  }
0xbd: {  	s0 =	sor.u32 s1, s0  }
0xbe: {  	s0 =	sadd.s32 $0x8F2B, s0  }
0xbf: {  	[sflag:s0] =	ssyncadd.remote.s32 $0x1  }
0xc0: {  	_ =	sfence.sel $0xFFFF  }
0xc1: {  	[dreg:$0x0] =	wrdreg $0xFFFFFFFF;
	(pc) =	sbr.abs _section_cstart, $3  }
0xc2: {  	[dreg:$0x1] =	wrdreg $0xFFFFFFFF  }
0xc3: {  	_ =	task.clear_ibuf [dreg:s8], $0x2FFFF;
	_ =	strace $0x9FFFFFFF  }
0xc4: {  	(tm) =	ssettm $0x7FFFFFFF  }
0xc5: {  	_ =	shalt  }
tec
execute0_lowered:
.L_overlay_start_1:
0x0: {  	(tag) =	ssettag $0x1  }
0x1: {  	s1 =	rddreg [dreg:$0x0]  }
0x2: {  	s0 =	rddreg [dreg:$0x1];
	s15 =	stileid.u32  }
0x3: {  	s2 =	rddreg [dreg:$0x2];
	s12 =	smul.u32 $0x5000, s15  }
0x4: {  	s4 =	srdreg.scid;
	s3 =	simm.s32 $0x0;
	s24 =	smul.u32 $0xA000, s15  }
0x5: {  	s5 =	sand.u32 $0x1, s4;
	s16 =	sshll.u32 s15, $0x1;
	s15 =	smul.u32 $0x50000, s15  }
0x6: {  	s28 =	simm.s32 $0x4;
	s29 =	simm.s32 $0x0;
	s13 =	smul.u32 $0x2800, s5  }
0x7: {  	[smem:$0x7FF] =	sst s3;
	s7 =	sadd.s32 $0xA6C00, s0;
	s14 =	smul.u32 $0x5000, s5  }
0x8: {  	s4 =	sor.u32 s5, s16;
	s8 =	ssub.s32 $0x2, s5;
	s5 =	smul.u32 $0x28000, s5  }
0x9: {  	_ =	strace $0x80000047;
	s6 =	smul.u32 $0x2800, s4;
	s4 =	sadd.s32 $0x1C00, s0  }
0xa: {  	s0 =	sadd.s32 $0x6C00, s0;
	s9 =	sshrl.u32 s8, $0x1;
	s25 =	sadd.s32 s15, s7  }
0xb: {  	s11 =	ssub.s32 s8, s9;
	s23 =	sadd.s32 s13, s12;
	s13 =	sadd.s32 s24, s0  }
0xc: {  	s24 =	simm.s32 $0x1;
	s10 =	sshrl.u32 s6, $0x3;
	s18 =	sadd.s32 $0x2700, s6  }
0xd: {  	s6 =	sadd.s32 $0x2600, s6;
	s12 =	sor.u32 $0x200, s23;
	s11 =	smax.u32 s11, $0x1  }
0xe: {  	s13 =	sadd.s32 s14, s13;
	s14 =	sadd.s32 s5, s25;
	s25 =	simm.s32 $0x2  }
0xf: {  	s17 =	sadd.s32 s2, s10;
	s19 =	sshrl.u32 s18, $0x3;
	s20 =	sshll.u32 s6, $0x4  }
0x10: {  	s6 =	sshll.u32 s6, $0x1;
	s21 =	sshll.u32 s18, $0x4;
	s10 =	sshll.u32 s18, $0x1  }
0x11: {  	s12 =	sshrl.u32 s12, $0x3;
	s18 =	simm.s32 $0x5;
	[dreg:$0x4] =	wrdreg s17  }
0x12: {  	s8 =	sadd.s32 s2, s19;
	s6 =	sadd.s32 s0, s6;
	s22 =	sadd.s32 s7, s21  }
0x13: {  	s10 =	sadd.s32 s0, s10;
	s12 =	sadd.s32 s12, s2;
	[dreg:$0x5] =	wrdreg s8  }
0x14: {  	s19 =	simm.s32 $0x100;
	s21 =	simm.s32 $0x10200;
	[dreg:$0x7] =	wrdreg s6  }
0x15: {  	s8 =	sadd.s32 s7, s20;
	[dreg:$0x8] =	wrdreg s22;
	s6 =	sor.u32 $0x100, s23  }
0x16: {  	s20 =	simm.s32 $0x200;
	s22 =	simm.s32 $0x8200;
	s23 =	simm.s32 $0x11200  }
0x17: {  	[dreg:$0x6] =	wrdreg s8;
	s26 =	sshrl.u32 s6, $0x8;
	s31 =	sshrl.u32 s6, $0x3  }
0x18: {  	s30 =	sshll.u32 s26, $0x9;
	s16 =	sshll.u32 s26, $0xC;
	s17 =	sadd.s32 s31, s2  }
0x19: {  	s26 =	simm.s32 $0x3;
	s15 =	sadd.s32 s30, s0;
	s16 =	sadd.s32 s16, s7  }
.LBB2_1:
0x1a: {  	s0 =	rddreg [dreg:$0x4]  }
0x1b: {  	[tilespmem:s3], [sflag:$0x5] =	stream.linear.gather [hbm4b:s0+s3], $0x100, $0x38;
	[tilespmem:$0x12200] =	vst v63  }
0x1c: {  	_ =	swait.ge [sflag:s18], $0x100  }
0x1d: {  	[sflag:s18] =	ssyncset.done $0x0  }
0x1e: {  	[sflag:s18] =	ssyncadd.s32 $0xFFFFFF00  }
0x1f: {  	[tilespmem:s20], [sflag:$0x1] =	stream.indirect.gather [hbm4b:s1+s19], $0x80, s3, s19, $0xb8;
	[tilespmem:$0x12200] =	vst v63  }
0x20: {  	_ = 	snop  }
0x21: {  	[tilespmem:s21], [sflag:$0x2] =	stream.indirect.gather [hbm4b:s4+s19], $0x10, s3, s19, $0xb8;
	[tilespmem:$0x12200] =	vst v63  }
0x22: {  	s8 =	sadd.s32 $0x0, s17  }
0x23: {  	[tilespmem:s19], [sflag:$0x5] =	stream.linear.gather [hbm4b:s8+s3], $0x100, $0x38;
	[tilespmem:$0x12200] =	vst v63  }
0x24: {  	_ =	swait.ge [sflag:s18], $0x100  }
0x25: {  	[sflag:s18] =	ssyncset.done $0x0  }
0x26: {  	[sflag:s18] =	ssyncadd.s32 $0xFFFFFF00  }
0x27: {  	[tilespmem:s22], [sflag:$0x3] =	stream.indirect.gather [hbm4b:s1+s19], $0x80, s19, s19, $0xb8;
	[tilespmem:$0x12200] =	vst v63  }
0x28: {  	_ = 	snop  }
0x29: {  	[tilespmem:s23], [sflag:$0x4] =	stream.indirect.gather [hbm4b:s4+s19], $0x10, s19, s19, $0xb8;
	[tilespmem:$0x12200] =	vst v63  }
0x2a: {  	_ =	swait.ge [sflag:s24], $0x8000  }
0x2b: {  	[sflag:s24] =	ssyncset.done $0x0  }
0x2c: {  	[sflag:s24] =	ssyncadd.s32 $0xFFFF8000  }
0x2d: {  	_ =	swait.ge [sflag:s25], $0x1000  }
0x2e: {  	[sflag:s25] =	ssyncset.done $0x0  }
0x2f: {  	[sflag:s25] =	ssyncadd.s32 $0xFFFFF000  }
0x30: {  	[hbm4b:s14+s3] =	stream.linear.scatter [tilespmem:s20], [sflag:$0x5], $0x8000, $0x38;
	[tilespmem:$0x12200] =	vst v63  }
0x31: {  	_ =	swait.ge [sflag:s18], $0x8000  }
0x32: {  	[sflag:s18] =	ssyncset.done $0x0  }
0x33: {  	[sflag:s18] =	ssyncadd.s32 $0xFFFF8000  }
0x34: {  	[hbm4b:s13+s3] =	stream.linear.scatter [tilespmem:s21], [sflag:$0x5], $0x1000, $0x38;
	[tilespmem:$0x12200] =	vst v63  }
0x35: {  	_ =	swait.ge [sflag:s18], $0x1000  }
0x36: {  	[sflag:s18] =	ssyncset.done $0x0  }
0x37: {  	s9 =	sadd.s32 $0x0, s12;
	[sflag:s18] =	ssyncadd.s32 $0xFFFFF000  }
0x38: {  	[tilespmem:s3], [sflag:$0x5] =	stream.linear.gather [hbm4b:s9+s3], $0x100, $0x38;
	[tilespmem:$0x12200] =	vst v63  }
0x39: {  	_ =	swait.ge [sflag:s18], $0x100  }
0x3a: {  	[sflag:s18] =	ssyncset.done $0x0  }
0x3b: {  	[sflag:s18] =	ssyncadd.s32 $0xFFFFFF00  }
0x3c: {  	[tilespmem:s20], [sflag:$0x1] =	stream.indirect.gather [hbm4b:s1+s19], $0x80, s3, s19, $0xb8;
	[tilespmem:$0x12200] =	vst v63  }
0x3d: {  	_ = 	snop  }
0x3e: {  	[tilespmem:s21], [sflag:$0x2] =	stream.indirect.gather [hbm4b:s4+s19], $0x10, s3, s19, $0xb8;
	[tilespmem:$0x12200] =	vst v63  }
0x3f: {  	_ =	swait.ge [sflag:s26], $0x8000  }
0x40: {  	[sflag:s26] =	ssyncset.done $0x0  }
0x41: {  	[sflag:s26] =	ssyncadd.s32 $0xFFFF8000  }
0x42: {  	_ =	swait.ge [sflag:s28], $0x1000  }
0x43: {  	[sflag:s28] =	ssyncset.done $0x0  }
0x44: {  	[sflag:s28] =	ssyncadd.s32 $0xFFFFF000  }
0x45: {  	[hbm4b:s16+s3] =	stream.linear.scatter [tilespmem:s22], [sflag:$0x5], $0x8000, $0x38;
	[tilespmem:$0x12200] =	vst v63  }
0x46: {  	_ =	swait.ge [sflag:s18], $0x8000  }
0x47: {  	[sflag:s18] =	ssyncset.done $0x0  }
0x48: {  	s6 =	simm.s32 $0x80;
	s30 =	sadd.s32 $0x400, s15;
	[sflag:s18] =	ssyncadd.s32 $0xFFFF8000  }
0x49: {  	[hbm4b:s15+s3] =	stream.linear.scatter [tilespmem:s23], [sflag:$0x5], $0x1000, $0x38;
	[tilespmem:$0x12200] =	vst v63  }
0x4a: {  	s31 =	sadd.s32 $0x2000, s16;
	s2 =	sadd.s32 $0x400, s13;
	_ =	swait.ge [sflag:s18], $0x1000  }
0x4b: {  	s5 =	sadd.s32 $0x2000, s14;
	s0 =	simm.s32 $0x40;
	[sflag:s18] =	ssyncset.done $0x0  }
.LBB2_2:
0x4c: {  	s8 =	sadd.s32 s0, s17  }
0x4d: {  	[sflag:s18] =	ssyncadd.s32 $0xFFFFF000;
	s9 =	smov.u32 s6;
	s7 =	sadd.s32 $0x40, s6  }
0x4e: {  	[tilespmem:s19], [sflag:$0x5] =	stream.linear.gather [hbm4b:s8+s3], $0x100, $0x38;
	[tilespmem:$0x12200] =	vst v63  }
0x4f: {  	p0 =	sne.s32 s6, $0x480;
	_ =	swait.ge [sflag:s18], $0x100  }
0x50: {  	[sflag:s18] =	ssyncset.done $0x0  }
0x51: {  	[sflag:s18] =	ssyncadd.s32 $0xFFFFFF00  }
0x52: {  	[tilespmem:s22], [sflag:$0x3] =	stream.indirect.gather [hbm4b:s1+s19], $0x80, s19, s19, $0xb8;
	[tilespmem:$0x12200] =	vst v63  }
0x53: {  	_ = 	snop  }
0x54: {  	[tilespmem:s23], [sflag:$0x4] =	stream.indirect.gather [hbm4b:s4+s19], $0x10, s19, s19, $0xb8;
	[tilespmem:$0x12200] =	vst v63  }
0x55: {  	_ =	swait.ge [sflag:s24], $0x8000  }
0x56: {  	[sflag:s24] =	ssyncset.done $0x0  }
0x57: {  	[sflag:s24] =	ssyncadd.s32 $0xFFFF8000  }
0x58: {  	_ =	swait.ge [sflag:s25], $0x1000  }
0x59: {  	[sflag:s25] =	ssyncset.done $0x0  }
0x5a: {  	[sflag:s25] =	ssyncadd.s32 $0xFFFFF000  }
0x5b: {  	[hbm4b:s5+s3] =	stream.linear.scatter [tilespmem:s20], [sflag:$0x5], $0x8000, $0x38;
	[tilespmem:$0x12200] =	vst v63  }
0x5c: {  	_ =	swait.ge [sflag:s18], $0x8000  }
0x5d: {  	[sflag:s18] =	ssyncset.done $0x0  }
0x5e: {  	[sflag:s18] =	ssyncadd.s32 $0xFFFF8000  }
0x5f: {  	[hbm4b:s2+s3] =	stream.linear.scatter [tilespmem:s21], [sflag:$0x5], $0x1000, $0x38;
	[tilespmem:$0x12200] =	vst v63  }
0x60: {  	_ =	swait.ge [sflag:s18], $0x1000  }
0x61: {  	[sflag:s18] =	ssyncset.done $0x0  }
0x62: {  	s6 =	sadd.s32 s0, s12;
	s0 =	smov.u32 s9;
	[sflag:s18] =	ssyncadd.s32 $0xFFFFF000  }
0x63: {  	[tilespmem:s3], [sflag:$0x5] =	stream.linear.gather [hbm4b:s6+s3], $0x100, $0x38;
	[tilespmem:$0x12200] =	vst v63  }
0x64: {  	_ =	swait.ge [sflag:s18], $0x100  }
0x65: {  	[sflag:s18] =	ssyncset.done $0x0  }
0x66: {  	[sflag:s18] =	ssyncadd.s32 $0xFFFFFF00  }
0x67: {  	[tilespmem:s20], [sflag:$0x1] =	stream.indirect.gather [hbm4b:s1+s19], $0x80, s3, s19, $0xb8;
	[tilespmem:$0x12200] =	vst v63  }
0x68: {  	_ = 	snop  }
0x69: {  	[tilespmem:s21], [sflag:$0x2] =	stream.indirect.gather [hbm4b:s4+s19], $0x10, s3, s19, $0xb8;
	[tilespmem:$0x12200] =	vst v63  }
0x6a: {  	_ =	swait.ge [sflag:s26], $0x8000  }
0x6b: {  	[sflag:s26] =	ssyncset.done $0x0  }
0x6c: {  	[sflag:s26] =	ssyncadd.s32 $0xFFFF8000  }
0x6d: {  	_ =	swait.ge [sflag:s28], $0x1000  }
0x6e: {  	[sflag:s28] =	ssyncset.done $0x0  }
0x6f: {  	[sflag:s28] =	ssyncadd.s32 $0xFFFFF000  }
0x70: {  	[hbm4b:s31+s3] =	stream.linear.scatter [tilespmem:s22], [sflag:$0x5], $0x8000, $0x38;
	[tilespmem:$0x12200] =	vst v63  }
0x71: {  	_ =	swait.ge [sflag:s18], $0x8000  }
.Ltmp0:
0x72: {  	[sflag:s18] =	ssyncset.done $0x0;
	(pc) =	sbr.rel @p0 .LBB2_2-.Ltmp0, $4  }
0x73: {  	s5 =	sadd.s32 $0x2000, s5;
	[sflag:s18] =	ssyncadd.s32 $0xFFFF8000  }
0x74: {  	[hbm4b:s30+s3] =	stream.linear.scatter [tilespmem:s23], [sflag:$0x5], $0x1000, $0x38;
	[tilespmem:$0x12200] =	vst v63  }
0x75: {  	s31 =	sadd.s32 $0x2000, s31;
	s30 =	sadd.s32 $0x400, s30;
	_ =	swait.ge [sflag:s18], $0x1000  }
0x76: {  	s2 =	sadd.s32 $0x400, s2;
	s6 =	smov.u32 s7;
	[sflag:s18] =	ssyncset.done $0x0  }
0x77: {  	s6 =	sadd.s32 s0, s17;
	[sflag:s18] =	ssyncadd.s32 $0xFFFFF000  }
0x78: {  	[tilespmem:s19], [sflag:$0x5] =	stream.linear.gather [hbm4b:s6+s3], $0x100, $0x38;
	[tilespmem:$0x12200] =	vst v63  }
0x79: {  	_ =	swait.ge [sflag:s18], $0x100  }
0x7a: {  	[sflag:s18] =	ssyncset.done $0x0  }
0x7b: {  	[sflag:s18] =	ssyncadd.s32 $0xFFFFFF00  }
0x7c: {  	[tilespmem:s22], [sflag:$0x3] =	stream.indirect.gather [hbm4b:s1+s19], $0x80, s19, s19, $0xb8;
	[tilespmem:$0x12200] =	vst v63  }
0x7d: {  	_ = 	snop  }
0x7e: {  	[tilespmem:s23], [sflag:$0x4] =	stream.indirect.gather [hbm4b:s4+s19], $0x10, s19, s19, $0xb8;
	[tilespmem:$0x12200] =	vst v63  }
0x7f: {  	_ =	swait.ge [sflag:s24], $0x8000  }
0x80: {  	[sflag:s24] =	ssyncset.done $0x0  }
0x81: {  	[sflag:s24] =	ssyncadd.s32 $0xFFFF8000  }
0x82: {  	_ =	swait.ge [sflag:s25], $0x1000  }
0x83: {  	[sflag:s25] =	ssyncset.done $0x0  }
0x84: {  	[sflag:s25] =	ssyncadd.s32 $0xFFFFF000  }
0x85: {  	[hbm4b:s5+s3] =	stream.linear.scatter [tilespmem:s20], [sflag:$0x5], $0x8000, $0x38;
	[tilespmem:$0x12200] =	vst v63  }
0x86: {  	_ =	swait.ge [sflag:s18], $0x8000  }
0x87: {  	[sflag:s18] =	ssyncset.done $0x0  }
0x88: {  	[sflag:s18] =	ssyncadd.s32 $0xFFFF8000  }
0x89: {  	[hbm4b:s2+s3] =	stream.linear.scatter [tilespmem:s21], [sflag:$0x5], $0x1000, $0x38;
	[tilespmem:$0x12200] =	vst v63  }
0x8a: {  	_ =	swait.ge [sflag:s18], $0x1000  }
0x8b: {  	[sflag:s18] =	ssyncset.done $0x0  }
0x8c: {  	s7 =	sadd.s32 s0, s12;
	[sflag:s18] =	ssyncadd.s32 $0xFFFFF000  }
0x8d: {  	[tilespmem:s3], [sflag:$0x5] =	stream.linear.gather [hbm4b:s7+s3], $0x100, $0x38;
	[tilespmem:$0x12200] =	vst v63  }
0x8e: {  	_ =	swait.ge [sflag:s18], $0x100  }
0x8f: {  	[sflag:s18] =	ssyncset.done $0x0  }
0x90: {  	[sflag:s18] =	ssyncadd.s32 $0xFFFFFF00  }
0x91: {  	[tilespmem:s20], [sflag:$0x1] =	stream.indirect.gather [hbm4b:s1+s19], $0x80, s3, s19, $0xb8;
	[tilespmem:$0x12200] =	vst v63  }
0x92: {  	_ = 	snop  }
0x93: {  	[tilespmem:s21], [sflag:$0x2] =	stream.indirect.gather [hbm4b:s4+s19], $0x10, s3, s19, $0xb8;
	[tilespmem:$0x12200] =	vst v63  }
0x94: {  	_ =	swait.ge [sflag:s26], $0x8000  }
0x95: {  	[sflag:s26] =	ssyncset.done $0x0  }
0x96: {  	[sflag:s26] =	ssyncadd.s32 $0xFFFF8000  }
0x97: {  	_ =	swait.ge [sflag:s28], $0x1000  }
0x98: {  	[sflag:s28] =	ssyncset.done $0x0  }
0x99: {  	[sflag:s28] =	ssyncadd.s32 $0xFFFFF000  }
0x9a: {  	[hbm4b:s31+s3] =	stream.linear.scatter [tilespmem:s22], [sflag:$0x5], $0x8000, $0x38;
	[tilespmem:$0x12200] =	vst v63  }
0x9b: {  	_ =	swait.ge [sflag:s18], $0x8000  }
0x9c: {  	[sflag:s18] =	ssyncset.done $0x0  }
0x9d: {  	[sflag:s18] =	ssyncadd.s32 $0xFFFF8000  }
0x9e: {  	[hbm4b:s30+s3] =	stream.linear.scatter [tilespmem:s23], [sflag:$0x5], $0x1000, $0x38;
	[tilespmem:$0x12200] =	vst v63  }
0x9f: {  	_ =	swait.ge [sflag:s18], $0x1000  }
0xa0: {  	[sflag:s18] =	ssyncset.done $0x0  }
0xa1: {  	s8 =	rddreg [dreg:$0x5];
	[sflag:s18] =	ssyncadd.s32 $0xFFFFF000  }
0xa2: {  	[tilespmem:s19], [sflag:$0x5] =	stream.linear.gather [hbm4b:s8+s3], $0x100, $0x38;
	[tilespmem:$0x12200] =	vst v63  }
0xa3: {  	_ =	swait.ge [sflag:s18], $0x100  }
0xa4: {  	[sflag:s18] =	ssyncset.done $0x0  }
0xa5: {  	[sflag:s18] =	ssyncadd.s32 $0xFFFFFF00  }
0xa6: {  	[tilespmem:s22], [sflag:$0x3] =	stream.indirect.gather [hbm4b:s1+s19], $0x80, s19, s19, $0xb8;
	[tilespmem:$0x12200] =	vst v63  }
0xa7: {  	_ = 	snop  }
0xa8: {  	[tilespmem:s23], [sflag:$0x4] =	stream.indirect.gather [hbm4b:s4+s19], $0x10, s19, s19, $0xb8;
	[tilespmem:$0x12200] =	vst v63  }
0xa9: {  	_ =	swait.ge [sflag:s24], $0x8000  }
0xaa: {  	[sflag:s24] =	ssyncset.done $0x0  }
0xab: {  	[sflag:s24] =	ssyncadd.s32 $0xFFFF8000  }
0xac: {  	_ =	swait.ge [sflag:s25], $0x1000  }
0xad: {  	[sflag:s25] =	ssyncset.done $0x0  }
0xae: {  	s9 =	rddreg [dreg:$0x6];
	[sflag:s25] =	ssyncadd.s32 $0xFFFFF000  }
0xaf: {  	[hbm4b:s9+s3] =	stream.linear.scatter [tilespmem:s20], [sflag:$0x5], $0x8000, $0x38;
	[tilespmem:$0x12200] =	vst v63  }
0xb0: {  	_ =	swait.ge [sflag:s18], $0x8000  }
0xb1: {  	[sflag:s18] =	ssyncset.done $0x0  }
0xb2: {  	s30 =	rddreg [dreg:$0x7];
	[sflag:s18] =	ssyncadd.s32 $0xFFFF8000  }
0xb3: {  	[hbm4b:s30+s3] =	stream.linear.scatter [tilespmem:s21], [sflag:$0x5], $0x1000, $0x38;
	[tilespmem:$0x12200] =	vst v63  }
0xb4: {  	_ =	swait.ge [sflag:s18], $0x1000  }
0xb5: {  	[sflag:s18] =	ssyncset.done $0x0  }
0xb6: {  	[sflag:s18] =	ssyncadd.s32 $0xFFFFF000  }
0xb7: {  	_ =	swait.ge [sflag:s26], $0x8000  }
0xb8: {  	[sflag:s26] =	ssyncset.done $0x0  }
0xb9: {  	[sflag:s26] =	ssyncadd.s32 $0xFFFF8000  }
0xba: {  	_ =	swait.ge [sflag:s28], $0x1000  }
0xbb: {  	[sflag:s28] =	ssyncset.done $0x0  }
0xbc: {  	s31 =	rddreg [dreg:$0x8];
	[sflag:s28] =	ssyncadd.s32 $0xFFFFF000  }
0xbd: {  	[hbm4b:s31+s3] =	stream.linear.scatter [tilespmem:s22], [sflag:$0x5], $0x8000, $0x38;
	[tilespmem:$0x12200] =	vst v63  }
0xbe: {  	s29 =	sadd.s32 $0x1, s29;
	_ =	swait.ge [sflag:s18], $0x8000  }
0xbf: {  	p0 =	sne.s32 s29, s11;
	[sflag:s18] =	ssyncset.done $0x0  }
.Ltmp1:
0xc0: {  	[sflag:s18] =	ssyncadd.s32 $0xFFFF8000;
	(pc) =	sbr.rel @p0 .LBB2_1-.Ltmp1, $4  }
0xc1: {  	[hbm4b:s10+s3] =	stream.linear.scatter [tilespmem:s23], [sflag:$0x5], $0x1000, $0x38;
	[tilespmem:$0x12200] =	vst v63  }
0xc2: {  	_ =	swait.ge [sflag:s18], $0x1000  }
0xc3: {  	[sflag:s18] =	ssyncset.done $0x0  }
0xc4: {  	[sflag:s18] =	ssyncadd.s32 $0xFFFFF000  }
0xc5: {  	_ =	sfence.sel $0x180000  }
0xc6: {  	[bflag:$0x0] =	sbarrier.arrive $0xFFFF  }
0xc7: {  	_ =	strace $0x90000047  }
0xc8: {  	s0 =	stileid.u32;
	[bflag:$0x2] =	sbarrier.arrive $0xFFFF  }
0xc9: {  	p0 =	sne.s32 s0, $0x0;
	s0 =	rddreg [dreg:$0x3]  }
0xca: {  	s0 =	sadd.s32 @!p0 $0x100000, s0  }
0xcb: {  	[sflag:s0] =	ssyncadd.tile.s32 @!p0 $0x1;
	_ =	shalt  }
.Lfunc_end2:
_tile_overlayer_lowered:
.L_overlay_start_2:
0xcc: {  	(tag) =	ssettag $0x2  }
0xcd: {  	s0 =	rddreg [dreg:$0x0];
	s2 =	stileid.u32  }
0xce: {  	s1 =	rddreg [dreg:$0x1];
	p0 =	sne.s32 s2, $0x0  }
0xcf: {  	s3 =	rddreg [dreg:$0x2];
	[bflag:$0x3] =	sbarrier.arrive $0xFFFF;
	s2 =	simm.s32 @!p0 $0x1C05  }
0xd0: {  	[timem:s3], [sflag:s2] =	dma.local @!p0 [hbm:s0], s1  }
0xd1: {  	s0 =	simm.s32 @!p0 $0x5  }
0xd2: {  	_ =	swait.ge @!p0 [sflag:s0], s1  }
0xd3: {  	s1 =	ssub.s32 @!p0 $0x0, s1;
	[sflag:s0] =	ssyncset.done @!p0 $0x0  }
0xd4: {  	[sflag:s0] =	ssyncadd.s32 @!p0 s1  }
0xd5: {  	[bflag:$0x3] =	sbarrier.arrive $0xFFFF  }
0xd6: {  	_ =	shalt  }

// kernel: sparse-core-data-format-call.cloned.1.call-start
scs
called_computation_lowered:
.L_overlay_start_0:
0x0: {  	s1 =	sld [smem:$0x3FD9]  }
0x1: {  	s2 =	sld [smem:$0x3FFE];
	_ =	sdelay $0x1  }
0x2: {  	s3 =	srdreg.scid  }
0x3: {  	s0 =	sand.u32 $0x1, s3  }
0x4: {  	s17 =	sshll.u32 s0, $0xA;
	s1 =	sadd.s32 s2, s1  }
0x5: {  	s1 =	sadd.s32 s1, s17  }
0x6: {  	[smem:$0x3FC2] =	sst s1  }
0x7: {  	_ = 	snop  }
0x8: {  	(tm) =	ssettm $0x1  }
0x9: {  	s18 =	sld [smem:$0x3FFB];
	_ =	sdelay $0x3  }
0xa: {  	_ =	strace s18  }
0xb: {  	s1 =	sld [smem:$0x3FFC];
	_ =	sdelay $0x3  }
0xc: {  	_ =	strace s1  }
0xd: {  	s1 =	sld [smem:$0x3FFD];
	_ =	sdelay $0x3  }
0xe: {  	_ =	strace s1  }
0xf: {  	_ =	strace $0x8FFFFFFF  }
0x10: {  	s19 =	sld [smem:$0x3FDB];
	_ =	sdelay $0x1  }
0x11: {  	s20 =	simm.s32 $_scs_section_size  }
0x12: {  	s4 =	simm.s32 $_size__tile_overlayer_lowered;
	s5 =	simm.s32 $_tile_overlayer_lowered  }
0x13: {  	s23 =	simm.s32 $0x1BFF;
	s22 =	sshll.u32 s5, $0x1;
	s1 =	sadd.s32 s20, s19  }
0x14: {  	s6 =	simm.s32 $0x0;
	s21 =	sshll.u32 s4, $0x1;
	s4 =	sadd.s32 s22, s1  }
0x15: {  	[timem:s6], [sflag:s23] =	dma.local [hbm:s4], s21  }
0x16: {  	_ =	swait.ge [sflag:s23], s21  }
0x17: {  	s2 =	ssub.s32 $0x0, s21;
	[sflag:s23] =	ssyncset.done $0x0  }
0x18: {  	[sflag:s23] =	ssyncadd.s32 s2;
	_ =	sdelay $0x1  }
0x19: {  	s24 =	simm.s32 $0x1B8B  }
0x1a: {  	_ =	swait.ge [sflag:s24], $0x1  }
0x1b: {  	[sflag:s24] =	ssyncset.done $0x0  }
0x1c: {  	s26 =	simm.s32 $0x1B8E;
	s25 =	sld [smem:$0x3FFE];
	[sflag:s24] =	ssyncadd.s32 $0xFFFFFFFF  }
0x1d: {  	s27 =	simm.s32 $execute0_lowered;
	[smem:$0x3FD2] =	sst s26  }
0x1e: {  	s4 =	sshll.u32 s27, $0x1;
	_ =	strace $0x80000049;
	[dreg:$0x1] =	wrdreg $0xFFFFFFFF  }
0x1f: {  	s28 =	simm.s32 $_size_execute0_lowered;
	s1 =	sadd.s32 s1, s4;
	[dreg:$0x0] =	wrdreg $0x0  }
0x20: {  	s4 =	sshll.u32 s28, $0x1;
	[dreg:$0x2] =	wrdreg s1  }
0x21: {  	[dreg:$0x3] =	wrdreg s4  }
0x22: {  	[dreg:$0x4] =	wrdreg $0xC0  }
0x23: {  	_ =	task [dreg:s6], $0x5FFFF  }
0x24: {  	[dreg:$0x1] =	wrdreg $0xFFFFFFFF  }
0x25: {  	[dreg:$0x0] =	wrdreg $0x60  }
0x26: {  	[dreg:$0x2] =	wrdreg s25  }
0x27: {  	[dreg:$0x3] =	wrdreg $0x9  }
0x28: {  	_ =	task.clear_ibuf [dreg:s6], $0x4FFFF;
	_ =	strace $0x90000049  }
0x29: {  	s29 =	simm.s32 $0x9;
	_ =	strace $0x8000004B  }
0x2a: {  	_ =	swait.ge [sflag:s29], $0x1  }
0x2b: {  	[sflag:s29] =	ssyncadd.s32 $0xFFFFFFFF  }
0x2c: {  	_ =	strace $0x9000004B  }
0x2d: {  	_ =	sfence  }
0x2e: {  	s30 =	sld [smem:$0x0];
	_ =	sdelay $0x2  }
0x2f: {  	s31 =	sshll.u32 s3, $0xD;
	s3 =	sshrl.u32 s3, $0x2  }
0x30: {  	s2 =	sand.u32 $0x4000, s31;
	s1 =	sadd.s32 s3, s30  }
0x31: {  	s0 =	sor.u32 s2, s0;
	s1 =	sshll.u32 s1, $0x11  }
0x32: {  	s0 =	sor.u32 s1, s0  }
0x33: {  	s0 =	sadd.s32 $0x8F2B, s0  }
0x34: {  	[sflag:s0] =	ssyncadd.remote.s32 $0x1  }
0x35: {  	_ =	sfence.sel $0xFFFF  }
0x36: {  	[dreg:$0x0] =	wrdreg $0xFFFFFFFF;
	(pc) =	sbr.abs _section_cstart, $3  }
0x37: {  	[dreg:$0x1] =	wrdreg $0xFFFFFFFF  }
0x38: {  	_ =	task.clear_ibuf [dreg:s6], $0x2FFFF;
	_ =	strace $0x9FFFFFFF  }
0x39: {  	(tm) =	ssettm $0x7FFFFFFF  }
tec
execute0_lowered:
.L_overlay_start_1:
0x0: {  	(tag) =	ssettag $0x1  }
0x1: {  	s4 =	rddreg [dreg:$0x0]  }
0x2: {  	s0 =	rddreg [dreg:$0x1];
	_ =	strace $0x8000004A;
	s3 =	srdreg.scid  }
0x3: {  	s1 =	stileid.u32;
	s6 =	simm.s32 $0x2;
	s11 =	simm.s32 $0x0  }
.Ltmp0:
0x4: {  	p0 =	por $0x0, $0x0;
	s10 =	simm.s32 $0x0;
	(pc) =	sbr.rel .LBB1_1-.Ltmp0, $4  }
0x5: {  	s8 =	simm.s32 $0x0;
	s7 =	simm.s32 $0x0;
	s5 =	sshll.u32 s3, $0x4  }
0x6: {  	s2 =	sadd.s32 $0xA6C00, s4;
	s3 =	simm.s32 $0x1;
	s5 =	sand.u32 $0x10, s5  }
0x7: {  	s4 =	sadd.s32 $0x5AFA00, s4;
	[sflag:s3] =	ssyncpa.u1 $0x0;
	s5 =	sor.u32 s1, s5  }
0x8: {  	[sflag:s6] =	ssyncpa.u1 $0x0;
	s6 =	simm.s32 $0x14000;
	s9 =	smov.u32 s5  }
.LBB1_5:
0x9: {  	s12 =	sadd.s32 $0x80, s8  }
0xa: {  	s10 =	sadd.s32 $0x20, s9;
	s14 =	smov.u32 s9;
	p2 =	sgt.s32 s12, $0x27FF  }
0xb: {  	p1 =	slt.u32 s7, $0x2;
	s14 =	smov.u32 @p2 s10  }
0xc: {  	s7 =	sadd.s32 $0x1, s7;
	s12 =	simm.s32 @p2 $0x0;
	p2 =	sgt.s32 s14, $0x1F  }
0xd: {  	s14 =	smov.u32 @p2 s5;
	p2 =	sne.s32 s7, $0x52  }
.Ltmp1:
0xe: {  	_ = 	snop;
	(pc) =	sbr.rel @!p2 .LBB1_6-.Ltmp1, $4  }
0xf: {  	s13 =	simm.s32 @!p1 $0x2  }
0x10: {  	s11 =	smov.u32 s8;
	_ =	swait.ge @!p1 [sflag:s13], $0x4000  }
0x11: {  	p0 =	por !p0, !p0;
	s10 =	smov.u32 s9;
	[sflag:s13] =	ssyncset.done @!p1 $0x0  }
0x12: {  	s8 =	smov.u32 s12;
	[sflag:s13] =	ssyncadd.s32 @!p1 $0xFFFFC000;
	s9 =	smov.u32 s14  }
.LBB1_1:
0x13: {  	p1 =	sgt.u32 s7, $0x4F  }
0x14: {  	s12 =	sand.u32 @!p1 $0x1FFFFFF, s8  }
0x15: {  	s13 =	smulhi.u32 @!p1 $0xCCCCCD, s12;
	_ =	sdelay $0x1  }
0x16: {  	s13 =	sshrl.u32 @!p1 s13, $0x5  }
0x17: {  	s13 =	smul.u32 @!p1 $0x2800, s13  }
0x18: {  	s14 =	smul.u32 @!p1 $0x28000, s9  }
0x19: {  	s12 =	ssub.s32 @!p1 s12, s13;
	s13 =	sxor.u32 @!p1 $0xFFFFFFFF, s7  }
0x1a: {  	s14 =	sadd.s32 @!p1 s2, s14;
	s13 =	sshll.u32 @!p1 s13, $0xE;
	s12 =	sshll.u32 @!p1 s12, $0x4  }
0x1b: {  	s13 =	sand.u32 @!p1 $0x4000, s13;
	s12 =	sadd.s32 @!p1 s12, s14;
	s14 =	simm.s32 @!p1 $0x0  }
0x1c: {  	[tilespmem:s13], [sflag:$0x1] =	stream.linear.gather @!p1 [hbm4b:s12+s14], $0x4000, $0x38;
	[tilespmem:$0x10100] =	vst v63  }
0x1d: {  	p1 =	seq.s32 s7, $0x0  }
0x1e: {  	p2 =	seq.s32 @!p1 s7, $0x51  }
0x1f: {  	p1 =	por p1, p2  }
.Ltmp2:
0x20: {  	_ = 	snop;
	(pc) =	sbr.rel @p1 .LBB1_5-.Ltmp2, $1  }
0x21: {  	_ =	sdelay $0x3  }
0x22: {  	s12 =	simm.s32 $0x1  }
0x23: {  	_ =	swait.ge [sflag:s3], $0x4000;
	s12 =	simm.s32 @!p0 $0x0  }
0x24: {  	[sflag:s3] =	ssyncset.done $0x0;
	s13 =	sshll.u32 s12, $0xE  }
0x25: {  	[sflag:s3] =	ssyncadd.s32 $0xFFFFC000;
	s15 =	sor.u32 $0x40, s13  }
0x26: {  	s12 =	smul.u32 $0x10200, s12;
	v0 =	vld [tilespmem:s15+$0x30]  }
0x27: {  	v1 =	vld [tilespmem:s15+$0xFFFFFFD0]  }
0x28: {  	s12 =	sshrl.u32 s12, $0x2;
	v5 =	vld [tilespmem:s15+$0xFFFFFFE0]  }
0x29: {  	v6 =	vld [tilespmem:s15+$0xFFFFFFF0];
	s13 =	sor.u32 $0x8000, s12  }
0x2a: {  	s31 =	sand.u32 $0x1, s7;
	v3 =	vld [tilespmem:s15+$0x0];
	s14 =	sadd.s32 $0x0, s13  }
0x2b: {  	v4 =	vld [tilespmem:s15+$0x10];
	s12 =	smul.u32 $0x10200, s31;
	[tilespmem:s14+$0x3870 ss:$0x81] =	vst.msk $0xffff, v0  }
0x2c: {  	v2 =	vld [tilespmem:s15+$0x20];
	[tilespmem:s14+$0x810 ss:$0x81] =	vst.msk $0xffff, v1  }
0x2d: {  	s12 =	sshrl.u32 s12, $0x2;
	v0 =	vld [tilespmem:s15+$0xFFFFFFC0];
	[tilespmem:s14+$0x1020 ss:$0x81] =	vst.msk $0xffff, v5;
	s15 =	sadd.s32 $0x80, s15  }
0x2e: {  	s16 =	simm.s32 $0x4;
	s17 =	simm.s32 $0x8;
	s12 =	sor.u32 $0x8000, s12;
	[tilespmem:s14+$0x1830 ss:$0x81] =	vst.msk $0xffff, v6;
	v1 =	vld [tilespmem:s15+$0x30]  }
.LBB1_3:
0x2f: {  	p1 =	sne.s32 s17, $0x1FC;
	v5 =	vld [tilespmem:s15+$0xFFFFFFD0];
	[tilespmem:s14+$0x2040 ss:$0x81] =	vst.msk $0xffff, v3  }
0x30: {  	v6 =	vld [tilespmem:s15+$0xFFFFFFE0];
	[tilespmem:s14+$0x2850 ss:$0x81] =	vst.msk $0xffff, v4  }
0x31: {  	s18 =	sshra.s32 s16, $0x2;
	s16 =	smov.u32 s17;
	v7 =	vld [tilespmem:s15+$0xFFFFFFF0];
	[tilespmem:s14+$0x3060 ss:$0x81] =	vst.msk $0xffff, v2  }
.Ltmp3:
0x32: {  	v3 =	vld [tilespmem:s15+$0x0];
	[tilespmem:s14+$0x0 ss:$0x81] =	vst.msk $0xffff, v0;
	s14 =	sadd.s32 s18, s13;
	(pc) =	sbr.rel @p1 .LBB1_3-.Ltmp3, $4  }
0x33: {  	v4 =	vld [tilespmem:s15+$0x10];
	[tilespmem:s14+$0x3870 ss:$0x81] =	vst.msk $0xffff, v1  }
0x34: {  	[tilespmem:s14+$0x810 ss:$0x81] =	vst.msk $0xffff, v5;
	v2 =	vld [tilespmem:s15+$0x20]  }
0x35: {  	v0 =	vld [tilespmem:s15+$0xFFFFFFC0];
	[tilespmem:s14+$0x1020 ss:$0x81] =	vst.msk $0xffff, v6;
	s15 =	sadd.s32 $0x80, s15  }
0x36: {  	s17 =	sadd.s32 $0x4, s17;
	v1 =	vld [tilespmem:s15+$0x30];
	[tilespmem:s14+$0x1830 ss:$0x81] =	vst.msk $0xffff, v7  }
0x37: {  	v5 =	vld [tilespmem:s15+$0xFFFFFFD0];
	[tilespmem:s14+$0x2040 ss:$0x81] =	vst.msk $0xffff, v3;
	s17 =	sshll.u32 s11, $0x3  }
0x38: {  	v58 =	vld [tilespmem:s15+$0xFFFFFFE0];
	s24 =	sand.u32 $0x7F, s11;
	[tilespmem:s14+$0x2850 ss:$0x81] =	vst.msk $0xffff, v4;
	s18 =	sand.u32 $0xFFFFFC00, s17  }
0x39: {  	s16 =	sshra.s32 s16, $0x2;
	v59 =	vld [tilespmem:s15+$0xFFFFFFF0];
	s26 =	smulhi.u32 $0xCCCCCCCD, s17;
	s11 =	sor.u32 s24, s18;
	[tilespmem:s14+$0x3060 ss:$0x81] =	vst.msk $0xffff, v2  }
0x3a: {  	v60 =	vld [tilespmem:s15+$0x0];
	s13 =	sadd.s32 s16, s13;
	[tilespmem:s14+$0x0 ss:$0x81] =	vst.msk $0xffff, v0;
	s25 =	smulhi.u32 $0xCCCCCCCD, s11  }
0x3b: {  	v61 =	vld [tilespmem:s15+$0x10];
	[tilespmem:s13+$0x3870 ss:$0x81] =	vst.msk $0xffff, v1  }
0x3c: {  	v62 =	vld [tilespmem:s15+$0x20];
	s10 =	smul.u32 $0x28000, s10;
	s27 =	sshrl.u32 s26, $0xD;
	[tilespmem:s13+$0x810 ss:$0x81] =	vst.msk $0xffff, v5;
	s14 =	sshrl.u32 s25, $0xD  }
0x3d: {  	v63 =	vld [tilespmem:s15+$0xFFFFFFC0];
	s15 =	sand.u32 $0x7F, s27;
	[tilespmem:s13+$0x1020 ss:$0x81] =	vst.msk $0xffff, v58;
	s14 =	smul.u32 $0x2800, s14  }
0x3e: {  	[tilespmem:s13+$0x1830 ss:$0x81] =	vst.msk $0xffff, v59;
	s28 =	smul.u32 $0x500, s15  }
.Ltmp4:
0x3f: {  	[tilespmem:s13+$0x2040 ss:$0x81] =	vst.msk $0xffff, v60;
	s11 =	ssub.s32 s11, s14;
	(pc) =	sbr.rel .LBB1_5-.Ltmp4, $4  }
0x40: {  	s10 =	sadd.s32 s4, s10;
	[tilespmem:s13+$0x2850 ss:$0x81] =	vst.msk $0xffff, v61;
	s29 =	sand.u32 $0x7, s11  }
0x41: {  	[tilespmem:s13+$0x3060 ss:$0x81] =	vst.msk $0xffff, v62;
	s10 =	sadd.s32 s28, s10;
	s11 =	sshrl.u32 s11, $0x3;
	s30 =	sshll.u32 s29, $0x12  }
0x42: {  	[tilespmem:s13+$0x0 ss:$0x81] =	vst.msk $0xffff, v63;
	s10 =	sadd.s32 s11, s10;
	s31 =	sor.u32 $0x400, s30  }
0x43: {  	[hbm4b:s10+s31] =	stream.strided.scatter [tilespmem:s12], [sflag:$0x2], $0x4000, s6, s31, $0x20;
	[tilespmem:$0x10100] =	vst v63  }
.LBB1_6:
0x44: {  	_ =	sfence.sel $0x180000  }
0x45: {  	s2 =	simm.s32 $0x1;
	[bflag:$0x0] =	sbarrier.arrive $0xFFFF  }
0x46: {  	s31 =	simm.s32 $0x2;
	[sflag:s2] =	ssyncpa.u1 $0x1  }
0x47: {  	[sflag:s31] =	ssyncpa.u1 $0x1  }
0x48: {  	p0 =	sne.s32 s1, $0x0;
	_ =	strace $0x9000004A  }
0x49: {  	s0 =	sadd.s32 @!p0 $0x100000, s0;
	[bflag:$0x2] =	sbarrier.arrive $0xFFFF  }
0x4a: {  	[sflag:s0] =	ssyncadd.tile.s32 @!p0 $0x1;
	_ =	shalt  }
.Lfunc_end1:
_tile_overlayer_lowered:
.L_overlay_start_2:
0x4b: {  	(tag) =	ssettag $0x2  }
0x4c: {  	s0 =	rddreg [dreg:$0x0];
	s2 =	stileid.u32  }
0x4d: {  	s1 =	rddreg [dreg:$0x1];
	p0 =	sne.s32 s2, $0x0  }
0x4e: {  	s3 =	rddreg [dreg:$0x2];
	[bflag:$0x3] =	sbarrier.arrive $0xFFFF;
	s2 =	simm.s32 @!p0 $0x1C01  }
0x4f: {  	[timem:s3], [sflag:s2] =	dma.local @!p0 [hbm:s0], s1  }
0x50: {  	s0 =	simm.s32 @!p0 $0x1  }
0x51: {  	_ =	swait.ge @!p0 [sflag:s0], s1  }
0x52: {  	s1 =	ssub.s32 @!p0 $0x0, s1;
	[sflag:s0] =	ssyncset.done @!p0 $0x0  }
0x53: {  	[sflag:s0] =	ssyncadd.s32 @!p0 s1  }
0x54: {  	[bflag:$0x3] =	sbarrier.arrive $0xFFFF  }
0x55: {  	_ =	shalt  }

</sc_bundles>
